<compile_context>
chip_gen: v7x
topology: tpu7x:2x2x1
jax: 0.10.2.dev20260603
libtpu: 0.0.44.dev20260713+nightly
codegen_flags: <defaults>
</compile_context>

<pallas_src>
import functools

import jax
import jax.numpy as jnp
from jax import lax
from jax.experimental import pallas as pl
from jax.experimental.pallas import tpu as pltpu
from jax.experimental.pallas import tpu_sc as plsc

N = 10000
E = 320000
F = 16
NC, NS = 2, 16
NW = NC * NS
BLK = 128
BPW = 80
PE = NW * BPW * BLK
ACC_ROWS = 10112
RPS = ACC_ROWS // NS
K = 8

_mesh = plsc.VectorSubcoreMesh(core_axis_name="c", subcore_axis_name="s")


def _edge_pass_body(gather, ht_hbm, row2d_hbm, col2d_hbm, out_hbm,
                    rows_v, cols_v, msg_v, zbuf_v, acc, gsem, ssem):
    cid = lax.axis_index("c")
    sid = lax.axis_index("s")
    wid = sid * NC + cid

    def _z(i, _):
        zbuf_v[i] = jnp.zeros((F,), jnp.float32)
        return 0
    lax.fori_loop(0, RPS, _z, 0)
    pltpu.sync_copy(zbuf_v, acc.at[pl.ds(sid * RPS, RPS)])
    plsc.subcore_barrier()

    base = wid * BPW
    pltpu.sync_copy(col2d_hbm.at[pl.ds(base, BPW)], cols_v)
    if gather:
        pltpu.sync_copy(row2d_hbm.at[pl.ds(base, BPW)], rows_v)
    else:
        def _o(i, _):
            msg_v[0, i] = jnp.ones((F,), jnp.float32)
            return 0
        lax.fori_loop(0, BLK, _o, 0)

    def _grp(g, _):
        j0 = g * K
        if gather:
            cps = [pltpu.async_copy(ht_hbm.at[rows_v.at[j0 + k]],
                                    msg_v.at[k], gsem)
                   for k in range(K)]
            for cp in cps:
                cp.wait()
            scs = [pltpu.async_copy(msg_v.at[k], acc.at[cols_v.at[j0 + k]],
                                    ssem, add=True)
                   for k in range(K)]
        else:
            scs = [pltpu.async_copy(msg_v.at[0], acc.at[cols_v.at[j0 + k]],
                                    ssem, add=True)
                   for k in range(K)]
        for cp in scs:
            cp.wait()
        return 0

    lax.fori_loop(0, BPW // K, _grp, 0)
    plsc.subcore_barrier()

    pltpu.sync_copy(acc.at[pl.ds(sid * RPS, RPS)], zbuf_v)
    pltpu.sync_copy(zbuf_v, out_hbm.at[cid].at[pl.ds(sid * RPS, RPS)])


def _make_edge_pass(gather):
    body = functools.partial(_edge_pass_body, gather)
    return pl.kernel(
        body,
        out_type=jax.ShapeDtypeStruct((NC, ACC_ROWS, F), jnp.float32),
        mesh=_mesh,
        scratch_types=[
            pltpu.VMEM((BPW, BLK), jnp.int32),
            pltpu.VMEM((BPW, BLK), jnp.int32),
            pltpu.VMEM((K, BLK, F), jnp.float32),
            pltpu.VMEM((RPS, F), jnp.float32),
            pltpu.VMEM_SHARED((ACC_ROWS, F), jnp.float32),
            pltpu.SemaphoreType.DMA,
            pltpu.SemaphoreType.DMA,
        ],
        compiler_params=pltpu.CompilerParams(use_tc_tiling_on_sc=False),
    )


_deg_pass = _make_edge_pass(False)
_msg_pass = _make_edge_pass(True)


def _tc1(x_ref, w_ref, p0_ref, p1_ref, dinv_ref, ht_ref):
    deg = p0_ref[...] + p1_ref[...] + 1.0
    dinv = lax.rsqrt(deg)
    dinv_ref[...] = dinv
    ht_ref[...] = dinv * jnp.dot(x_ref[...], w_ref[...],
                                 preferred_element_type=jnp.float32)


def _tc2(p0_ref, p1_ref, ht_ref, dinv_ref, w_ref, b_ref, out_ref):
    z = dinv_ref[...] * (p0_ref[...] + p1_ref[...] + ht_ref[...]) + b_ref[...]
    h = jnp.maximum(z, 0.0)
    out_ref[...] = dinv_ref[...] * jnp.dot(h, w_ref[...],
                                           preferred_element_type=jnp.float32)


def _tc3(p0_ref, p1_ref, ht_ref, dinv_ref, b_ref, out_ref):
    out_ref[...] = (dinv_ref[...] * (p0_ref[...] + p1_ref[...] + ht_ref[...])
                    + b_ref[...])


_f32 = jnp.float32
_nf = jax.ShapeDtypeStruct((N, F), _f32)


def kernel(x, edge_index, W1, b1, W2, b2):
    ei = edge_index.astype(jnp.int32)
    pad_r = jnp.zeros((PE - E,), jnp.int32)
    pad_c = jnp.full((PE - E,), N, jnp.int32)
    row2d = jnp.concatenate([ei[0], pad_r]).reshape(PE // BLK, BLK)
    col2d = jnp.concatenate([ei[1], pad_c]).reshape(PE // BLK, BLK)
    dummy = jnp.zeros((1, F), _f32)

    degp = _deg_pass(dummy, row2d, col2d)
    d0, d1 = degp[0, :N], degp[1, :N]
    dinv, ht1 = pl.pallas_call(
        _tc1, out_shape=(_nf, _nf))(x, W1, d0, d1)

    a1 = _msg_pass(ht1, row2d, col2d)
    ht2 = pl.pallas_call(_tc2, out_shape=_nf)(
        a1[0, :N], a1[1, :N], ht1, dinv, W2, b1.reshape(1, F))

    a2 = _msg_pass(ht2, row2d, col2d)
    out = pl.pallas_call(_tc3, out_shape=_nf)(
        a2[0, :N], a2[1, :N], ht2, dinv, b2.reshape(1, F))
    return out

# --- scband reference (transcript-rebuilt; emitter-appended) ---
"""Pipeline reference for scband-gcn-58540404244885 (READ-ONLY COPY).

The authoritative reference and input builder live on the scoring server;
editing this copy changes nothing except your own understanding.
"""

import jax, jax.numpy as jnp
import numpy as np

N_NODES = 10000
N_EDGES = 320000
D_FEAT = 128
HIDDEN = 16
N_CLASSES = 16


def setup_inputs(seed: int = 0) -> dict:
    key = jax.random.key(seed)
    ks = jax.random.split(key, 6)
    x = jax.random.normal(ks[0], (N_NODES, D_FEAT), dtype=jnp.float32)
    edge_index = jax.random.randint(ks[1], (2, N_EDGES), 0, N_NODES)
    W1 = jax.random.normal(ks[2], (D_FEAT, HIDDEN), dtype=jnp.float32) * (1.0 / np.sqrt(D_FEAT))
    b1 = jnp.zeros((HIDDEN,), dtype=jnp.float32)
    W2 = jax.random.normal(ks[3], (HIDDEN, N_CLASSES), dtype=jnp.float32) * (1.0 / np.sqrt(HIDDEN))
    b2 = jnp.zeros((N_CLASSES,), dtype=jnp.float32)
    return {"x": x, "edge_index": edge_index, "W1": W1, "b1": b1, "W2": W2, "b2": b2}


def _gcn_norm(edge_index, num_nodes):
    # add self loops, then symmetric normalization (PyG gcn_norm, flow source_to_target)
    loop = jnp.arange(num_nodes, dtype=edge_index.dtype)
    row = jnp.concatenate([edge_index[0], loop])
    col = jnp.concatenate([edge_index[1], loop])
    w = jnp.ones((row.shape[0],), dtype=jnp.float32)
    deg = jax.ops.segment_sum(w, col, num_segments=num_nodes)
    deg_inv_sqrt = jnp.where(deg > 0, jax.lax.rsqrt(jnp.maximum(deg, 1e-12)), 0.0)
    norm = deg_inv_sqrt[row] * w * deg_inv_sqrt[col]
    return row, col, norm


def _gcn_conv(x, W, b, row, col, norm, num_nodes):
    h = x @ W
    msg = norm[:, None] * jnp.take(h, row, axis=0)
    out = jax.ops.segment_sum(msg, col, num_segments=num_nodes)
    return out + b


def reference(x, edge_index, W1, b1, W2, b2):
    num_nodes = x.shape[0]
    row, col, norm = _gcn_norm(edge_index, num_nodes)
    h = jax.nn.relu(_gcn_conv(x, W1, b1, row, col, norm, num_nodes))
    # F.dropout(training=False) is identity in eval mode
    out = _gcn_conv(h, W2, b2, row, col, norm, num_nodes)
    return out

if __name__ == "__main__":
    import jax
    _d = setup_inputs()
    print(jax.jit(kernel)(*tuple(_d.values())))

</pallas_src>

<mosaic_0001>
#map = affine_map<(d0, d1) -> (0, 0)>
#map1 = affine_map<(d0, d1) -> (0, 0, 0)>
module attributes {stable_mosaic.version = 14 : i64} {
  func.func @_edge_pass_body(%arg0: i32, %arg1: i32, %arg2: memref<10000x16xf32, #tpu.memory_space<hbm>>, %arg3: memref<2560x128xi32, #tpu.memory_space<hbm>>, %arg4: memref<2560x128xi32, #tpu.memory_space<hbm>>, %arg5: memref<2x10112x16xf32, #tpu.memory_space<hbm>>, %arg6: memref<80x128xi32, #tpu.memory_space<vmem>>, %arg7: memref<80x128xi32, #tpu.memory_space<vmem>>, %arg8: memref<8x128x16xf32, #tpu.memory_space<vmem>>, %arg9: memref<632x16xf32, #tpu.memory_space<vmem>>, %arg10: memref<10112x16xf32, #tpu.memory_space<vmem_shared>>, %arg11: memref<!tpu.dma_semaphore, #tpu.memory_space<semaphore_mem>>, %arg12: memref<!tpu.dma_semaphore, #tpu.memory_space<semaphore_mem>>) attributes {dimension_semantics = [#tpu.dimension_semantics<core_parallel>, #tpu.dimension_semantics<subcore_parallel>], iteration_bounds = array<i64: 2, 16>, scalar_prefetch = 0 : i64, scratch_operands = 7 : i64, tpu.core_type = #tpu.core_type<sc_vector_subcore>, window_params = [{transform_indices = #map}, {transform_indices = #map}, {transform_indices = #map}, {transform_indices = #map1}]} {
    %mul3A = arith.constant 2 : i32
    %mul3A_0 = arith.muli %arg1, %mul3A : i32
    %add3A = arith.addi %mul3A_0, %arg0 : i32
    %scan3A = arith.constant 0 : i32
    %scan3A_1 = arith.constant 0 : i32
    %scan3A_2 = arith.constant 632 : i32
    %scan3A_3 = arith.addi %scan3A_1, %scan3A_2 : i32
    %scan3A_4 = arith.constant 1 : i32
    %scan3A_5 = scf.for %scan3A_23 = %scan3A_1 to %scan3A_3 step %scan3A_4 iter_args(%scan3A_24 = %scan3A) -> (i32)  : i32 {
      %broadcast_in_dim3A = arith.constant 0.000000e+00 : f32
      %broadcast_in_dim3A_25 = vector.broadcast %broadcast_in_dim3A : f32 to vector<16xf32>
      %swap3A = arith.index_cast %scan3A_23 : i32 to index
      %swap3A_26 = arith.constant 0 : index
      %swap3A_27 = tpu.vector_load %arg9[%swap3A, %swap3A_26] {strides = array<i32>} : memref<632x16xf32, #tpu.memory_space<vmem>>, vector<1x16xf32>,
      %swap3A_28 = vector.shape_cast %swap3A_27 : vector<1x16xf32> to vector<16xf32>
      %swap3A_29 = vector.shape_cast %broadcast_in_dim3A_25 : vector<16xf32> to vector<1x16xf32>
      tpu.vector_store %arg9[%swap3A, %swap3A_26], %swap3A_29 {strides = array<i32>} : memref<632x16xf32, #tpu.memory_space<vmem>>, vector<1x16xf32>,
      %scan3A_30 = arith.constant 0 : i32
      scf.yield %scan3A_30 : i32
    }
    %scan3A_6 = arith.constant 632 : i32
    %mul3A_7 = arith.constant 632 : i32
    %mul3A_8 = arith.muli %arg1, %mul3A_7 : i32
    "tpu.region"() ({
      %run_scoped3A = tpu.sem_alloc : memref<!tpu.dma_semaphore, #tpu.memory_space<semaphore_mem>>
      %dma_start3A = arith.constant 0 : i32
      %dma_start3A_23 = tpu.memref_slice %arg10[%mul3A_8, %dma_start3A] : memref<10112x16xf32, #tpu.memory_space<vmem_shared>> -> memref<632x16xf32, #tpu.memory_space<vmem_shared>>
      %dma_start3A_24 = arith.constant 0 : i32
      %dma_start3A_25 = tpu.memref_slice %arg10[%mul3A_8, %dma_start3A_24] : memref<10112x16xf32, #tpu.memory_space<vmem_shared>> -> memref<632x16xf32, #tpu.memory_space<vmem_shared>>
      tpu.enqueue_dma source(%arg9 : memref<632x16xf32, #tpu.memory_space<vmem>>) target(%dma_start3A_25 : memref<632x16xf32, #tpu.memory_space<vmem_shared>>) target_semaphore(%run_scoped3A : memref<!tpu.dma_semaphore, #tpu.memory_space<semaphore_mem>>)
      %dma_wait3A = arith.constant 0 : i32
      %dma_wait3A_26 = tpu.memref_slice %arg10[%mul3A_8, %dma_wait3A] : memref<10112x16xf32, #tpu.memory_space<vmem_shared>> -> memref<632x16xf32, #tpu.memory_space<vmem_shared>>
      %dma_wait3A_27 = arith.constant 0 : i32
      %dma_wait3A_28 = tpu.memref_slice %arg10[%mul3A_8, %dma_wait3A_27] : memref<10112x16xf32, #tpu.memory_space<vmem_shared>> -> memref<632x16xf32, #tpu.memory_space<vmem_shared>>
      tpu.wait_dma2 semaphore(%run_scoped3A : memref<!tpu.dma_semaphore, #tpu.memory_space<semaphore_mem>>) src(%arg9 : memref<632x16xf32, #tpu.memory_space<vmem>>) dst(%dma_wait3A_28 : memref<632x16xf32, #tpu.memory_space<vmem_shared>>)
      tpu.yield
    }) : () -> ()
    %barrier3A = arith.constant 0 : index
    tpu.barrier barrier_id(%barrier3A)
    %mul3A_9 = arith.constant 80 : i32
    %mul3A_10 = arith.muli %add3A, %mul3A_9 : i32
    "tpu.region"() ({
      %run_scoped3A = tpu.sem_alloc : memref<!tpu.dma_semaphore, #tpu.memory_space<semaphore_mem>>
      %dma_start3A = arith.constant 0 : i32
      %dma_start3A_23 = tpu.memref_slice %arg4[%mul3A_10, %dma_start3A] : memref<2560x128xi32, #tpu.memory_space<hbm>> -> memref<80x128xi32, #tpu.memory_space<hbm>>
      %dma_start3A_24 = arith.constant 0 : i32
      %dma_start3A_25 = tpu.memref_slice %arg4[%mul3A_10, %dma_start3A_24] : memref<2560x128xi32, #tpu.memory_space<hbm>> -> memref<80x128xi32, #tpu.memory_space<hbm>>
      tpu.enqueue_dma source(%dma_start3A_25 : memref<80x128xi32, #tpu.memory_space<hbm>>) target(%arg7 : memref<80x128xi32, #tpu.memory_space<vmem>>) target_semaphore(%run_scoped3A : memref<!tpu.dma_semaphore, #tpu.memory_space<semaphore_mem>>)
      %dma_wait3A = arith.constant 0 : i32
      %dma_wait3A_26 = tpu.memref_slice %arg4[%mul3A_10, %dma_wait3A] : memref<2560x128xi32, #tpu.memory_space<hbm>> -> memref<80x128xi32, #tpu.memory_space<hbm>>
      %dma_wait3A_27 = arith.constant 0 : i32
      %dma_wait3A_28 = tpu.memref_slice %arg4[%mul3A_10, %dma_wait3A_27] : memref<2560x128xi32, #tpu.memory_space<hbm>> -> memref<80x128xi32, #tpu.memory_space<hbm>>
      tpu.wait_dma2 semaphore(%run_scoped3A : memref<!tpu.dma_semaphore, #tpu.memory_space<semaphore_mem>>) src(%dma_wait3A_28 : memref<80x128xi32, #tpu.memory_space<hbm>>) dst(%arg7 : memref<80x128xi32, #tpu.memory_space<vmem>>)
      tpu.yield
    }) : () -> ()
    "tpu.region"() ({
      %run_scoped3A = tpu.sem_alloc : memref<!tpu.dma_semaphore, #tpu.memory_space<semaphore_mem>>
      %dma_start3A = arith.constant 0 : i32
      %dma_start3A_23 = tpu.memref_slice %arg3[%mul3A_10, %dma_start3A] : memref<2560x128xi32, #tpu.memory_space<hbm>> -> memref<80x128xi32, #tpu.memory_space<hbm>>
      %dma_start3A_24 = arith.constant 0 : i32
      %dma_start3A_25 = tpu.memref_slice %arg3[%mul3A_10, %dma_start3A_24] : memref<2560x128xi32, #tpu.memory_space<hbm>> -> memref<80x128xi32, #tpu.memory_space<hbm>>
      tpu.enqueue_dma source(%dma_start3A_25 : memref<80x128xi32, #tpu.memory_space<hbm>>) target(%arg6 : memref<80x128xi32, #tpu.memory_space<vmem>>) target_semaphore(%run_scoped3A : memref<!tpu.dma_semaphore, #tpu.memory_space<semaphore_mem>>)
      %dma_wait3A = arith.constant 0 : i32
      %dma_wait3A_26 = tpu.memref_slice %arg3[%mul3A_10, %dma_wait3A] : memref<2560x128xi32, #tpu.memory_space<hbm>> -> memref<80x128xi32, #tpu.memory_space<hbm>>
      %dma_wait3A_27 = arith.constant 0 : i32
      %dma_wait3A_28 = tpu.memref_slice %arg3[%mul3A_10, %dma_wait3A_27] : memref<2560x128xi32, #tpu.memory_space<hbm>> -> memref<80x128xi32, #tpu.memory_space<hbm>>
      tpu.wait_dma2 semaphore(%run_scoped3A : memref<!tpu.dma_semaphore, #tpu.memory_space<semaphore_mem>>) src(%dma_wait3A_28 : memref<80x128xi32, #tpu.memory_space<hbm>>) dst(%arg6 : memref<80x128xi32, #tpu.memory_space<vmem>>)
      tpu.yield
    }) : () -> ()
    %scan3A_11 = arith.constant 0 : i32
    %scan3A_12 = arith.constant 0 : i32
    %scan3A_13 = arith.constant 10 : i32
    %scan3A_14 = arith.addi %scan3A_12, %scan3A_13 : i32
    %scan3A_15 = arith.constant 1 : i32
    %scan3A_16 = scf.for %scan3A_23 = %scan3A_12 to %scan3A_14 step %scan3A_15 iter_args(%scan3A_24 = %scan3A_11) -> (i32)  : i32 {
      %mul3A_25 = arith.constant 8 : i32
      %mul3A_26 = arith.muli %scan3A_23, %mul3A_25 : i32
      %add3A_27 = arith.constant 0 : i32
      %add3A_28 = arith.addi %mul3A_26, %add3A_27 : i32
      %dma_start3A = arith.constant 0 : i32
      %dma_start3A_29 = arith.constant 0 : i32
      %dma_start3A_30 = arith.constant 0 : i32
      %dma_start3A_31 = tpu.memref_slice %arg8[%dma_start3A, %dma_start3A_29, %dma_start3A_30] : memref<8x128x16xf32, #tpu.memory_space<vmem>> -> memref<1x128x16xf32, #tpu.memory_space<vmem>>
      %dma_start3A_32 = tpu.memref_squeeze %dma_start3A_31 : memref<1x128x16xf32, #tpu.memory_space<vmem>> -> memref<128x16xf32, #tpu.memory_space<vmem>>
      %dma_start3A_33 = arith.constant 0 : i32
      %dma_start3A_34 = tpu.memref_slice %arg6[%add3A_28, %dma_start3A_33] : memref<80x128xi32, #tpu.memory_space<vmem>> -> memref<1x128xi32, #tpu.memory_space<vmem>>
      %dma_start3A_35 = tpu.memref_squeeze %dma_start3A_34 : memref<1x128xi32, #tpu.memory_space<vmem>> -> memref<128xi32, #tpu.memory_space<vmem>>
      %dma_start3A_36 = arith.constant 0 : i32
      %dma_start3A_37 = arith.constant 0 : i32
      %dma_start3A_38 = tpu.memref_slice %arg2[%dma_start3A_36, %dma_start3A_37] : memref<10000x16xf32, #tpu.memory_space<hbm>> -> memref<10000x16xf32, #tpu.memory_space<hbm>>
      tpu.enqueue_indirect_dma source(%dma_start3A_38 : memref<10000x16xf32, #tpu.memory_space<hbm>>) target(%dma_start3A_32 : memref<128x16xf32, #tpu.memory_space<vmem>>) offsets(%dma_start3A_35 : memref<128xi32, #tpu.memory_space<vmem>>) semaphore(%arg11 : memref<!tpu.dma_semaphore, #tpu.memory_space<semaphore_mem>>)
      %add3A_39 = arith.constant 1 : i32
      %add3A_40 = arith.addi %mul3A_26, %add3A_39 : i32
      %dma_start3A_41 = arith.constant 1 : i32
      %dma_start3A_42 = arith.constant 0 : i32
      %dma_start3A_43 = arith.constant 0 : i32
      %dma_start3A_44 = tpu.memref_slice %arg8[%dma_start3A_41, %dma_start3A_42, %dma_start3A_43] : memref<8x128x16xf32, #tpu.memory_space<vmem>> -> memref<1x128x16xf32, #tpu.memory_space<vmem>>
      %dma_start3A_45 = tpu.memref_squeeze %dma_start3A_44 : memref<1x128x16xf32, #tpu.memory_space<vmem>> -> memref<128x16xf32, #tpu.memory_space<vmem>>
      %dma_start3A_46 = arith.constant 0 : i32
      %dma_start3A_47 = tpu.memref_slice %arg6[%add3A_40, %dma_start3A_46] : memref<80x128xi32, #tpu.memory_space<vmem>> -> memref<1x128xi32, #tpu.memory_space<vmem>>
      %dma_start3A_48 = tpu.memref_squeeze %dma_start3A_47 : memref<1x128xi32, #tpu.memory_space<vmem>> -> memref<128xi32, #tpu.memory_space<vmem>>
      %dma_start3A_49 = arith.constant 0 : i32
      %dma_start3A_50 = arith.constant 0 : i32
      %dma_start3A_51 = tpu.memref_slice %arg2[%dma_start3A_49, %dma_start3A_50] : memref<10000x16xf32, #tpu.memory_space<hbm>> -> memref<10000x16xf32, #tpu.memory_space<hbm>>
      tpu.enqueue_indirect_dma source(%dma_start3A_51 : memref<10000x16xf32, #tpu.memory_space<hbm>>) target(%dma_start3A_45 : memref<128x16xf32, #tpu.memory_space<vmem>>) offsets(%dma_start3A_48 : memref<128xi32, #tpu.memory_space<vmem>>) semaphore(%arg11 : memref<!tpu.dma_semaphore, #tpu.memory_space<semaphore_mem>>)
      %add3A_52 = arith.constant 2 : i32
      %add3A_53 = arith.addi %mul3A_26, %add3A_52 : i32
      %dma_start3A_54 = arith.constant 2 : i32
      %dma_start3A_55 = arith.constant 0 : i32
      %dma_start3A_56 = arith.constant 0 : i32
      %dma_start3A_57 = tpu.memref_slice %arg8[%dma_start3A_54, %dma_start3A_55, %dma_start3A_56] : memref<8x128x16xf32, #tpu.memory_space<vmem>> -> memref<1x128x16xf32, #tpu.memory_space<vmem>>
      %dma_start3A_58 = tpu.memref_squeeze %dma_start3A_57 : memref<1x128x16xf32, #tpu.memory_space<vmem>> -> memref<128x16xf32, #tpu.memory_space<vmem>>
      %dma_start3A_59 = arith.constant 0 : i32
      %dma_start3A_60 = tpu.memref_slice %arg6[%add3A_53, %dma_start3A_59] : memref<80x128xi32, #tpu.memory_space<vmem>> -> memref<1x128xi32, #tpu.memory_space<vmem>>
      %dma_start3A_61 = tpu.memref_squeeze %dma_start3A_60 : memref<1x128xi32, #tpu.memory_space<vmem>> -> memref<128xi32, #tpu.memory_space<vmem>>
      %dma_start3A_62 = arith.constant 0 : i32
      %dma_start3A_63 = arith.constant 0 : i32
      %dma_start3A_64 = tpu.memref_slice %arg2[%dma_start3A_62, %dma_start3A_63] : memref<10000x16xf32, #tpu.memory_space<hbm>> -> memref<10000x16xf32, #tpu.memory_space<hbm>>
      tpu.enqueue_indirect_dma source(%dma_start3A_64 : memref<10000x16xf32, #tpu.memory_space<hbm>>) target(%dma_start3A_58 : memref<128x16xf32, #tpu.memory_space<vmem>>) offsets(%dma_start3A_61 : memref<128xi32, #tpu.memory_space<vmem>>) semaphore(%arg11 : memref<!tpu.dma_semaphore, #tpu.memory_space<semaphore_mem>>)
      %add3A_65 = arith.constant 3 : i32
      %add3A_66 = arith.addi %mul3A_26, %add3A_65 : i32
      %dma_start3A_67 = arith.constant 3 : i32
      %dma_start3A_68 = arith.constant 0 : i32
      %dma_start3A_69 = arith.constant 0 : i32
      %dma_start3A_70 = tpu.memref_slice %arg8[%dma_start3A_67, %dma_start3A_68, %dma_start3A_69] : memref<8x128x16xf32, #tpu.memory_space<vmem>> -> memref<1x128x16xf32, #tpu.memory_space<vmem>>
      %dma_start3A_71 = tpu.memref_squeeze %dma_start3A_70 : memref<1x128x16xf32, #tpu.memory_space<vmem>> -> memref<128x16xf32, #tpu.memory_space<vmem>>
      %dma_start3A_72 = arith.constant 0 : i32
      %dma_start3A_73 = tpu.memref_slice %arg6[%add3A_66, %dma_start3A_72] : memref<80x128xi32, #tpu.memory_space<vmem>> -> memref<1x128xi32, #tpu.memory_space<vmem>>
      %dma_start3A_74 = tpu.memref_squeeze %dma_start3A_73 : memref<1x128xi32, #tpu.memory_space<vmem>> -> memref<128xi32, #tpu.memory_space<vmem>>
      %dma_start3A_75 = arith.constant 0 : i32
      %dma_start3A_76 = arith.constant 0 : i32
      %dma_start3A_77 = tpu.memref_slice %arg2[%dma_start3A_75, %dma_start3A_76] : memref<10000x16xf32, #tpu.memory_space<hbm>> -> memref<10000x16xf32, #tpu.memory_space<hbm>>
      tpu.enqueue_indirect_dma source(%dma_start3A_77 : memref<10000x16xf32, #tpu.memory_space<hbm>>) target(%dma_start3A_71 : memref<128x16xf32, #tpu.memory_space<vmem>>) offsets(%dma_start3A_74 : memref<128xi32, #tpu.memory_space<vmem>>) semaphore(%arg11 : memref<!tpu.dma_semaphore, #tpu.memory_space<semaphore_mem>>)
      %add3A_78 = arith.constant 4 : i32
      %add3A_79 = arith.addi %mul3A_26, %add3A_78 : i32
      %dma_start3A_80 = arith.constant 4 : i32
      %dma_start3A_81 = arith.constant 0 : i32
      %dma_start3A_82 = arith.constant 0 : i32
      %dma_start3A_83 = tpu.memref_slice %arg8[%dma_start3A_80, %dma_start3A_81, %dma_start3A_82] : memref<8x128x16xf32, #tpu.memory_space<vmem>> -> memref<1x128x16xf32, #tpu.memory_space<vmem>>
      %dma_start3A_84 = tpu.memref_squeeze %dma_start3A_83 : memref<1x128x16xf32, #tpu.memory_space<vmem>> -> memref<128x16xf32, #tpu.memory_space<vmem>>
      %dma_start3A_85 = arith.constant 0 : i32
      %dma_start3A_86 = tpu.memref_slice %arg6[%add3A_79, %dma_start3A_85] : memref<80x128xi32, #tpu.memory_space<vmem>> -> memref<1x128xi32, #tpu.memory_space<vmem>>
      %dma_start3A_87 = tpu.memref_squeeze %dma_start3A_86 : memref<1x128xi32, #tpu.memory_space<vmem>> -> memref<128xi32, #tpu.memory_space<vmem>>
      %dma_start3A_88 = arith.constant 0 : i32
      %dma_start3A_89 = arith.constant 0 : i32
      %dma_start3A_90 = tpu.memref_slice %arg2[%dma_start3A_88, %dma_start3A_89] : memref<10000x16xf32, #tpu.memory_space<hbm>> -> memref<10000x16xf32, #tpu.memory_space<hbm>>
      tpu.enqueue_indirect_dma source(%dma_start3A_90 : memref<10000x16xf32, #tpu.memory_space<hbm>>) target(%dma_start3A_84 : memref<128x16xf32, #tpu.memory_space<vmem>>) offsets(%dma_start3A_87 : memref<128xi32, #tpu.memory_space<vmem>>) semaphore(%arg11 : memref<!tpu.dma_semaphore, #tpu.memory_space<semaphore_mem>>)
      %add3A_91 = arith.constant 5 : i32
      %add3A_92 = arith.addi %mul3A_26, %add3A_91 : i32
      %dma_start3A_93 = arith.constant 5 : i32
      %dma_start3A_94 = arith.constant 0 : i32
      %dma_start3A_95 = arith.constant 0 : i32
      %dma_start3A_96 = tpu.memref_slice %arg8[%dma_start3A_93, %dma_start3A_94, %dma_start3A_95] : memref<8x128x16xf32, #tpu.memory_space<vmem>> -> memref<1x128x16xf32, #tpu.memory_space<vmem>>
      %dma_start3A_97 = tpu.memref_squeeze %dma_start3A_96 : memref<1x128x16xf32, #tpu.memory_space<vmem>> -> memref<128x16xf32, #tpu.memory_space<vmem>>
      %dma_start3A_98 = arith.constant 0 : i32
      %dma_start3A_99 = tpu.memref_slice %arg6[%add3A_92, %dma_start3A_98] : memref<80x128xi32, #tpu.memory_space<vmem>> -> memref<1x128xi32, #tpu.memory_space<vmem>>
      %dma_start3A_100 = tpu.memref_squeeze %dma_start3A_99 : memref<1x128xi32, #tpu.memory_space<vmem>> -> memref<128xi32, #tpu.memory_space<vmem>>
      %dma_start3A_101 = arith.constant 0 : i32
      %dma_start3A_102 = arith.constant 0 : i32
      %dma_start3A_103 = tpu.memref_slice %arg2[%dma_start3A_101, %dma_start3A_102] : memref<10000x16xf32, #tpu.memory_space<hbm>> -> memref<10000x16xf32, #tpu.memory_space<hbm>>
      tpu.enqueue_indirect_dma source(%dma_start3A_103 : memref<10000x16xf32, #tpu.memory_space<hbm>>) target(%dma_start3A_97 : memref<128x16xf32, #tpu.memory_space<vmem>>) offsets(%dma_start3A_100 : memref<128xi32, #tpu.memory_space<vmem>>) semaphore(%arg11 : memref<!tpu.dma_semaphore, #tpu.memory_space<semaphore_mem>>)
      %add3A_104 = arith.constant 6 : i32
      %add3A_105 = arith.addi %mul3A_26, %add3A_104 : i32
      %dma_start3A_106 = arith.constant 6 : i32
      %dma_start3A_107 = arith.constant 0 : i32
      %dma_start3A_108 = arith.constant 0 : i32
      %dma_start3A_109 = tpu.memref_slice %arg8[%dma_start3A_106, %dma_start3A_107, %dma_start3A_108] : memref<8x128x16xf32, #tpu.memory_space<vmem>> -> memref<1x128x16xf32, #tpu.memory_space<vmem>>
      %dma_start3A_110 = tpu.memref_squeeze %dma_start3A_109 : memref<1x128x16xf32, #tpu.memory_space<vmem>> -> memref<128x16xf32, #tpu.memory_space<vmem>>
      %dma_start3A_111 = arith.constant 0 : i32
      %dma_start3A_112 = tpu.memref_slice %arg6[%add3A_105, %dma_start3A_111] : memref<80x128xi32, #tpu.memory_space<vmem>> -> memref<1x128xi32, #tpu.memory_space<vmem>>
      %dma_start3A_113 = tpu.memref_squeeze %dma_start3A_112 : memref<1x128xi32, #tpu.memory_space<vmem>> -> memref<128xi32, #tpu.memory_space<vmem>>
      %dma_start3A_114 = arith.constant 0 : i32
      %dma_start3A_115 = arith.constant 0 : i32
      %dma_start3A_116 = tpu.memref_slice %arg2[%dma_start3A_114, %dma_start3A_115] : memref<10000x16xf32, #tpu.memory_space<hbm>> -> memref<10000x16xf32, #tpu.memory_space<hbm>>
      tpu.enqueue_indirect_dma source(%dma_start3A_116 : memref<10000x16xf32, #tpu.memory_space<hbm>>) target(%dma_start3A_110 : memref<128x16xf32, #tpu.memory_space<vmem>>) offsets(%dma_start3A_113 : memref<128xi32, #tpu.memory_space<vmem>>) semaphore(%arg11 : memref<!tpu.dma_semaphore, #tpu.memory_space<semaphore_mem>>)
      %add3A_117 = arith.constant 7 : i32
      %add3A_118 = arith.addi %mul3A_26, %add3A_117 : i32
      %dma_start3A_119 = arith.constant 7 : i32
      %dma_start3A_120 = arith.constant 0 : i32
      %dma_start3A_121 = arith.constant 0 : i32
      %dma_start3A_122 = tpu.memref_slice %arg8[%dma_start3A_119, %dma_start3A_120, %dma_start3A_121] : memref<8x128x16xf32, #tpu.memory_space<vmem>> -> memref<1x128x16xf32, #tpu.memory_space<vmem>>
      %dma_start3A_123 = tpu.memref_squeeze %dma_start3A_122 : memref<1x128x16xf32, #tpu.memory_space<vmem>> -> memref<128x16xf32, #tpu.memory_space<vmem>>
      %dma_start3A_124 = arith.constant 0 : i32
      %dma_start3A_125 = tpu.memref_slice %arg6[%add3A_118, %dma_start3A_124] : memref<80x128xi32, #tpu.memory_space<vmem>> -> memref<1x128xi32, #tpu.memory_space<vmem>>
      %dma_start3A_126 = tpu.memref_squeeze %dma_start3A_125 : memref<1x128xi32, #tpu.memory_space<vmem>> -> memref<128xi32, #tpu.memory_space<vmem>>
      %dma_start3A_127 = arith.constant 0 : i32
      %dma_start3A_128 = arith.constant 0 : i32
      %dma_start3A_129 = tpu.memref_slice %arg2[%dma_start3A_127, %dma_start3A_128] : memref<10000x16xf32, #tpu.memory_space<hbm>> -> memref<10000x16xf32, #tpu.memory_space<hbm>>
      tpu.enqueue_indirect_dma source(%dma_start3A_129 : memref<10000x16xf32, #tpu.memory_space<hbm>>) target(%dma_start3A_123 : memref<128x16xf32, #tpu.memory_space<vmem>>) offsets(%dma_start3A_126 : memref<128xi32, #tpu.memory_space<vmem>>) semaphore(%arg11 : memref<!tpu.dma_semaphore, #tpu.memory_space<semaphore_mem>>)
      %dma_wait3A = arith.constant 0 : i32
      %dma_wait3A_130 = arith.constant 0 : i32
      %dma_wait3A_131 = arith.constant 0 : i32
      %dma_wait3A_132 = tpu.memref_slice %arg8[%dma_wait3A, %dma_wait3A_130, %dma_wait3A_131] : memref<8x128x16xf32, #tpu.memory_space<vmem>> -> memref<1x128x16xf32, #tpu.memory_space<vmem>>
      %dma_wait3A_133 = tpu.memref_squeeze %dma_wait3A_132 : memref<1x128x16xf32, #tpu.memory_space<vmem>> -> memref<128x16xf32, #tpu.memory_space<vmem>>
      %dma_wait3A_134 = arith.constant 0 : i32
      %dma_wait3A_135 = tpu.memref_slice %arg6[%add3A_28, %dma_wait3A_134] : memref<80x128xi32, #tpu.memory_space<vmem>> -> memref<1x128xi32, #tpu.memory_space<vmem>>
      %dma_wait3A_136 = tpu.memref_squeeze %dma_wait3A_135 : memref<1x128xi32, #tpu.memory_space<vmem>> -> memref<128xi32, #tpu.memory_space<vmem>>
      %dma_wait3A_137 = arith.constant 0 : i32
      %dma_wait3A_138 = arith.constant 0 : i32
      %dma_wait3A_139 = tpu.memref_slice %arg2[%dma_wait3A_137, %dma_wait3A_138] : memref<10000x16xf32, #tpu.memory_space<hbm>> -> memref<10000x16xf32, #tpu.memory_space<hbm>>
      tpu.wait_indirect_dma semaphore(%arg11 : memref<!tpu.dma_semaphore, #tpu.memory_space<semaphore_mem>>) src(%dma_wait3A_139 : memref<10000x16xf32, #tpu.memory_space<hbm>>) dst(%dma_wait3A_133 : memref<128x16xf32, #tpu.memory_space<vmem>>)
      %dma_wait3A_140 = arith.constant 1 : i32
      %dma_wait3A_141 = arith.constant 0 : i32
      %dma_wait3A_142 = arith.constant 0 : i32
      %dma_wait3A_143 = tpu.memref_slice %arg8[%dma_wait3A_140, %dma_wait3A_141, %dma_wait3A_142] : memref<8x128x16xf32, #tpu.memory_space<vmem>> -> memref<1x128x16xf32, #tpu.memory_space<vmem>>
      %dma_wait3A_144 = tpu.memref_squeeze %dma_wait3A_143 : memref<1x128x16xf32, #tpu.memory_space<vmem>> -> memref<128x16xf32, #tpu.memory_space<vmem>>
      %dma_wait3A_145 = arith.constant 0 : i32
      %dma_wait3A_146 = tpu.memref_slice %arg6[%add3A_40, %dma_wait3A_145] : memref<80x128xi32, #tpu.memory_space<vmem>> -> memref<1x128xi32, #tpu.memory_space<vmem>>
      %dma_wait3A_147 = tpu.memref_squeeze %dma_wait3A_146 : memref<1x128xi32, #tpu.memory_space<vmem>> -> memref<128xi32, #tpu.memory_space<vmem>>
      %dma_wait3A_148 = arith.constant 0 : i32
      %dma_wait3A_149 = arith.constant 0 : i32
      %dma_wait3A_150 = tpu.memref_slice %arg2[%dma_wait3A_148, %dma_wait3A_149] : memref<10000x16xf32, #tpu.memory_space<hbm>> -> memref<10000x16xf32, #tpu.memory_space<hbm>>
      tpu.wait_indirect_dma semaphore(%arg11 : memref<!tpu.dma_semaphore, #tpu.memory_space<semaphore_mem>>) src(%dma_wait3A_150 : memref<10000x16xf32, #tpu.memory_space<hbm>>) dst(%dma_wait3A_144 : memref<128x16xf32, #tpu.memory_space<vmem>>)
      %dma_wait3A_151 = arith.constant 2 : i32
      %dma_wait3A_152 = arith.constant 0 : i32
      %dma_wait3A_153 = arith.constant 0 : i32
      %dma_wait3A_154 = tpu.memref_slice %arg8[%dma_wait3A_151, %dma_wait3A_152, %dma_wait3A_153] : memref<8x128x16xf32, #tpu.memory_space<vmem>> -> memref<1x128x16xf32, #tpu.memory_space<vmem>>
      %dma_wait3A_155 = tpu.memref_squeeze %dma_wait3A_154 : memref<1x128x16xf32, #tpu.memory_space<vmem>> -> memref<128x16xf32, #tpu.memory_space<vmem>>
      %dma_wait3A_156 = arith.constant 0 : i32
      %dma_wait3A_157 = tpu.memref_slice %arg6[%add3A_53, %dma_wait3A_156] : memref<80x128xi32, #tpu.memory_space<vmem>> -> memref<1x128xi32, #tpu.memory_space<vmem>>
      %dma_wait3A_158 = tpu.memref_squeeze %dma_wait3A_157 : memref<1x128xi32, #tpu.memory_space<vmem>> -> memref<128xi32, #tpu.memory_space<vmem>>
      %dma_wait3A_159 = arith.constant 0 : i32
      %dma_wait3A_160 = arith.constant 0 : i32
      %dma_wait3A_161 = tpu.memref_slice %arg2[%dma_wait3A_159, %dma_wait3A_160] : memref<10000x16xf32, #tpu.memory_space<hbm>> -> memref<10000x16xf32, #tpu.memory_space<hbm>>
      tpu.wait_indirect_dma semaphore(%arg11 : memref<!tpu.dma_semaphore, #tpu.memory_space<semaphore_mem>>) src(%dma_wait3A_161 : memref<10000x16xf32, #tpu.memory_space<hbm>>) dst(%dma_wait3A_155 : memref<128x16xf32, #tpu.memory_space<vmem>>)
      %dma_wait3A_162 = arith.constant 3 : i32
      %dma_wait3A_163 = arith.constant 0 : i32
      %dma_wait3A_164 = arith.constant 0 : i32
      %dma_wait3A_165 = tpu.memref_slice %arg8[%dma_wait3A_162, %dma_wait3A_163, %dma_wait3A_164] : memref<8x128x16xf32, #tpu.memory_space<vmem>> -> memref<1x128x16xf32, #tpu.memory_space<vmem>>
      %dma_wait3A_166 = tpu.memref_squeeze %dma_wait3A_165 : memref<1x128x16xf32, #tpu.memory_space<vmem>> -> memref<128x16xf32, #tpu.memory_space<vmem>>
      %dma_wait3A_167 = arith.constant 0 : i32
      %dma_wait3A_168 = tpu.memref_slice %arg6[%add3A_66, %dma_wait3A_167] : memref<80x128xi32, #tpu.memory_space<vmem>> -> memref<1x128xi32, #tpu.memory_space<vmem>>
      %dma_wait3A_169 = tpu.memref_squeeze %dma_wait3A_168 : memref<1x128xi32, #tpu.memory_space<vmem>> -> memref<128xi32, #tpu.memory_space<vmem>>
      %dma_wait3A_170 = arith.constant 0 : i32
      %dma_wait3A_171 = arith.constant 0 : i32
      %dma_wait3A_172 = tpu.memref_slice %arg2[%dma_wait3A_170, %dma_wait3A_171] : memref<10000x16xf32, #tpu.memory_space<hbm>> -> memref<10000x16xf32, #tpu.memory_space<hbm>>
      tpu.wait_indirect_dma semaphore(%arg11 : memref<!tpu.dma_semaphore, #tpu.memory_space<semaphore_mem>>) src(%dma_wait3A_172 : memref<10000x16xf32, #tpu.memory_space<hbm>>) dst(%dma_wait3A_166 : memref<128x16xf32, #tpu.memory_space<vmem>>)
      %dma_wait3A_173 = arith.constant 4 : i32
      %dma_wait3A_174 = arith.constant 0 : i32
      %dma_wait3A_175 = arith.constant 0 : i32
      %dma_wait3A_176 = tpu.memref_slice %arg8[%dma_wait3A_173, %dma_wait3A_174, %dma_wait3A_175] : memref<8x128x16xf32, #tpu.memory_space<vmem>> -> memref<1x128x16xf32, #tpu.memory_space<vmem>>
      %dma_wait3A_177 = tpu.memref_squeeze %dma_wait3A_176 : memref<1x128x16xf32, #tpu.memory_space<vmem>> -> memref<128x16xf32, #tpu.memory_space<vmem>>
      %dma_wait3A_178 = arith.constant 0 : i32
      %dma_wait3A_179 = tpu.memref_slice %arg6[%add3A_79, %dma_wait3A_178] : memref<80x128xi32, #tpu.memory_space<vmem>> -> memref<1x128xi32, #tpu.memory_space<vmem>>
      %dma_wait3A_180 = tpu.memref_squeeze %dma_wait3A_179 : memref<1x128xi32, #tpu.memory_space<vmem>> -> memref<128xi32, #tpu.memory_space<vmem>>
      %dma_wait3A_181 = arith.constant 0 : i32
      %dma_wait3A_182 = arith.constant 0 : i32
      %dma_wait3A_183 = tpu.memref_slice %arg2[%dma_wait3A_181, %dma_wait3A_182] : memref<10000x16xf32, #tpu.memory_space<hbm>> -> memref<10000x16xf32, #tpu.memory_space<hbm>>
      tpu.wait_indirect_dma semaphore(%arg11 : memref<!tpu.dma_semaphore, #tpu.memory_space<semaphore_mem>>) src(%dma_wait3A_183 : memref<10000x16xf32, #tpu.memory_space<hbm>>) dst(%dma_wait3A_177 : memref<128x16xf32, #tpu.memory_space<vmem>>)
      %dma_wait3A_184 = arith.constant 5 : i32
      %dma_wait3A_185 = arith.constant 0 : i32
      %dma_wait3A_186 = arith.constant 0 : i32
      %dma_wait3A_187 = tpu.memref_slice %arg8[%dma_wait3A_184, %dma_wait3A_185, %dma_wait3A_186] : memref<8x128x16xf32, #tpu.memory_space<vmem>> -> memref<1x128x16xf32, #tpu.memory_space<vmem>>
      %dma_wait3A_188 = tpu.memref_squeeze %dma_wait3A_187 : memref<1x128x16xf32, #tpu.memory_space<vmem>> -> memref<128x16xf32, #tpu.memory_space<vmem>>
      %dma_wait3A_189 = arith.constant 0 : i32
      %dma_wait3A_190 = tpu.memref_slice %arg6[%add3A_92, %dma_wait3A_189] : memref<80x128xi32, #tpu.memory_space<vmem>> -> memref<1x128xi32, #tpu.memory_space<vmem>>
      %dma_wait3A_191 = tpu.memref_squeeze %dma_wait3A_190 : memref<1x128xi32, #tpu.memory_space<vmem>> -> memref<128xi32, #tpu.memory_space<vmem>>
      %dma_wait3A_192 = arith.constant 0 : i32
      %dma_wait3A_193 = arith.constant 0 : i32
      %dma_wait3A_194 = tpu.memref_slice %arg2[%dma_wait3A_192, %dma_wait3A_193] : memref<10000x16xf32, #tpu.memory_space<hbm>> -> memref<10000x16xf32, #tpu.memory_space<hbm>>
      tpu.wait_indirect_dma semaphore(%arg11 : memref<!tpu.dma_semaphore, #tpu.memory_space<semaphore_mem>>) src(%dma_wait3A_194 : memref<10000x16xf32, #tpu.memory_space<hbm>>) dst(%dma_wait3A_188 : memref<128x16xf32, #tpu.memory_space<vmem>>)
      %dma_wait3A_195 = arith.constant 6 : i32
      %dma_wait3A_196 = arith.constant 0 : i32
      %dma_wait3A_197 = arith.constant 0 : i32
      %dma_wait3A_198 = tpu.memref_slice %arg8[%dma_wait3A_195, %dma_wait3A_196, %dma_wait3A_197] : memref<8x128x16xf32, #tpu.memory_space<vmem>> -> memref<1x128x16xf32, #tpu.memory_space<vmem>>
      %dma_wait3A_199 = tpu.memref_squeeze %dma_wait3A_198 : memref<1x128x16xf32, #tpu.memory_space<vmem>> -> memref<128x16xf32, #tpu.memory_space<vmem>>
      %dma_wait3A_200 = arith.constant 0 : i32
      %dma_wait3A_201 = tpu.memref_slice %arg6[%add3A_105, %dma_wait3A_200] : memref<80x128xi32, #tpu.memory_space<vmem>> -> memref<1x128xi32, #tpu.memory_space<vmem>>
      %dma_wait3A_202 = tpu.memref_squeeze %dma_wait3A_201 : memref<1x128xi32, #tpu.memory_space<vmem>> -> memref<128xi32, #tpu.memory_space<vmem>>
      %dma_wait3A_203 = arith.constant 0 : i32
      %dma_wait3A_204 = arith.constant 0 : i32
      %dma_wait3A_205 = tpu.memref_slice %arg2[%dma_wait3A_203, %dma_wait3A_204] : memref<10000x16xf32, #tpu.memory_space<hbm>> -> memref<10000x16xf32, #tpu.memory_space<hbm>>
      tpu.wait_indirect_dma semaphore(%arg11 : memref<!tpu.dma_semaphore, #tpu.memory_space<semaphore_mem>>) src(%dma_wait3A_205 : memref<10000x16xf32, #tpu.memory_space<hbm>>) dst(%dma_wait3A_199 : memref<128x16xf32, #tpu.memory_space<vmem>>)
      %dma_wait3A_206 = arith.constant 7 : i32
      %dma_wait3A_207 = arith.constant 0 : i32
      %dma_wait3A_208 = arith.constant 0 : i32
      %dma_wait3A_209 = tpu.memref_slice %arg8[%dma_wait3A_206, %dma_wait3A_207, %dma_wait3A_208] : memref<8x128x16xf32, #tpu.memory_space<vmem>> -> memref<1x128x16xf32, #tpu.memory_space<vmem>>
      %dma_wait3A_210 = tpu.memref_squeeze %dma_wait3A_209 : memref<1x128x16xf32, #tpu.memory_space<vmem>> -> memref<128x16xf32, #tpu.memory_space<vmem>>
      %dma_wait3A_211 = arith.constant 0 : i32
      %dma_wait3A_212 = tpu.memref_slice %arg6[%add3A_118, %dma_wait3A_211] : memref<80x128xi32, #tpu.memory_space<vmem>> -> memref<1x128xi32, #tpu.memory_space<vmem>>
      %dma_wait3A_213 = tpu.memref_squeeze %dma_wait3A_212 : memref<1x128xi32, #tpu.memory_space<vmem>> -> memref<128xi32, #tpu.memory_space<vmem>>
      %dma_wait3A_214 = arith.constant 0 : i32
      %dma_wait3A_215 = arith.constant 0 : i32
      %dma_wait3A_216 = tpu.memref_slice %arg2[%dma_wait3A_214, %dma_wait3A_215] : memref<10000x16xf32, #tpu.memory_space<hbm>> -> memref<10000x16xf32, #tpu.memory_space<hbm>>
      tpu.wait_indirect_dma semaphore(%arg11 : memref<!tpu.dma_semaphore, #tpu.memory_space<semaphore_mem>>) src(%dma_wait3A_216 : memref<10000x16xf32, #tpu.memory_space<hbm>>) dst(%dma_wait3A_210 : memref<128x16xf32, #tpu.memory_space<vmem>>)
      %add3A_217 = arith.constant 0 : i32
      %add3A_218 = arith.addi %mul3A_26, %add3A_217 : i32
      %dma_start3A_219 = arith.constant 0 : i32
      %dma_start3A_220 = arith.constant 0 : i32
      %dma_start3A_221 = arith.constant 0 : i32
      %dma_start3A_222 = tpu.memref_slice %arg8[%dma_start3A_219, %dma_start3A_220, %dma_start3A_221] : memref<8x128x16xf32, #tpu.memory_space<vmem>> -> memref<1x128x16xf32, #tpu.memory_space<vmem>>
      %dma_start3A_223 = tpu.memref_squeeze %dma_start3A_222 : memref<1x128x16xf32, #tpu.memory_space<vmem>> -> memref<128x16xf32, #tpu.memory_space<vmem>>
      %dma_start3A_224 = arith.constant 0 : i32
      %dma_start3A_225 = tpu.memref_slice %arg7[%add3A_218, %dma_start3A_224] : memref<80x128xi32, #tpu.memory_space<vmem>> -> memref<1x128xi32, #tpu.memory_space<vmem>>
      %dma_start3A_226 = tpu.memref_squeeze %dma_start3A_225 : memref<1x128xi32, #tpu.memory_space<vmem>> -> memref<128xi32, #tpu.memory_space<vmem>>
      %dma_start3A_227 = arith.constant 0 : i32
      %dma_start3A_228 = arith.constant 0 : i32
      %dma_start3A_229 = tpu.memref_slice %arg10[%dma_start3A_227, %dma_start3A_228] : memref<10112x16xf32, #tpu.memory_space<vmem_shared>> -> memref<10112x16xf32, #tpu.memory_space<vmem_shared>>
      tpu.enqueue_indirect_dma source(%dma_start3A_223 : memref<128x16xf32, #tpu.memory_space<vmem>>) target(%dma_start3A_229 : memref<10112x16xf32, #tpu.memory_space<vmem_shared>>) offsets(%dma_start3A_226 : memref<128xi32, #tpu.memory_space<vmem>>) semaphore(%arg12 : memref<!tpu.dma_semaphore, #tpu.memory_space<semaphore_mem>>) {add = true}
      %add3A_230 = arith.constant 1 : i32
      %add3A_231 = arith.addi %mul3A_26, %add3A_230 : i32
      %dma_start3A_232 = arith.constant 1 : i32
      %dma_start3A_233 = arith.constant 0 : i32
      %dma_start3A_234 = arith.constant 0 : i32
      %dma_start3A_235 = tpu.memref_slice %arg8[%dma_start3A_232, %dma_start3A_233, %dma_start3A_234] : memref<8x128x16xf32, #tpu.memory_space<vmem>> -> memref<1x128x16xf32, #tpu.memory_space<vmem>>
      %dma_start3A_236 = tpu.memref_squeeze %dma_start3A_235 : memref<1x128x16xf32, #tpu.memory_space<vmem>> -> memref<128x16xf32, #tpu.memory_space<vmem>>
      %dma_start3A_237 = arith.constant 0 : i32
      %dma_start3A_238 = tpu.memref_slice %arg7[%add3A_231, %dma_start3A_237] : memref<80x128xi32, #tpu.memory_space<vmem>> -> memref<1x128xi32, #tpu.memory_space<vmem>>
      %dma_start3A_239 = tpu.memref_squeeze %dma_start3A_238 : memref<1x128xi32, #tpu.memory_space<vmem>> -> memref<128xi32, #tpu.memory_space<vmem>>
      %dma_start3A_240 = arith.constant 0 : i32
      %dma_start3A_241 = arith.constant 0 : i32
      %dma_start3A_242 = tpu.memref_slice %arg10[%dma_start3A_240, %dma_start3A_241] : memref<10112x16xf32, #tpu.memory_space<vmem_shared>> -> memref<10112x16xf32, #tpu.memory_space<vmem_shared>>
      tpu.enqueue_indirect_dma source(%dma_start3A_236 : memref<128x16xf32, #tpu.memory_space<vmem>>) target(%dma_start3A_242 : memref<10112x16xf32, #tpu.memory_space<vmem_shared>>) offsets(%dma_start3A_239 : memref<128xi32, #tpu.memory_space<vmem>>) semaphore(%arg12 : memref<!tpu.dma_semaphore, #tpu.memory_space<semaphore_mem>>) {add = true}
      %add3A_243 = arith.constant 2 : i32
      %add3A_244 = arith.addi %mul3A_26, %add3A_243 : i32
      %dma_start3A_245 = arith.constant 2 : i32
      %dma_start3A_246 = arith.constant 0 : i32
      %dma_start3A_247 = arith.constant 0 : i32
      %dma_start3A_248 = tpu.memref_slice %arg8[%dma_start3A_245, %dma_start3A_246, %dma_start3A_247] : memref<8x128x16xf32, #tpu.memory_space<vmem>> -> memref<1x128x16xf32, #tpu.memory_space<vmem>>
      %dma_start3A_249 = tpu.memref_squeeze %dma_start3A_248 : memref<1x128x16xf32, #tpu.memory_space<vmem>> -> memref<128x16xf32, #tpu.memory_space<vmem>>
      %dma_start3A_250 = arith.constant 0 : i32
      %dma_start3A_251 = tpu.memref_slice %arg7[%add3A_244, %dma_start3A_250] : memref<80x128xi32, #tpu.memory_space<vmem>> -> memref<1x128xi32, #tpu.memory_space<vmem>>
      %dma_start3A_252 = tpu.memref_squeeze %dma_start3A_251 : memref<1x128xi32, #tpu.memory_space<vmem>> -> memref<128xi32, #tpu.memory_space<vmem>>
      %dma_start3A_253 = arith.constant 0 : i32
      %dma_start3A_254 = arith.constant 0 : i32
      %dma_start3A_255 = tpu.memref_slice %arg10[%dma_start3A_253, %dma_start3A_254] : memref<10112x16xf32, #tpu.memory_space<vmem_shared>> -> memref<10112x16xf32, #tpu.memory_space<vmem_shared>>
      tpu.enqueue_indirect_dma source(%dma_start3A_249 : memref<128x16xf32, #tpu.memory_space<vmem>>) target(%dma_start3A_255 : memref<10112x16xf32, #tpu.memory_space<vmem_shared>>) offsets(%dma_start3A_252 : memref<128xi32, #tpu.memory_space<vmem>>) semaphore(%arg12 : memref<!tpu.dma_semaphore, #tpu.memory_space<semaphore_mem>>) {add = true}
      %add3A_256 = arith.constant 3 : i32
      %add3A_257 = arith.addi %mul3A_26, %add3A_256 : i32
      %dma_start3A_258 = arith.constant 3 : i32
      %dma_start3A_259 = arith.constant 0 : i32
      %dma_start3A_260 = arith.constant 0 : i32
      %dma_start3A_261 = tpu.memref_slice %arg8[%dma_start3A_258, %dma_start3A_259, %dma_start3A_260] : memref<8x128x16xf32, #tpu.memory_space<vmem>> -> memref<1x128x16xf32, #tpu.memory_space<vmem>>
      %dma_start3A_262 = tpu.memref_squeeze %dma_start3A_261 : memref<1x128x16xf32, #tpu.memory_space<vmem>> -> memref<128x16xf32, #tpu.memory_space<vmem>>
      %dma_start3A_263 = arith.constant 0 : i32
      %dma_start3A_264 = tpu.memref_slice %arg7[%add3A_257, %dma_start3A_263] : memref<80x128xi32, #tpu.memory_space<vmem>> -> memref<1x128xi32, #tpu.memory_space<vmem>>
      %dma_start3A_265 = tpu.memref_squeeze %dma_start3A_264 : memref<1x128xi32, #tpu.memory_space<vmem>> -> memref<128xi32, #tpu.memory_space<vmem>>
      %dma_start3A_266 = arith.constant 0 : i32
      %dma_start3A_267 = arith.constant 0 : i32
      %dma_start3A_268 = tpu.memref_slice %arg10[%dma_start3A_266, %dma_start3A_267] : memref<10112x16xf32, #tpu.memory_space<vmem_shared>> -> memref<10112x16xf32, #tpu.memory_space<vmem_shared>>
      tpu.enqueue_indirect_dma source(%dma_start3A_262 : memref<128x16xf32, #tpu.memory_space<vmem>>) target(%dma_start3A_268 : memref<10112x16xf32, #tpu.memory_space<vmem_shared>>) offsets(%dma_start3A_265 : memref<128xi32, #tpu.memory_space<vmem>>) semaphore(%arg12 : memref<!tpu.dma_semaphore, #tpu.memory_space<semaphore_mem>>) {add = true}
      %add3A_269 = arith.constant 4 : i32
      %add3A_270 = arith.addi %mul3A_26, %add3A_269 : i32
      %dma_start3A_271 = arith.constant 4 : i32
      %dma_start3A_272 = arith.constant 0 : i32
      %dma_start3A_273 = arith.constant 0 : i32
      %dma_start3A_274 = tpu.memref_slice %arg8[%dma_start3A_271, %dma_start3A_272, %dma_start3A_273] : memref<8x128x16xf32, #tpu.memory_space<vmem>> -> memref<1x128x16xf32, #tpu.memory_space<vmem>>
      %dma_start3A_275 = tpu.memref_squeeze %dma_start3A_274 : memref<1x128x16xf32, #tpu.memory_space<vmem>> -> memref<128x16xf32, #tpu.memory_space<vmem>>
      %dma_start3A_276 = arith.constant 0 : i32
      %dma_start3A_277 = tpu.memref_slice %arg7[%add3A_270, %dma_start3A_276] : memref<80x128xi32, #tpu.memory_space<vmem>> -> memref<1x128xi32, #tpu.memory_space<vmem>>
      %dma_start3A_278 = tpu.memref_squeeze %dma_start3A_277 : memref<1x128xi32, #tpu.memory_space<vmem>> -> memref<128xi32, #tpu.memory_space<vmem>>
      %dma_start3A_279 = arith.constant 0 : i32
      %dma_start3A_280 = arith.constant 0 : i32
      %dma_start3A_281 = tpu.memref_slice %arg10[%dma_start3A_279, %dma_start3A_280] : memref<10112x16xf32, #tpu.memory_space<vmem_shared>> -> memref<10112x16xf32, #tpu.memory_space<vmem_shared>>
      tpu.enqueue_indirect_dma source(%dma_start3A_275 : memref<128x16xf32, #tpu.memory_space<vmem>>) target(%dma_start3A_281 : memref<10112x16xf32, #tpu.memory_space<vmem_shared>>) offsets(%dma_start3A_278 : memref<128xi32, #tpu.memory_space<vmem>>) semaphore(%arg12 : memref<!tpu.dma_semaphore, #tpu.memory_space<semaphore_mem>>) {add = true}
      %add3A_282 = arith.constant 5 : i32
      %add3A_283 = arith.addi %mul3A_26, %add3A_282 : i32
      %dma_start3A_284 = arith.constant 5 : i32
      %dma_start3A_285 = arith.constant 0 : i32
      %dma_start3A_286 = arith.constant 0 : i32
      %dma_start3A_287 = tpu.memref_slice %arg8[%dma_start3A_284, %dma_start3A_285, %dma_start3A_286] : memref<8x128x16xf32, #tpu.memory_space<vmem>> -> memref<1x128x16xf32, #tpu.memory_space<vmem>>
      %dma_start3A_288 = tpu.memref_squeeze %dma_start3A_287 : memref<1x128x16xf32, #tpu.memory_space<vmem>> -> memref<128x16xf32, #tpu.memory_space<vmem>>
      %dma_start3A_289 = arith.constant 0 : i32
      %dma_start3A_290 = tpu.memref_slice %arg7[%add3A_283, %dma_start3A_289] : memref<80x128xi32, #tpu.memory_space<vmem>> -> memref<1x128xi32, #tpu.memory_space<vmem>>
      %dma_start3A_291 = tpu.memref_squeeze %dma_start3A_290 : memref<1x128xi32, #tpu.memory_space<vmem>> -> memref<128xi32, #tpu.memory_space<vmem>>
      %dma_start3A_292 = arith.constant 0 : i32
      %dma_start3A_293 = arith.constant 0 : i32
      %dma_start3A_294 = tpu.memref_slice %arg10[%dma_start3A_292, %dma_start3A_293] : memref<10112x16xf32, #tpu.memory_space<vmem_shared>> -> memref<10112x16xf32, #tpu.memory_space<vmem_shared>>
      tpu.enqueue_indirect_dma source(%dma_start3A_288 : memref<128x16xf32, #tpu.memory_space<vmem>>) target(%dma_start3A_294 : memref<10112x16xf32, #tpu.memory_space<vmem_shared>>) offsets(%dma_start3A_291 : memref<128xi32, #tpu.memory_space<vmem>>) semaphore(%arg12 : memref<!tpu.dma_semaphore, #tpu.memory_space<semaphore_mem>>) {add = true}
      %add3A_295 = arith.constant 6 : i32
      %add3A_296 = arith.addi %mul3A_26, %add3A_295 : i32
      %dma_start3A_297 = arith.constant 6 : i32
      %dma_start3A_298 = arith.constant 0 : i32
      %dma_start3A_299 = arith.constant 0 : i32
      %dma_start3A_300 = tpu.memref_slice %arg8[%dma_start3A_297, %dma_start3A_298, %dma_start3A_299] : memref<8x128x16xf32, #tpu.memory_space<vmem>> -> memref<1x128x16xf32, #tpu.memory_space<vmem>>
      %dma_start3A_301 = tpu.memref_squeeze %dma_start3A_300 : memref<1x128x16xf32, #tpu.memory_space<vmem>> -> memref<128x16xf32, #tpu.memory_space<vmem>>
      %dma_start3A_302 = arith.constant 0 : i32
      %dma_start3A_303 = tpu.memref_slice %arg7[%add3A_296, %dma_start3A_302] : memref<80x128xi32, #tpu.memory_space<vmem>> -> memref<1x128xi32, #tpu.memory_space<vmem>>
      %dma_start3A_304 = tpu.memref_squeeze %dma_start3A_303 : memref<1x128xi32, #tpu.memory_space<vmem>> -> memref<128xi32, #tpu.memory_space<vmem>>
      %dma_start3A_305 = arith.constant 0 : i32
      %dma_start3A_306 = arith.constant 0 : i32
      %dma_start3A_307 = tpu.memref_slice %arg10[%dma_start3A_305, %dma_start3A_306] : memref<10112x16xf32, #tpu.memory_space<vmem_shared>> -> memref<10112x16xf32, #tpu.memory_space<vmem_shared>>
      tpu.enqueue_indirect_dma source(%dma_start3A_301 : memref<128x16xf32, #tpu.memory_space<vmem>>) target(%dma_start3A_307 : memref<10112x16xf32, #tpu.memory_space<vmem_shared>>) offsets(%dma_start3A_304 : memref<128xi32, #tpu.memory_space<vmem>>) semaphore(%arg12 : memref<!tpu.dma_semaphore, #tpu.memory_space<semaphore_mem>>) {add = true}
      %add3A_308 = arith.constant 7 : i32
      %add3A_309 = arith.addi %mul3A_26, %add3A_308 : i32
      %dma_start3A_310 = arith.constant 7 : i32
      %dma_start3A_311 = arith.constant 0 : i32
      %dma_start3A_312 = arith.constant 0 : i32
      %dma_start3A_313 = tpu.memref_slice %arg8[%dma_start3A_310, %dma_start3A_311, %dma_start3A_312] : memref<8x128x16xf32, #tpu.memory_space<vmem>> -> memref<1x128x16xf32, #tpu.memory_space<vmem>>
      %dma_start3A_314 = tpu.memref_squeeze %dma_start3A_313 : memref<1x128x16xf32, #tpu.memory_space<vmem>> -> memref<128x16xf32, #tpu.memory_space<vmem>>
      %dma_start3A_315 = arith.constant 0 : i32
      %dma_start3A_316 = tpu.memref_slice %arg7[%add3A_309, %dma_start3A_315] : memref<80x128xi32, #tpu.memory_space<vmem>> -> memref<1x128xi32, #tpu.memory_space<vmem>>
      %dma_start3A_317 = tpu.memref_squeeze %dma_start3A_316 : memref<1x128xi32, #tpu.memory_space<vmem>> -> memref<128xi32, #tpu.memory_space<vmem>>
      %dma_start3A_318 = arith.constant 0 : i32
      %dma_start3A_319 = arith.constant 0 : i32
      %dma_start3A_320 = tpu.memref_slice %arg10[%dma_start3A_318, %dma_start3A_319] : memref<10112x16xf32, #tpu.memory_space<vmem_shared>> -> memref<10112x16xf32, #tpu.memory_space<vmem_shared>>
      tpu.enqueue_indirect_dma source(%dma_start3A_314 : memref<128x16xf32, #tpu.memory_space<vmem>>) target(%dma_start3A_320 : memref<10112x16xf32, #tpu.memory_space<vmem_shared>>) offsets(%dma_start3A_317 : memref<128xi32, #tpu.memory_space<vmem>>) semaphore(%arg12 : memref<!tpu.dma_semaphore, #tpu.memory_space<semaphore_mem>>) {add = true}
      %dma_wait3A_321 = arith.constant 0 : i32
      %dma_wait3A_322 = arith.constant 0 : i32
      %dma_wait3A_323 = arith.constant 0 : i32
      %dma_wait3A_324 = tpu.memref_slice %arg8[%dma_wait3A_321, %dma_wait3A_322, %dma_wait3A_323] : memref<8x128x16xf32, #tpu.memory_space<vmem>> -> memref<1x128x16xf32, #tpu.memory_space<vmem>>
      %dma_wait3A_325 = tpu.memref_squeeze %dma_wait3A_324 : memref<1x128x16xf32, #tpu.memory_space<vmem>> -> memref<128x16xf32, #tpu.memory_space<vmem>>
      %dma_wait3A_326 = arith.constant 0 : i32
      %dma_wait3A_327 = tpu.memref_slice %arg7[%add3A_218, %dma_wait3A_326] : memref<80x128xi32, #tpu.memory_space<vmem>> -> memref<1x128xi32, #tpu.memory_space<vmem>>
      %dma_wait3A_328 = tpu.memref_squeeze %dma_wait3A_327 : memref<1x128xi32, #tpu.memory_space<vmem>> -> memref<128xi32, #tpu.memory_space<vmem>>
      %dma_wait3A_329 = arith.constant 0 : i32
      %dma_wait3A_330 = arith.constant 0 : i32
      %dma_wait3A_331 = tpu.memref_slice %arg10[%dma_wait3A_329, %dma_wait3A_330] : memref<10112x16xf32, #tpu.memory_space<vmem_shared>> -> memref<10112x16xf32, #tpu.memory_space<vmem_shared>>
      tpu.wait_indirect_dma semaphore(%arg12 : memref<!tpu.dma_semaphore, #tpu.memory_space<semaphore_mem>>) src(%dma_wait3A_325 : memref<128x16xf32, #tpu.memory_space<vmem>>) dst(%dma_wait3A_331 : memref<10112x16xf32, #tpu.memory_space<vmem_shared>>)
      %dma_wait3A_332 = arith.constant 1 : i32
      %dma_wait3A_333 = arith.constant 0 : i32
      %dma_wait3A_334 = arith.constant 0 : i32
      %dma_wait3A_335 = tpu.memref_slice %arg8[%dma_wait3A_332, %dma_wait3A_333, %dma_wait3A_334] : memref<8x128x16xf32, #tpu.memory_space<vmem>> -> memref<1x128x16xf32, #tpu.memory_space<vmem>>
      %dma_wait3A_336 = tpu.memref_squeeze %dma_wait3A_335 : memref<1x128x16xf32, #tpu.memory_space<vmem>> -> memref<128x16xf32, #tpu.memory_space<vmem>>
      %dma_wait3A_337 = arith.constant 0 : i32
      %dma_wait3A_338 = tpu.memref_slice %arg7[%add3A_231, %dma_wait3A_337] : memref<80x128xi32, #tpu.memory_space<vmem>> -> memref<1x128xi32, #tpu.memory_space<vmem>>
      %dma_wait3A_339 = tpu.memref_squeeze %dma_wait3A_338 : memref<1x128xi32, #tpu.memory_space<vmem>> -> memref<128xi32, #tpu.memory_space<vmem>>
      %dma_wait3A_340 = arith.constant 0 : i32
      %dma_wait3A_341 = arith.constant 0 : i32
      %dma_wait3A_342 = tpu.memref_slice %arg10[%dma_wait3A_340, %dma_wait3A_341] : memref<10112x16xf32, #tpu.memory_space<vmem_shared>> -> memref<10112x16xf32, #tpu.memory_space<vmem_shared>>
      tpu.wait_indirect_dma semaphore(%arg12 : memref<!tpu.dma_semaphore, #tpu.memory_space<semaphore_mem>>) src(%dma_wait3A_336 : memref<128x16xf32, #tpu.memory_space<vmem>>) dst(%dma_wait3A_342 : memref<10112x16xf32, #tpu.memory_space<vmem_shared>>)
      %dma_wait3A_343 = arith.constant 2 : i32
      %dma_wait3A_344 = arith.constant 0 : i32
      %dma_wait3A_345 = arith.constant 0 : i32
      %dma_wait3A_346 = tpu.memref_slice %arg8[%dma_wait3A_343, %dma_wait3A_344, %dma_wait3A_345] : memref<8x128x16xf32, #tpu.memory_space<vmem>> -> memref<1x128x16xf32, #tpu.memory_space<vmem>>
      %dma_wait3A_347 = tpu.memref_squeeze %dma_wait3A_346 : memref<1x128x16xf32, #tpu.memory_space<vmem>> -> memref<128x16xf32, #tpu.memory_space<vmem>>
      %dma_wait3A_348 = arith.constant 0 : i32
      %dma_wait3A_349 = tpu.memref_slice %arg7[%add3A_244, %dma_wait3A_348] : memref<80x128xi32, #tpu.memory_space<vmem>> -> memref<1x128xi32, #tpu.memory_space<vmem>>
      %dma_wait3A_350 = tpu.memref_squeeze %dma_wait3A_349 : memref<1x128xi32, #tpu.memory_space<vmem>> -> memref<128xi32, #tpu.memory_space<vmem>>
      %dma_wait3A_351 = arith.constant 0 : i32
      %dma_wait3A_352 = arith.constant 0 : i32
      %dma_wait3A_353 = tpu.memref_slice %arg10[%dma_wait3A_351, %dma_wait3A_352] : memref<10112x16xf32, #tpu.memory_space<vmem_shared>> -> memref<10112x16xf32, #tpu.memory_space<vmem_shared>>
      tpu.wait_indirect_dma semaphore(%arg12 : memref<!tpu.dma_semaphore, #tpu.memory_space<semaphore_mem>>) src(%dma_wait3A_347 : memref<128x16xf32, #tpu.memory_space<vmem>>) dst(%dma_wait3A_353 : memref<10112x16xf32, #tpu.memory_space<vmem_shared>>)
      %dma_wait3A_354 = arith.constant 3 : i32
      %dma_wait3A_355 = arith.constant 0 : i32
      %dma_wait3A_356 = arith.constant 0 : i32
      %dma_wait3A_357 = tpu.memref_slice %arg8[%dma_wait3A_354, %dma_wait3A_355, %dma_wait3A_356] : memref<8x128x16xf32, #tpu.memory_space<vmem>> -> memref<1x128x16xf32, #tpu.memory_space<vmem>>
      %dma_wait3A_358 = tpu.memref_squeeze %dma_wait3A_357 : memref<1x128x16xf32, #tpu.memory_space<vmem>> -> memref<128x16xf32, #tpu.memory_space<vmem>>
      %dma_wait3A_359 = arith.constant 0 : i32
      %dma_wait3A_360 = tpu.memref_slice %arg7[%add3A_257, %dma_wait3A_359] : memref<80x128xi32, #tpu.memory_space<vmem>> -> memref<1x128xi32, #tpu.memory_space<vmem>>
      %dma_wait3A_361 = tpu.memref_squeeze %dma_wait3A_360 : memref<1x128xi32, #tpu.memory_space<vmem>> -> memref<128xi32, #tpu.memory_space<vmem>>
      %dma_wait3A_362 = arith.constant 0 : i32
      %dma_wait3A_363 = arith.constant 0 : i32
      %dma_wait3A_364 = tpu.memref_slice %arg10[%dma_wait3A_362, %dma_wait3A_363] : memref<10112x16xf32, #tpu.memory_space<vmem_shared>> -> memref<10112x16xf32, #tpu.memory_space<vmem_shared>>
      tpu.wait_indirect_dma semaphore(%arg12 : memref<!tpu.dma_semaphore, #tpu.memory_space<semaphore_mem>>) src(%dma_wait3A_358 : memref<128x16xf32, #tpu.memory_space<vmem>>) dst(%dma_wait3A_364 : memref<10112x16xf32, #tpu.memory_space<vmem_shared>>)
      %dma_wait3A_365 = arith.constant 4 : i32
      %dma_wait3A_366 = arith.constant 0 : i32
      %dma_wait3A_367 = arith.constant 0 : i32
      %dma_wait3A_368 = tpu.memref_slice %arg8[%dma_wait3A_365, %dma_wait3A_366, %dma_wait3A_367] : memref<8x128x16xf32, #tpu.memory_space<vmem>> -> memref<1x128x16xf32, #tpu.memory_space<vmem>>
      %dma_wait3A_369 = tpu.memref_squeeze %dma_wait3A_368 : memref<1x128x16xf32, #tpu.memory_space<vmem>> -> memref<128x16xf32, #tpu.memory_space<vmem>>
      %dma_wait3A_370 = arith.constant 0 : i32
      %dma_wait3A_371 = tpu.memref_slice %arg7[%add3A_270, %dma_wait3A_370] : memref<80x128xi32, #tpu.memory_space<vmem>> -> memref<1x128xi32, #tpu.memory_space<vmem>>
      %dma_wait3A_372 = tpu.memref_squeeze %dma_wait3A_371 : memref<1x128xi32, #tpu.memory_space<vmem>> -> memref<128xi32, #tpu.memory_space<vmem>>
      %dma_wait3A_373 = arith.constant 0 : i32
      %dma_wait3A_374 = arith.constant 0 : i32
      %dma_wait3A_375 = tpu.memref_slice %arg10[%dma_wait3A_373, %dma_wait3A_374] : memref<10112x16xf32, #tpu.memory_space<vmem_shared>> -> memref<10112x16xf32, #tpu.memory_space<vmem_shared>>
      tpu.wait_indirect_dma semaphore(%arg12 : memref<!tpu.dma_semaphore, #tpu.memory_space<semaphore_mem>>) src(%dma_wait3A_369 : memref<128x16xf32, #tpu.memory_space<vmem>>) dst(%dma_wait3A_375 : memref<10112x16xf32, #tpu.memory_space<vmem_shared>>)
      %dma_wait3A_376 = arith.constant 5 : i32
      %dma_wait3A_377 = arith.constant 0 : i32
      %dma_wait3A_378 = arith.constant 0 : i32
      %dma_wait3A_379 = tpu.memref_slice %arg8[%dma_wait3A_376, %dma_wait3A_377, %dma_wait3A_378] : memref<8x128x16xf32, #tpu.memory_space<vmem>> -> memref<1x128x16xf32, #tpu.memory_space<vmem>>
      %dma_wait3A_380 = tpu.memref_squeeze %dma_wait3A_379 : memref<1x128x16xf32, #tpu.memory_space<vmem>> -> memref<128x16xf32, #tpu.memory_space<vmem>>
      %dma_wait3A_381 = arith.constant 0 : i32
      %dma_wait3A_382 = tpu.memref_slice %arg7[%add3A_283, %dma_wait3A_381] : memref<80x128xi32, #tpu.memory_space<vmem>> -> memref<1x128xi32, #tpu.memory_space<vmem>>
      %dma_wait3A_383 = tpu.memref_squeeze %dma_wait3A_382 : memref<1x128xi32, #tpu.memory_space<vmem>> -> memref<128xi32, #tpu.memory_space<vmem>>
      %dma_wait3A_384 = arith.constant 0 : i32
      %dma_wait3A_385 = arith.constant 0 : i32
      %dma_wait3A_386 = tpu.memref_slice %arg10[%dma_wait3A_384, %dma_wait3A_385] : memref<10112x16xf32, #tpu.memory_space<vmem_shared>> -> memref<10112x16xf32, #tpu.memory_space<vmem_shared>>
      tpu.wait_indirect_dma semaphore(%arg12 : memref<!tpu.dma_semaphore, #tpu.memory_space<semaphore_mem>>) src(%dma_wait3A_380 : memref<128x16xf32, #tpu.memory_space<vmem>>) dst(%dma_wait3A_386 : memref<10112x16xf32, #tpu.memory_space<vmem_shared>>)
      %dma_wait3A_387 = arith.constant 6 : i32
      %dma_wait3A_388 = arith.constant 0 : i32
      %dma_wait3A_389 = arith.constant 0 : i32
      %dma_wait3A_390 = tpu.memref_slice %arg8[%dma_wait3A_387, %dma_wait3A_388, %dma_wait3A_389] : memref<8x128x16xf32, #tpu.memory_space<vmem>> -> memref<1x128x16xf32, #tpu.memory_space<vmem>>
      %dma_wait3A_391 = tpu.memref_squeeze %dma_wait3A_390 : memref<1x128x16xf32, #tpu.memory_space<vmem>> -> memref<128x16xf32, #tpu.memory_space<vmem>>
      %dma_wait3A_392 = arith.constant 0 : i32
      %dma_wait3A_393 = tpu.memref_slice %arg7[%add3A_296, %dma_wait3A_392] : memref<80x128xi32, #tpu.memory_space<vmem>> -> memref<1x128xi32, #tpu.memory_space<vmem>>
      %dma_wait3A_394 = tpu.memref_squeeze %dma_wait3A_393 : memref<1x128xi32, #tpu.memory_space<vmem>> -> memref<128xi32, #tpu.memory_space<vmem>>
      %dma_wait3A_395 = arith.constant 0 : i32
      %dma_wait3A_396 = arith.constant 0 : i32
      %dma_wait3A_397 = tpu.memref_slice %arg10[%dma_wait3A_395, %dma_wait3A_396] : memref<10112x16xf32, #tpu.memory_space<vmem_shared>> -> memref<10112x16xf32, #tpu.memory_space<vmem_shared>>
      tpu.wait_indirect_dma semaphore(%arg12 : memref<!tpu.dma_semaphore, #tpu.memory_space<semaphore_mem>>) src(%dma_wait3A_391 : memref<128x16xf32, #tpu.memory_space<vmem>>) dst(%dma_wait3A_397 : memref<10112x16xf32, #tpu.memory_space<vmem_shared>>)
      %dma_wait3A_398 = arith.constant 7 : i32
      %dma_wait3A_399 = arith.constant 0 : i32
      %dma_wait3A_400 = arith.constant 0 : i32
      %dma_wait3A_401 = tpu.memref_slice %arg8[%dma_wait3A_398, %dma_wait3A_399, %dma_wait3A_400] : memref<8x128x16xf32, #tpu.memory_space<vmem>> -> memref<1x128x16xf32, #tpu.memory_space<vmem>>
      %dma_wait3A_402 = tpu.memref_squeeze %dma_wait3A_401 : memref<1x128x16xf32, #tpu.memory_space<vmem>> -> memref<128x16xf32, #tpu.memory_space<vmem>>
      %dma_wait3A_403 = arith.constant 0 : i32
      %dma_wait3A_404 = tpu.memref_slice %arg7[%add3A_309, %dma_wait3A_403] : memref<80x128xi32, #tpu.memory_space<vmem>> -> memref<1x128xi32, #tpu.memory_space<vmem>>
      %dma_wait3A_405 = tpu.memref_squeeze %dma_wait3A_404 : memref<1x128xi32, #tpu.memory_space<vmem>> -> memref<128xi32, #tpu.memory_space<vmem>>
      %dma_wait3A_406 = arith.constant 0 : i32
      %dma_wait3A_407 = arith.constant 0 : i32
      %dma_wait3A_408 = tpu.memref_slice %arg10[%dma_wait3A_406, %dma_wait3A_407] : memref<10112x16xf32, #tpu.memory_space<vmem_shared>> -> memref<10112x16xf32, #tpu.memory_space<vmem_shared>>
      tpu.wait_indirect_dma semaphore(%arg12 : memref<!tpu.dma_semaphore, #tpu.memory_space<semaphore_mem>>) src(%dma_wait3A_402 : memref<128x16xf32, #tpu.memory_space<vmem>>) dst(%dma_wait3A_408 : memref<10112x16xf32, #tpu.memory_space<vmem_shared>>)
      %scan3A_409 = arith.constant 0 : i32
      scf.yield %scan3A_409 : i32
    }
    %scan3A_17 = arith.constant 10 : i32
    %barrier3A_18 = arith.constant 0 : index
    tpu.barrier barrier_id(%barrier3A_18)
    %mul3A_19 = arith.constant 632 : i32
    %mul3A_20 = arith.muli %arg1, %mul3A_19 : i32
    "tpu.region"() ({
      %run_scoped3A = tpu.sem_alloc : memref<!tpu.dma_semaphore, #tpu.memory_space<semaphore_mem>>
      %dma_start3A = arith.constant 0 : i32
      %dma_start3A_23 = tpu.memref_slice %arg10[%mul3A_20, %dma_start3A] : memref<10112x16xf32, #tpu.memory_space<vmem_shared>> -> memref<632x16xf32, #tpu.memory_space<vmem_shared>>
      %dma_start3A_24 = arith.constant 0 : i32
      %dma_start3A_25 = tpu.memref_slice %arg10[%mul3A_20, %dma_start3A_24] : memref<10112x16xf32, #tpu.memory_space<vmem_shared>> -> memref<632x16xf32, #tpu.memory_space<vmem_shared>>
      tpu.enqueue_dma source(%dma_start3A_25 : memref<632x16xf32, #tpu.memory_space<vmem_shared>>) target(%arg9 : memref<632x16xf32, #tpu.memory_space<vmem>>) target_semaphore(%run_scoped3A : memref<!tpu.dma_semaphore, #tpu.memory_space<semaphore_mem>>)
      %dma_wait3A = arith.constant 0 : i32
      %dma_wait3A_26 = tpu.memref_slice %arg10[%mul3A_20, %dma_wait3A] : memref<10112x16xf32, #tpu.memory_space<vmem_shared>> -> memref<632x16xf32, #tpu.memory_space<vmem_shared>>
      %dma_wait3A_27 = arith.constant 0 : i32
      %dma_wait3A_28 = tpu.memref_slice %arg10[%mul3A_20, %dma_wait3A_27] : memref<10112x16xf32, #tpu.memory_space<vmem_shared>> -> memref<632x16xf32, #tpu.memory_space<vmem_shared>>
      tpu.wait_dma2 semaphore(%run_scoped3A : memref<!tpu.dma_semaphore, #tpu.memory_space<semaphore_mem>>) src(%dma_wait3A_28 : memref<632x16xf32, #tpu.memory_space<vmem_shared>>) dst(%arg9 : memref<632x16xf32, #tpu.memory_space<vmem>>)
      tpu.yield
    }) : () -> ()
    %mul3A_21 = arith.constant 632 : i32
    %mul3A_22 = arith.muli %arg1, %mul3A_21 : i32
    "tpu.region"() ({
      %run_scoped3A = tpu.sem_alloc : memref<!tpu.dma_semaphore, #tpu.memory_space<semaphore_mem>>
      %dma_start3A = arith.constant 0 : i32
      %dma_start3A_23 = arith.constant 0 : i32
      %dma_start3A_24 = tpu.memref_slice %arg5[%arg0, %dma_start3A, %dma_start3A_23] : memref<2x10112x16xf32, #tpu.memory_space<hbm>> -> memref<1x10112x16xf32, #tpu.memory_space<hbm>>
      %dma_start3A_25 = tpu.memref_squeeze %dma_start3A_24 : memref<1x10112x16xf32, #tpu.memory_space<hbm>> -> memref<10112x16xf32, #tpu.memory_space<hbm>>
      %dma_start3A_26 = arith.constant 0 : i32
      %dma_start3A_27 = tpu.memref_slice %dma_start3A_25[%mul3A_22, %dma_start3A_26] : memref<10112x16xf32, #tpu.memory_space<hbm>> -> memref<632x16xf32, #tpu.memory_space<hbm>>
      %dma_start3A_28 = arith.constant 0 : i32
      %dma_start3A_29 = arith.constant 0 : i32
      %dma_start3A_30 = tpu.memref_slice %arg5[%arg0, %dma_start3A_28, %dma_start3A_29] : memref<2x10112x16xf32, #tpu.memory_space<hbm>> -> memref<1x10112x16xf32, #tpu.memory_space<hbm>>
      %dma_start3A_31 = tpu.memref_squeeze %dma_start3A_30 : memref<1x10112x16xf32, #tpu.memory_space<hbm>> -> memref<10112x16xf32, #tpu.memory_space<hbm>>
      %dma_start3A_32 = arith.constant 0 : i32
      %dma_start3A_33 = tpu.memref_slice %dma_start3A_31[%mul3A_22, %dma_start3A_32] : memref<10112x16xf32, #tpu.memory_space<hbm>> -> memref<632x16xf32, #tpu.memory_space<hbm>>
      tpu.enqueue_dma source(%arg9 : memref<632x16xf32, #tpu.memory_space<vmem>>) target(%dma_start3A_33 : memref<632x16xf32, #tpu.memory_space<hbm>>) target_semaphore(%run_scoped3A : memref<!tpu.dma_semaphore, #tpu.memory_space<semaphore_mem>>)
      %dma_wait3A = arith.constant 0 : i32
      %dma_wait3A_34 = arith.constant 0 : i32
      %dma_wait3A_35 = tpu.memref_slice %arg5[%arg0, %dma_wait3A, %dma_wait3A_34] : memref<2x10112x16xf32, #tpu.memory_space<hbm>> -> memref<1x10112x16xf32, #tpu.memory_space<hbm>>
      %dma_wait3A_36 = tpu.memref_squeeze %dma_wait3A_35 : memref<1x10112x16xf32, #tpu.memory_space<hbm>> -> memref<10112x16xf32, #tpu.memory_space<hbm>>
      %dma_wait3A_37 = arith.constant 0 : i32
      %dma_wait3A_38 = tpu.memref_slice %dma_wait3A_36[%mul3A_22, %dma_wait3A_37] : memref<10112x16xf32, #tpu.memory_space<hbm>> -> memref<632x16xf32, #tpu.memory_space<hbm>>
      %dma_wait3A_39 = arith.constant 0 : i32
      %dma_wait3A_40 = arith.constant 0 : i32
      %dma_wait3A_41 = tpu.memref_slice %arg5[%arg0, %dma_wait3A_39, %dma_wait3A_40] : memref<2x10112x16xf32, #tpu.memory_space<hbm>> -> memref<1x10112x16xf32, #tpu.memory_space<hbm>>
      %dma_wait3A_42 = tpu.memref_squeeze %dma_wait3A_41 : memref<1x10112x16xf32, #tpu.memory_space<hbm>> -> memref<10112x16xf32, #tpu.memory_space<hbm>>
      %dma_wait3A_43 = arith.constant 0 : i32
      %dma_wait3A_44 = tpu.memref_slice %dma_wait3A_42[%mul3A_22, %dma_wait3A_43] : memref<10112x16xf32, #tpu.memory_space<hbm>> -> memref<632x16xf32, #tpu.memory_space<hbm>>
      tpu.wait_dma2 semaphore(%run_scoped3A : memref<!tpu.dma_semaphore, #tpu.memory_space<semaphore_mem>>) src(%arg9 : memref<632x16xf32, #tpu.memory_space<vmem>>) dst(%dma_wait3A_44 : memref<632x16xf32, #tpu.memory_space<hbm>>)
      tpu.yield
    }) : () -> ()
    return
  }
}

#map = affine_map<(d0, d1) -> (0, 0)>
#map1 = affine_map<(d0, d1) -> (0, 0, 0)>
module attributes {stable_mosaic.version = 14 : i64} {
  func.func @_edge_pass_body(%arg0: i32, %arg1: i32, %arg2: memref<10000x16xf32, #tpu.memory_space<hbm>>, %arg3: memref<2560x128xi32, #tpu.memory_space<hbm>>, %arg4: memref<2560x128xi32, #tpu.memory_space<hbm>>, %arg5: memref<2x10112x16xf32, #tpu.memory_space<hbm>>, %arg6: memref<80x128xi32, #tpu.memory_space<vmem>>, %arg7: memref<80x128xi32, #tpu.memory_space<vmem>>, %arg8: memref<8x128x16xf32, #tpu.memory_space<vmem>>, %arg9: memref<632x16xf32, #tpu.memory_space<vmem>>, %arg10: memref<10112x16xf32, #tpu.memory_space<vmem_shared>>, %arg11: memref<!tpu.dma_semaphore, #tpu.memory_space<semaphore_mem>>, %arg12: memref<!tpu.dma_semaphore, #tpu.memory_space<semaphore_mem>>) attributes {dimension_semantics = [#tpu.dimension_semantics<core_parallel>, #tpu.dimension_semantics<subcore_parallel>], iteration_bounds = array<i64: 2, 16>, scalar_prefetch = 0 : i64, scratch_operands = 7 : i64, tpu.core_type = #tpu.core_type<sc_vector_subcore>, window_params = [{transform_indices = #map}, {transform_indices = #map}, {transform_indices = #map}, {transform_indices = #map1}]} {
    %mul3A = arith.constant 2 : i32
    %mul3A_0 = arith.muli %arg1, %mul3A : i32
    %add3A = arith.addi %mul3A_0, %arg0 : i32
    %scan3A = arith.constant 0 : i32
    %scan3A_1 = arith.constant 0 : i32
    %scan3A_2 = arith.constant 632 : i32
    %scan3A_3 = arith.addi %scan3A_1, %scan3A_2 : i32
    %scan3A_4 = arith.constant 1 : i32
    %scan3A_5 = scf.for %scan3A_23 = %scan3A_1 to %scan3A_3 step %scan3A_4 iter_args(%scan3A_24 = %scan3A) -> (i32)  : i32 {
      %broadcast_in_dim3A = arith.constant 0.000000e+00 : f32
      %broadcast_in_dim3A_25 = vector.broadcast %broadcast_in_dim3A : f32 to vector<16xf32>
      %swap3A = arith.index_cast %scan3A_23 : i32 to index
      %swap3A_26 = arith.constant 0 : index
      %swap3A_27 = tpu.vector_load %arg9[%swap3A, %swap3A_26] {strides = array<i32>} : memref<632x16xf32, #tpu.memory_space<vmem>>, vector<1x16xf32>,
      %swap3A_28 = vector.shape_cast %swap3A_27 : vector<1x16xf32> to vector<16xf32>
      %swap3A_29 = vector.shape_cast %broadcast_in_dim3A_25 : vector<16xf32> to vector<1x16xf32>
      tpu.vector_store %arg9[%swap3A, %swap3A_26], %swap3A_29 {strides = array<i32>} : memref<632x16xf32, #tpu.memory_space<vmem>>, vector<1x16xf32>,
      %scan3A_30 = arith.constant 0 : i32
      scf.yield %scan3A_30 : i32
    }
    %scan3A_6 = arith.constant 632 : i32
    %mul3A_7 = arith.constant 632 : i32
    %mul3A_8 = arith.muli %arg1, %mul3A_7 : i32
    "tpu.region"() ({
      %run_scoped3A = tpu.sem_alloc : memref<!tpu.dma_semaphore, #tpu.memory_space<semaphore_mem>>
      %dma_start3A = arith.constant 0 : i32
      %dma_start3A_23 = tpu.memref_slice %arg10[%mul3A_8, %dma_start3A] : memref<10112x16xf32, #tpu.memory_space<vmem_shared>> -> memref<632x16xf32, #tpu.memory_space<vmem_shared>>
      %dma_start3A_24 = arith.constant 0 : i32
      %dma_start3A_25 = tpu.memref_slice %arg10[%mul3A_8, %dma_start3A_24] : memref<10112x16xf32, #tpu.memory_space<vmem_shared>> -> memref<632x16xf32, #tpu.memory_space<vmem_shared>>
      tpu.enqueue_dma source(%arg9 : memref<632x16xf32, #tpu.memory_space<vmem>>) target(%dma_start3A_25 : memref<632x16xf32, #tpu.memory_space<vmem_shared>>) target_semaphore(%run_scoped3A : memref<!tpu.dma_semaphore, #tpu.memory_space<semaphore_mem>>)
      %dma_wait3A = arith.constant 0 : i32
      %dma_wait3A_26 = tpu.memref_slice %arg10[%mul3A_8, %dma_wait3A] : memref<10112x16xf32, #tpu.memory_space<vmem_shared>> -> memref<632x16xf32, #tpu.memory_space<vmem_shared>>
      %dma_wait3A_27 = arith.constant 0 : i32
      %dma_wait3A_28 = tpu.memref_slice %arg10[%mul3A_8, %dma_wait3A_27] : memref<10112x16xf32, #tpu.memory_space<vmem_shared>> -> memref<632x16xf32, #tpu.memory_space<vmem_shared>>
      tpu.wait_dma2 semaphore(%run_scoped3A : memref<!tpu.dma_semaphore, #tpu.memory_space<semaphore_mem>>) src(%arg9 : memref<632x16xf32, #tpu.memory_space<vmem>>) dst(%dma_wait3A_28 : memref<632x16xf32, #tpu.memory_space<vmem_shared>>)
      tpu.yield
    }) : () -> ()
    %barrier3A = arith.constant 0 : index
    tpu.barrier barrier_id(%barrier3A)
    %mul3A_9 = arith.constant 80 : i32
    %mul3A_10 = arith.muli %add3A, %mul3A_9 : i32
    "tpu.region"() ({
      %run_scoped3A = tpu.sem_alloc : memref<!tpu.dma_semaphore, #tpu.memory_space<semaphore_mem>>
      %dma_start3A = arith.constant 0 : i32
      %dma_start3A_23 = tpu.memref_slice %arg4[%mul3A_10, %dma_start3A] : memref<2560x128xi32, #tpu.memory_space<hbm>> -> memref<80x128xi32, #tpu.memory_space<hbm>>
      %dma_start3A_24 = arith.constant 0 : i32
      %dma_start3A_25 = tpu.memref_slice %arg4[%mul3A_10, %dma_start3A_24] : memref<2560x128xi32, #tpu.memory_space<hbm>> -> memref<80x128xi32, #tpu.memory_space<hbm>>
      tpu.enqueue_dma source(%dma_start3A_25 : memref<80x128xi32, #tpu.memory_space<hbm>>) target(%arg7 : memref<80x128xi32, #tpu.memory_space<vmem>>) target_semaphore(%run_scoped3A : memref<!tpu.dma_semaphore, #tpu.memory_space<semaphore_mem>>)
      %dma_wait3A = arith.constant 0 : i32
      %dma_wait3A_26 = tpu.memref_slice %arg4[%mul3A_10, %dma_wait3A] : memref<2560x128xi32, #tpu.memory_space<hbm>> -> memref<80x128xi32, #tpu.memory_space<hbm>>
      %dma_wait3A_27 = arith.constant 0 : i32
      %dma_wait3A_28 = tpu.memref_slice %arg4[%mul3A_10, %dma_wait3A_27] : memref<2560x128xi32, #tpu.memory_space<hbm>> -> memref<80x128xi32, #tpu.memory_space<hbm>>
      tpu.wait_dma2 semaphore(%run_scoped3A : memref<!tpu.dma_semaphore, #tpu.memory_space<semaphore_mem>>) src(%dma_wait3A_28 : memref<80x128xi32, #tpu.memory_space<hbm>>) dst(%arg7 : memref<80x128xi32, #tpu.memory_space<vmem>>)
      tpu.yield
    }) : () -> ()
    "tpu.region"() ({
      %run_scoped3A = tpu.sem_alloc : memref<!tpu.dma_semaphore, #tpu.memory_space<semaphore_mem>>
      %dma_start3A = arith.constant 0 : i32
      %dma_start3A_23 = tpu.memref_slice %arg3[%mul3A_10, %dma_start3A] : memref<2560x128xi32, #tpu.memory_space<hbm>> -> memref<80x128xi32, #tpu.memory_space<hbm>>
      %dma_start3A_24 = arith.constant 0 : i32
      %dma_start3A_25 = tpu.memref_slice %arg3[%mul3A_10, %dma_start3A_24] : memref<2560x128xi32, #tpu.memory_space<hbm>> -> memref<80x128xi32, #tpu.memory_space<hbm>>
      tpu.enqueue_dma source(%dma_start3A_25 : memref<80x128xi32, #tpu.memory_space<hbm>>) target(%arg6 : memref<80x128xi32, #tpu.memory_space<vmem>>) target_semaphore(%run_scoped3A : memref<!tpu.dma_semaphore, #tpu.memory_space<semaphore_mem>>)
      %dma_wait3A = arith.constant 0 : i32
      %dma_wait3A_26 = tpu.memref_slice %arg3[%mul3A_10, %dma_wait3A] : memref<2560x128xi32, #tpu.memory_space<hbm>> -> memref<80x128xi32, #tpu.memory_space<hbm>>
      %dma_wait3A_27 = arith.constant 0 : i32
      %dma_wait3A_28 = tpu.memref_slice %arg3[%mul3A_10, %dma_wait3A_27] : memref<2560x128xi32, #tpu.memory_space<hbm>> -> memref<80x128xi32, #tpu.memory_space<hbm>>
      tpu.wait_dma2 semaphore(%run_scoped3A : memref<!tpu.dma_semaphore, #tpu.memory_space<semaphore_mem>>) src(%dma_wait3A_28 : memref<80x128xi32, #tpu.memory_space<hbm>>) dst(%arg6 : memref<80x128xi32, #tpu.memory_space<vmem>>)
      tpu.yield
    }) : () -> ()
    %scan3A_11 = arith.constant 0 : i32
    %scan3A_12 = arith.constant 0 : i32
    %scan3A_13 = arith.constant 10 : i32
    %scan3A_14 = arith.addi %scan3A_12, %scan3A_13 : i32
    %scan3A_15 = arith.constant 1 : i32
    %scan3A_16 = scf.for %scan3A_23 = %scan3A_12 to %scan3A_14 step %scan3A_15 iter_args(%scan3A_24 = %scan3A_11) -> (i32)  : i32 {
      %mul3A_25 = arith.constant 8 : i32
      %mul3A_26 = arith.muli %scan3A_23, %mul3A_25 : i32
      %add3A_27 = arith.constant 0 : i32
      %add3A_28 = arith.addi %mul3A_26, %add3A_27 : i32
      %dma_start3A = arith.constant 0 : i32
      %dma_start3A_29 = arith.constant 0 : i32
      %dma_start3A_30 = arith.constant 0 : i32
      %dma_start3A_31 = tpu.memref_slice %arg8[%dma_start3A, %dma_start3A_29, %dma_start3A_30] : memref<8x128x16xf32, #tpu.memory_space<vmem>> -> memref<1x128x16xf32, #tpu.memory_space<vmem>>
      %dma_start3A_32 = tpu.memref_squeeze %dma_start3A_31 : memref<1x128x16xf32, #tpu.memory_space<vmem>> -> memref<128x16xf32, #tpu.memory_space<vmem>>
      %dma_start3A_33 = arith.constant 0 : i32
      %dma_start3A_34 = tpu.memref_slice %arg6[%add3A_28, %dma_start3A_33] : memref<80x128xi32, #tpu.memory_space<vmem>> -> memref<1x128xi32, #tpu.memory_space<vmem>>
      %dma_start3A_35 = tpu.memref_squeeze %dma_start3A_34 : memref<1x128xi32, #tpu.memory_space<vmem>> -> memref<128xi32, #tpu.memory_space<vmem>>
      %dma_start3A_36 = arith.constant 0 : i32
      %dma_start3A_37 = arith.constant 0 : i32
      %dma_start3A_38 = tpu.memref_slice %arg2[%dma_start3A_36, %dma_start3A_37] : memref<10000x16xf32, #tpu.memory_space<hbm>> -> memref<10000x16xf32, #tpu.memory_space<hbm>>
      tpu.enqueue_indirect_dma source(%dma_start3A_38 : memref<10000x16xf32, #tpu.memory_space<hbm>>) target(%dma_start3A_32 : memref<128x16xf32, #tpu.memory_space<vmem>>) offsets(%dma_start3A_35 : memref<128xi32, #tpu.memory_space<vmem>>) semaphore(%arg11 : memref<!tpu.dma_semaphore, #tpu.memory_space<semaphore_mem>>)
      %add3A_39 = arith.constant 1 : i32
      %add3A_40 = arith.addi %mul3A_26, %add3A_39 : i32
      %dma_start3A_41 = arith.constant 1 : i32
      %dma_start3A_42 = arith.constant 0 : i32
      %dma_start3A_43 = arith.constant 0 : i32
      %dma_start3A_44 = tpu.memref_slice %arg8[%dma_start3A_41, %dma_start3A_42, %dma_start3A_43] : memref<8x128x16xf32, #tpu.memory_space<vmem>> -> memref<1x128x16xf32, #tpu.memory_space<vmem>>
      %dma_start3A_45 = tpu.memref_squeeze %dma_start3A_44 : memref<1x128x16xf32, #tpu.memory_space<vmem>> -> memref<128x16xf32, #tpu.memory_space<vmem>>
      %dma_start3A_46 = arith.constant 0 : i32
      %dma_start3A_47 = tpu.memref_slice %arg6[%add3A_40, %dma_start3A_46] : memref<80x128xi32, #tpu.memory_space<vmem>> -> memref<1x128xi32, #tpu.memory_space<vmem>>
      %dma_start3A_48 = tpu.memref_squeeze %dma_start3A_47 : memref<1x128xi32, #tpu.memory_space<vmem>> -> memref<128xi32, #tpu.memory_space<vmem>>
      %dma_start3A_49 = arith.constant 0 : i32
      %dma_start3A_50 = arith.constant 0 : i32
      %dma_start3A_51 = tpu.memref_slice %arg2[%dma_start3A_49, %dma_start3A_50] : memref<10000x16xf32, #tpu.memory_space<hbm>> -> memref<10000x16xf32, #tpu.memory_space<hbm>>
      tpu.enqueue_indirect_dma source(%dma_start3A_51 : memref<10000x16xf32, #tpu.memory_space<hbm>>) target(%dma_start3A_45 : memref<128x16xf32, #tpu.memory_space<vmem>>) offsets(%dma_start3A_48 : memref<128xi32, #tpu.memory_space<vmem>>) semaphore(%arg11 : memref<!tpu.dma_semaphore, #tpu.memory_space<semaphore_mem>>)
      %add3A_52 = arith.constant 2 : i32
      %add3A_53 = arith.addi %mul3A_26, %add3A_52 : i32
      %dma_start3A_54 = arith.constant 2 : i32
      %dma_start3A_55 = arith.constant 0 : i32
      %dma_start3A_56 = arith.constant 0 : i32
      %dma_start3A_57 = tpu.memref_slice %arg8[%dma_start3A_54, %dma_start3A_55, %dma_start3A_56] : memref<8x128x16xf32, #tpu.memory_space<vmem>> -> memref<1x128x16xf32, #tpu.memory_space<vmem>>
      %dma_start3A_58 = tpu.memref_squeeze %dma_start3A_57 : memref<1x128x16xf32, #tpu.memory_space<vmem>> -> memref<128x16xf32, #tpu.memory_space<vmem>>
      %dma_start3A_59 = arith.constant 0 : i32
      %dma_start3A_60 = tpu.memref_slice %arg6[%add3A_53, %dma_start3A_59] : memref<80x128xi32, #tpu.memory_space<vmem>> -> memref<1x128xi32, #tpu.memory_space<vmem>>
      %dma_start3A_61 = tpu.memref_squeeze %dma_start3A_60 : memref<1x128xi32, #tpu.memory_space<vmem>> -> memref<128xi32, #tpu.memory_space<vmem>>
      %dma_start3A_62 = arith.constant 0 : i32
      %dma_start3A_63 = arith.constant 0 : i32
      %dma_start3A_64 = tpu.memref_slice %arg2[%dma_start3A_62, %dma_start3A_63] : memref<10000x16xf32, #tpu.memory_space<hbm>> -> memref<10000x16xf32, #tpu.memory_space<hbm>>
      tpu.enqueue_indirect_dma source(%dma_start3A_64 : memref<10000x16xf32, #tpu.memory_space<hbm>>) target(%dma_start3A_58 : memref<128x16xf32, #tpu.memory_space<vmem>>) offsets(%dma_start3A_61 : memref<128xi32, #tpu.memory_space<vmem>>) semaphore(%arg11 : memref<!tpu.dma_semaphore, #tpu.memory_space<semaphore_mem>>)
      %add3A_65 = arith.constant 3 : i32
      %add3A_66 = arith.addi %mul3A_26, %add3A_65 : i32
      %dma_start3A_67 = arith.constant 3 : i32
      %dma_start3A_68 = arith.constant 0 : i32
      %dma_start3A_69 = arith.constant 0 : i32
      %dma_start3A_70 = tpu.memref_slice %arg8[%dma_start3A_67, %dma_start3A_68, %dma_start3A_69] : memref<8x128x16xf32, #tpu.memory_space<vmem>> -> memref<1x128x16xf32, #tpu.memory_space<vmem>>
      %dma_start3A_71 = tpu.memref_squeeze %dma_start3A_70 : memref<1x128x16xf32, #tpu.memory_space<vmem>> -> memref<128x16xf32, #tpu.memory_space<vmem>>
      %dma_start3A_72 = arith.constant 0 : i32
      %dma_start3A_73 = tpu.memref_slice %arg6[%add3A_66, %dma_start3A_72] : memref<80x128xi32, #tpu.memory_space<vmem>> -> memref<1x128xi32, #tpu.memory_space<vmem>>
      %dma_start3A_74 = tpu.memref_squeeze %dma_start3A_73 : memref<1x128xi32, #tpu.memory_space<vmem>> -> memref<128xi32, #tpu.memory_space<vmem>>
      %dma_start3A_75 = arith.constant 0 : i32
      %dma_start3A_76 = arith.constant 0 : i32
      %dma_start3A_77 = tpu.memref_slice %arg2[%dma_start3A_75, %dma_start3A_76] : memref<10000x16xf32, #tpu.memory_space<hbm>> -> memref<10000x16xf32, #tpu.memory_space<hbm>>
      tpu.enqueue_indirect_dma source(%dma_start3A_77 : memref<10000x16xf32, #tpu.memory_space<hbm>>) target(%dma_start3A_71 : memref<128x16xf32, #tpu.memory_space<vmem>>) offsets(%dma_start3A_74 : memref<128xi32, #tpu.memory_space<vmem>>) semaphore(%arg11 : memref<!tpu.dma_semaphore, #tpu.memory_space<semaphore_mem>>)
      %add3A_78 = arith.constant 4 : i32
      %add3A_79 = arith.addi %mul3A_26, %add3A_78 : i32
      %dma_start3A_80 = arith.constant 4 : i32
      %dma_start3A_81 = arith.constant 0 : i32
      %dma_start3A_82 = arith.constant 0 : i32
      %dma_start3A_83 = tpu.memref_slice %arg8[%dma_start3A_80, %dma_start3A_81, %dma_start3A_82] : memref<8x128x16xf32, #tpu.memory_space<vmem>> -> memref<1x128x16xf32, #tpu.memory_space<vmem>>
      %dma_start3A_84 = tpu.memref_squeeze %dma_start3A_83 : memref<1x128x16xf32, #tpu.memory_space<vmem>> -> memref<128x16xf32, #tpu.memory_space<vmem>>
      %dma_start3A_85 = arith.constant 0 : i32
      %dma_start3A_86 = tpu.memref_slice %arg6[%add3A_79, %dma_start3A_85] : memref<80x128xi32, #tpu.memory_space<vmem>> -> memref<1x128xi32, #tpu.memory_space<vmem>>
      %dma_start3A_87 = tpu.memref_squeeze %dma_start3A_86 : memref<1x128xi32, #tpu.memory_space<vmem>> -> memref<128xi32, #tpu.memory_space<vmem>>
      %dma_start3A_88 = arith.constant 0 : i32
      %dma_start3A_89 = arith.constant 0 : i32
      %dma_start3A_90 = tpu.memref_slice %arg2[%dma_start3A_88, %dma_start3A_89] : memref<10000x16xf32, #tpu.memory_space<hbm>> -> memref<10000x16xf32, #tpu.memory_space<hbm>>
      tpu.enqueue_indirect_dma source(%dma_start3A_90 : memref<10000x16xf32, #tpu.memory_space<hbm>>) target(%dma_start3A_84 : memref<128x16xf32, #tpu.memory_space<vmem>>) offsets(%dma_start3A_87 : memref<128xi32, #tpu.memory_space<vmem>>) semaphore(%arg11 : memref<!tpu.dma_semaphore, #tpu.memory_space<semaphore_mem>>)
      %add3A_91 = arith.constant 5 : i32
      %add3A_92 = arith.addi %mul3A_26, %add3A_91 : i32
      %dma_start3A_93 = arith.constant 5 : i32
      %dma_start3A_94 = arith.constant 0 : i32
      %dma_start3A_95 = arith.constant 0 : i32
      %dma_start3A_96 = tpu.memref_slice %arg8[%dma_start3A_93, %dma_start3A_94, %dma_start3A_95] : memref<8x128x16xf32, #tpu.memory_space<vmem>> -> memref<1x128x16xf32, #tpu.memory_space<vmem>>
      %dma_start3A_97 = tpu.memref_squeeze %dma_start3A_96 : memref<1x128x16xf32, #tpu.memory_space<vmem>> -> memref<128x16xf32, #tpu.memory_space<vmem>>
      %dma_start3A_98 = arith.constant 0 : i32
      %dma_start3A_99 = tpu.memref_slice %arg6[%add3A_92, %dma_start3A_98] : memref<80x128xi32, #tpu.memory_space<vmem>> -> memref<1x128xi32, #tpu.memory_space<vmem>>
      %dma_start3A_100 = tpu.memref_squeeze %dma_start3A_99 : memref<1x128xi32, #tpu.memory_space<vmem>> -> memref<128xi32, #tpu.memory_space<vmem>>
      %dma_start3A_101 = arith.constant 0 : i32
      %dma_start3A_102 = arith.constant 0 : i32
      %dma_start3A_103 = tpu.memref_slice %arg2[%dma_start3A_101, %dma_start3A_102] : memref<10000x16xf32, #tpu.memory_space<hbm>> -> memref<10000x16xf32, #tpu.memory_space<hbm>>
      tpu.enqueue_indirect_dma source(%dma_start3A_103 : memref<10000x16xf32, #tpu.memory_space<hbm>>) target(%dma_start3A_97 : memref<128x16xf32, #tpu.memory_space<vmem>>) offsets(%dma_start3A_100 : memref<128xi32, #tpu.memory_space<vmem>>) semaphore(%arg11 : memref<!tpu.dma_semaphore, #tpu.memory_space<semaphore_mem>>)
      %add3A_104 = arith.constant 6 : i32
      %add3A_105 = arith.addi %mul3A_26, %add3A_104 : i32
      %dma_start3A_106 = arith.constant 6 : i32
      %dma_start3A_107 = arith.constant 0 : i32
      %dma_start3A_108 = arith.constant 0 : i32
      %dma_start3A_109 = tpu.memref_slice %arg8[%dma_start3A_106, %dma_start3A_107, %dma_start3A_108] : memref<8x128x16xf32, #tpu.memory_space<vmem>> -> memref<1x128x16xf32, #tpu.memory_space<vmem>>
      %dma_start3A_110 = tpu.memref_squeeze %dma_start3A_109 : memref<1x128x16xf32, #tpu.memory_space<vmem>> -> memref<128x16xf32, #tpu.memory_space<vmem>>
      %dma_start3A_111 = arith.constant 0 : i32
      %dma_start3A_112 = tpu.memref_slice %arg6[%add3A_105, %dma_start3A_111] : memref<80x128xi32, #tpu.memory_space<vmem>> -> memref<1x128xi32, #tpu.memory_space<vmem>>
      %dma_start3A_113 = tpu.memref_squeeze %dma_start3A_112 : memref<1x128xi32, #tpu.memory_space<vmem>> -> memref<128xi32, #tpu.memory_space<vmem>>
      %dma_start3A_114 = arith.constant 0 : i32
      %dma_start3A_115 = arith.constant 0 : i32
      %dma_start3A_116 = tpu.memref_slice %arg2[%dma_start3A_114, %dma_start3A_115] : memref<10000x16xf32, #tpu.memory_space<hbm>> -> memref<10000x16xf32, #tpu.memory_space<hbm>>
      tpu.enqueue_indirect_dma source(%dma_start3A_116 : memref<10000x16xf32, #tpu.memory_space<hbm>>) target(%dma_start3A_110 : memref<128x16xf32, #tpu.memory_space<vmem>>) offsets(%dma_start3A_113 : memref<128xi32, #tpu.memory_space<vmem>>) semaphore(%arg11 : memref<!tpu.dma_semaphore, #tpu.memory_space<semaphore_mem>>)
      %add3A_117 = arith.constant 7 : i32
      %add3A_118 = arith.addi %mul3A_26, %add3A_117 : i32
      %dma_start3A_119 = arith.constant 7 : i32
      %dma_start3A_120 = arith.constant 0 : i32
      %dma_start3A_121 = arith.constant 0 : i32
      %dma_start3A_122 = tpu.memref_slice %arg8[%dma_start3A_119, %dma_start3A_120, %dma_start3A_121] : memref<8x128x16xf32, #tpu.memory_space<vmem>> -> memref<1x128x16xf32, #tpu.memory_space<vmem>>
      %dma_start3A_123 = tpu.memref_squeeze %dma_start3A_122 : memref<1x128x16xf32, #tpu.memory_space<vmem>> -> memref<128x16xf32, #tpu.memory_space<vmem>>
      %dma_start3A_124 = arith.constant 0 : i32
      %dma_start3A_125 = tpu.memref_slice %arg6[%add3A_118, %dma_start3A_124] : memref<80x128xi32, #tpu.memory_space<vmem>> -> memref<1x128xi32, #tpu.memory_space<vmem>>
      %dma_start3A_126 = tpu.memref_squeeze %dma_start3A_125 : memref<1x128xi32, #tpu.memory_space<vmem>> -> memref<128xi32, #tpu.memory_space<vmem>>
      %dma_start3A_127 = arith.constant 0 : i32
      %dma_start3A_128 = arith.constant 0 : i32
      %dma_start3A_129 = tpu.memref_slice %arg2[%dma_start3A_127, %dma_start3A_128] : memref<10000x16xf32, #tpu.memory_space<hbm>> -> memref<10000x16xf32, #tpu.memory_space<hbm>>
      tpu.enqueue_indirect_dma source(%dma_start3A_129 : memref<10000x16xf32, #tpu.memory_space<hbm>>) target(%dma_start3A_123 : memref<128x16xf32, #tpu.memory_space<vmem>>) offsets(%dma_start3A_126 : memref<128xi32, #tpu.memory_space<vmem>>) semaphore(%arg11 : memref<!tpu.dma_semaphore, #tpu.memory_space<semaphore_mem>>)
      %dma_wait3A = arith.constant 0 : i32
      %dma_wait3A_130 = arith.constant 0 : i32
      %dma_wait3A_131 = arith.constant 0 : i32
      %dma_wait3A_132 = tpu.memref_slice %arg8[%dma_wait3A, %dma_wait3A_130, %dma_wait3A_131] : memref<8x128x16xf32, #tpu.memory_space<vmem>> -> memref<1x128x16xf32, #tpu.memory_space<vmem>>
      %dma_wait3A_133 = tpu.memref_squeeze %dma_wait3A_132 : memref<1x128x16xf32, #tpu.memory_space<vmem>> -> memref<128x16xf32, #tpu.memory_space<vmem>>
      %dma_wait3A_134 = arith.constant 0 : i32
      %dma_wait3A_135 = tpu.memref_slice %arg6[%add3A_28, %dma_wait3A_134] : memref<80x128xi32, #tpu.memory_space<vmem>> -> memref<1x128xi32, #tpu.memory_space<vmem>>
      %dma_wait3A_136 = tpu.memref_squeeze %dma_wait3A_135 : memref<1x128xi32, #tpu.memory_space<vmem>> -> memref<128xi32, #tpu.memory_space<vmem>>
      %dma_wait3A_137 = arith.constant 0 : i32
      %dma_wait3A_138 = arith.constant 0 : i32
      %dma_wait3A_139 = tpu.memref_slice %arg2[%dma_wait3A_137, %dma_wait3A_138] : memref<10000x16xf32, #tpu.memory_space<hbm>> -> memref<10000x16xf32, #tpu.memory_space<hbm>>
      tpu.wait_indirect_dma semaphore(%arg11 : memref<!tpu.dma_semaphore, #tpu.memory_space<semaphore_mem>>) src(%dma_wait3A_139 : memref<10000x16xf32, #tpu.memory_space<hbm>>) dst(%dma_wait3A_133 : memref<128x16xf32, #tpu.memory_space<vmem>>)
      %dma_wait3A_140 = arith.constant 1 : i32
      %dma_wait3A_141 = arith.constant 0 : i32
      %dma_wait3A_142 = arith.constant 0 : i32
      %dma_wait3A_143 = tpu.memref_slice %arg8[%dma_wait3A_140, %dma_wait3A_141, %dma_wait3A_142] : memref<8x128x16xf32, #tpu.memory_space<vmem>> -> memref<1x128x16xf32, #tpu.memory_space<vmem>>
      %dma_wait3A_144 = tpu.memref_squeeze %dma_wait3A_143 : memref<1x128x16xf32, #tpu.memory_space<vmem>> -> memref<128x16xf32, #tpu.memory_space<vmem>>
      %dma_wait3A_145 = arith.constant 0 : i32
      %dma_wait3A_146 = tpu.memref_slice %arg6[%add3A_40, %dma_wait3A_145] : memref<80x128xi32, #tpu.memory_space<vmem>> -> memref<1x128xi32, #tpu.memory_space<vmem>>
      %dma_wait3A_147 = tpu.memref_squeeze %dma_wait3A_146 : memref<1x128xi32, #tpu.memory_space<vmem>> -> memref<128xi32, #tpu.memory_space<vmem>>
      %dma_wait3A_148 = arith.constant 0 : i32
      %dma_wait3A_149 = arith.constant 0 : i32
      %dma_wait3A_150 = tpu.memref_slice %arg2[%dma_wait3A_148, %dma_wait3A_149] : memref<10000x16xf32, #tpu.memory_space<hbm>> -> memref<10000x16xf32, #tpu.memory_space<hbm>>
      tpu.wait_indirect_dma semaphore(%arg11 : memref<!tpu.dma_semaphore, #tpu.memory_space<semaphore_mem>>) src(%dma_wait3A_150 : memref<10000x16xf32, #tpu.memory_space<hbm>>) dst(%dma_wait3A_144 : memref<128x16xf32, #tpu.memory_space<vmem>>)
      %dma_wait3A_151 = arith.constant 2 : i32
      %dma_wait3A_152 = arith.constant 0 : i32
      %dma_wait3A_153 = arith.constant 0 : i32
      %dma_wait3A_154 = tpu.memref_slice %arg8[%dma_wait3A_151, %dma_wait3A_152, %dma_wait3A_153] : memref<8x128x16xf32, #tpu.memory_space<vmem>> -> memref<1x128x16xf32, #tpu.memory_space<vmem>>
      %dma_wait3A_155 = tpu.memref_squeeze %dma_wait3A_154 : memref<1x128x16xf32, #tpu.memory_space<vmem>> -> memref<128x16xf32, #tpu.memory_space<vmem>>
      %dma_wait3A_156 = arith.constant 0 : i32
      %dma_wait3A_157 = tpu.memref_slice %arg6[%add3A_53, %dma_wait3A_156] : memref<80x128xi32, #tpu.memory_space<vmem>> -> memref<1x128xi32, #tpu.memory_space<vmem>>
      %dma_wait3A_158 = tpu.memref_squeeze %dma_wait3A_157 : memref<1x128xi32, #tpu.memory_space<vmem>> -> memref<128xi32, #tpu.memory_space<vmem>>
      %dma_wait3A_159 = arith.constant 0 : i32
      %dma_wait3A_160 = arith.constant 0 : i32
      %dma_wait3A_161 = tpu.memref_slice %arg2[%dma_wait3A_159, %dma_wait3A_160] : memref<10000x16xf32, #tpu.memory_space<hbm>> -> memref<10000x16xf32, #tpu.memory_space<hbm>>
      tpu.wait_indirect_dma semaphore(%arg11 : memref<!tpu.dma_semaphore, #tpu.memory_space<semaphore_mem>>) src(%dma_wait3A_161 : memref<10000x16xf32, #tpu.memory_space<hbm>>) dst(%dma_wait3A_155 : memref<128x16xf32, #tpu.memory_space<vmem>>)
      %dma_wait3A_162 = arith.constant 3 : i32
      %dma_wait3A_163 = arith.constant 0 : i32
      %dma_wait3A_164 = arith.constant 0 : i32
      %dma_wait3A_165 = tpu.memref_slice %arg8[%dma_wait3A_162, %dma_wait3A_163, %dma_wait3A_164] : memref<8x128x16xf32, #tpu.memory_space<vmem>> -> memref<1x128x16xf32, #tpu.memory_space<vmem>>
      %dma_wait3A_166 = tpu.memref_squeeze %dma_wait3A_165 : memref<1x128x16xf32, #tpu.memory_space<vmem>> -> memref<128x16xf32, #tpu.memory_space<vmem>>
      %dma_wait3A_167 = arith.constant 0 : i32
      %dma_wait3A_168 = tpu.memref_slice %arg6[%add3A_66, %dma_wait3A_167] : memref<80x128xi32, #tpu.memory_space<vmem>> -> memref<1x128xi32, #tpu.memory_space<vmem>>
      %dma_wait3A_169 = tpu.memref_squeeze %dma_wait3A_168 : memref<1x128xi32, #tpu.memory_space<vmem>> -> memref<128xi32, #tpu.memory_space<vmem>>
      %dma_wait3A_170 = arith.constant 0 : i32
      %dma_wait3A_171 = arith.constant 0 : i32
      %dma_wait3A_172 = tpu.memref_slice %arg2[%dma_wait3A_170, %dma_wait3A_171] : memref<10000x16xf32, #tpu.memory_space<hbm>> -> memref<10000x16xf32, #tpu.memory_space<hbm>>
      tpu.wait_indirect_dma semaphore(%arg11 : memref<!tpu.dma_semaphore, #tpu.memory_space<semaphore_mem>>) src(%dma_wait3A_172 : memref<10000x16xf32, #tpu.memory_space<hbm>>) dst(%dma_wait3A_166 : memref<128x16xf32, #tpu.memory_space<vmem>>)
      %dma_wait3A_173 = arith.constant 4 : i32
      %dma_wait3A_174 = arith.constant 0 : i32
      %dma_wait3A_175 = arith.constant 0 : i32
      %dma_wait3A_176 = tpu.memref_slice %arg8[%dma_wait3A_173, %dma_wait3A_174, %dma_wait3A_175] : memref<8x128x16xf32, #tpu.memory_space<vmem>> -> memref<1x128x16xf32, #tpu.memory_space<vmem>>
      %dma_wait3A_177 = tpu.memref_squeeze %dma_wait3A_176 : memref<1x128x16xf32, #tpu.memory_space<vmem>> -> memref<128x16xf32, #tpu.memory_space<vmem>>
      %dma_wait3A_178 = arith.constant 0 : i32
      %dma_wait3A_179 = tpu.memref_slice %arg6[%add3A_79, %dma_wait3A_178] : memref<80x128xi32, #tpu.memory_space<vmem>> -> memref<1x128xi32, #tpu.memory_space<vmem>>
      %dma_wait3A_180 = tpu.memref_squeeze %dma_wait3A_179 : memref<1x128xi32, #tpu.memory_space<vmem>> -> memref<128xi32, #tpu.memory_space<vmem>>
      %dma_wait3A_181 = arith.constant 0 : i32
      %dma_wait3A_182 = arith.constant 0 : i32
      %dma_wait3A_183 = tpu.memref_slice %arg2[%dma_wait3A_181, %dma_wait3A_182] : memref<10000x16xf32, #tpu.memory_space<hbm>> -> memref<10000x16xf32, #tpu.memory_space<hbm>>
      tpu.wait_indirect_dma semaphore(%arg11 : memref<!tpu.dma_semaphore, #tpu.memory_space<semaphore_mem>>) src(%dma_wait3A_183 : memref<10000x16xf32, #tpu.memory_space<hbm>>) dst(%dma_wait3A_177 : memref<128x16xf32, #tpu.memory_space<vmem>>)
      %dma_wait3A_184 = arith.constant 5 : i32
      %dma_wait3A_185 = arith.constant 0 : i32
      %dma_wait3A_186 = arith.constant 0 : i32
      %dma_wait3A_187 = tpu.memref_slice %arg8[%dma_wait3A_184, %dma_wait3A_185, %dma_wait3A_186] : memref<8x128x16xf32, #tpu.memory_space<vmem>> -> memref<1x128x16xf32, #tpu.memory_space<vmem>>
      %dma_wait3A_188 = tpu.memref_squeeze %dma_wait3A_187 : memref<1x128x16xf32, #tpu.memory_space<vmem>> -> memref<128x16xf32, #tpu.memory_space<vmem>>
      %dma_wait3A_189 = arith.constant 0 : i32
      %dma_wait3A_190 = tpu.memref_slice %arg6[%add3A_92, %dma_wait3A_189] : memref<80x128xi32, #tpu.memory_space<vmem>> -> memref<1x128xi32, #tpu.memory_space<vmem>>
      %dma_wait3A_191 = tpu.memref_squeeze %dma_wait3A_190 : memref<1x128xi32, #tpu.memory_space<vmem>> -> memref<128xi32, #tpu.memory_space<vmem>>
      %dma_wait3A_192 = arith.constant 0 : i32
      %dma_wait3A_193 = arith.constant 0 : i32
      %dma_wait3A_194 = tpu.memref_slice %arg2[%dma_wait3A_192, %dma_wait3A_193] : memref<10000x16xf32, #tpu.memory_space<hbm>> -> memref<10000x16xf32, #tpu.memory_space<hbm>>
      tpu.wait_indirect_dma semaphore(%arg11 : memref<!tpu.dma_semaphore, #tpu.memory_space<semaphore_mem>>) src(%dma_wait3A_194 : memref<10000x16xf32, #tpu.memory_space<hbm>>) dst(%dma_wait3A_188 : memref<128x16xf32, #tpu.memory_space<vmem>>)
      %dma_wait3A_195 = arith.constant 6 : i32
      %dma_wait3A_196 = arith.constant 0 : i32
      %dma_wait3A_197 = arith.constant 0 : i32
      %dma_wait3A_198 = tpu.memref_slice %arg8[%dma_wait3A_195, %dma_wait3A_196, %dma_wait3A_197] : memref<8x128x16xf32, #tpu.memory_space<vmem>> -> memref<1x128x16xf32, #tpu.memory_space<vmem>>
      %dma_wait3A_199 = tpu.memref_squeeze %dma_wait3A_198 : memref<1x128x16xf32, #tpu.memory_space<vmem>> -> memref<128x16xf32, #tpu.memory_space<vmem>>
      %dma_wait3A_200 = arith.constant 0 : i32
      %dma_wait3A_201 = tpu.memref_slice %arg6[%add3A_105, %dma_wait3A_200] : memref<80x128xi32, #tpu.memory_space<vmem>> -> memref<1x128xi32, #tpu.memory_space<vmem>>
      %dma_wait3A_202 = tpu.memref_squeeze %dma_wait3A_201 : memref<1x128xi32, #tpu.memory_space<vmem>> -> memref<128xi32, #tpu.memory_space<vmem>>
      %dma_wait3A_203 = arith.constant 0 : i32
      %dma_wait3A_204 = arith.constant 0 : i32
      %dma_wait3A_205 = tpu.memref_slice %arg2[%dma_wait3A_203, %dma_wait3A_204] : memref<10000x16xf32, #tpu.memory_space<hbm>> -> memref<10000x16xf32, #tpu.memory_space<hbm>>
      tpu.wait_indirect_dma semaphore(%arg11 : memref<!tpu.dma_semaphore, #tpu.memory_space<semaphore_mem>>) src(%dma_wait3A_205 : memref<10000x16xf32, #tpu.memory_space<hbm>>) dst(%dma_wait3A_199 : memref<128x16xf32, #tpu.memory_space<vmem>>)
      %dma_wait3A_206 = arith.constant 7 : i32
      %dma_wait3A_207 = arith.constant 0 : i32
      %dma_wait3A_208 = arith.constant 0 : i32
      %dma_wait3A_209 = tpu.memref_slice %arg8[%dma_wait3A_206, %dma_wait3A_207, %dma_wait3A_208] : memref<8x128x16xf32, #tpu.memory_space<vmem>> -> memref<1x128x16xf32, #tpu.memory_space<vmem>>
      %dma_wait3A_210 = tpu.memref_squeeze %dma_wait3A_209 : memref<1x128x16xf32, #tpu.memory_space<vmem>> -> memref<128x16xf32, #tpu.memory_space<vmem>>
      %dma_wait3A_211 = arith.constant 0 : i32
      %dma_wait3A_212 = tpu.memref_slice %arg6[%add3A_118, %dma_wait3A_211] : memref<80x128xi32, #tpu.memory_space<vmem>> -> memref<1x128xi32, #tpu.memory_space<vmem>>
      %dma_wait3A_213 = tpu.memref_squeeze %dma_wait3A_212 : memref<1x128xi32, #tpu.memory_space<vmem>> -> memref<128xi32, #tpu.memory_space<vmem>>
      %dma_wait3A_214 = arith.constant 0 : i32
      %dma_wait3A_215 = arith.constant 0 : i32
      %dma_wait3A_216 = tpu.memref_slice %arg2[%dma_wait3A_214, %dma_wait3A_215] : memref<10000x16xf32, #tpu.memory_space<hbm>> -> memref<10000x16xf32, #tpu.memory_space<hbm>>
      tpu.wait_indirect_dma semaphore(%arg11 : memref<!tpu.dma_semaphore, #tpu.memory_space<semaphore_mem>>) src(%dma_wait3A_216 : memref<10000x16xf32, #tpu.memory_space<hbm>>) dst(%dma_wait3A_210 : memref<128x16xf32, #tpu.memory_space<vmem>>)
      %add3A_217 = arith.constant 0 : i32
      %add3A_218 = arith.addi %mul3A_26, %add3A_217 : i32
      %dma_start3A_219 = arith.constant 0 : i32
      %dma_start3A_220 = arith.constant 0 : i32
      %dma_start3A_221 = arith.constant 0 : i32
      %dma_start3A_222 = tpu.memref_slice %arg8[%dma_start3A_219, %dma_start3A_220, %dma_start3A_221] : memref<8x128x16xf32, #tpu.memory_space<vmem>> -> memref<1x128x16xf32, #tpu.memory_space<vmem>>
      %dma_start3A_223 = tpu.memref_squeeze %dma_start3A_222 : memref<1x128x16xf32, #tpu.memory_space<vmem>> -> memref<128x16xf32, #tpu.memory_space<vmem>>
      %dma_start3A_224 = arith.constant 0 : i32
      %dma_start3A_225 = tpu.memref_slice %arg7[%add3A_218, %dma_start3A_224] : memref<80x128xi32, #tpu.memory_space<vmem>> -> memref<1x128xi32, #tpu.memory_space<vmem>>
      %dma_start3A_226 = tpu.memref_squeeze %dma_start3A_225 : memref<1x128xi32, #tpu.memory_space<vmem>> -> memref<128xi32, #tpu.memory_space<vmem>>
      %dma_start3A_227 = arith.constant 0 : i32
      %dma_start3A_228 = arith.constant 0 : i32
      %dma_start3A_229 = tpu.memref_slice %arg10[%dma_start3A_227, %dma_start3A_228] : memref<10112x16xf32, #tpu.memory_space<vmem_shared>> -> memref<10112x16xf32, #tpu.memory_space<vmem_shared>>
      tpu.enqueue_indirect_dma source(%dma_start3A_223 : memref<128x16xf32, #tpu.memory_space<vmem>>) target(%dma_start3A_229 : memref<10112x16xf32, #tpu.memory_space<vmem_shared>>) offsets(%dma_start3A_226 : memref<128xi32, #tpu.memory_space<vmem>>) semaphore(%arg12 : memref<!tpu.dma_semaphore, #tpu.memory_space<semaphore_mem>>) {add = true}
      %add3A_230 = arith.constant 1 : i32
      %add3A_231 = arith.addi %mul3A_26, %add3A_230 : i32
      %dma_start3A_232 = arith.constant 1 : i32
      %dma_start3A_233 = arith.constant 0 : i32
      %dma_start3A_234 = arith.constant 0 : i32
      %dma_start3A_235 = tpu.memref_slice %arg8[%dma_start3A_232, %dma_start3A_233, %dma_start3A_234] : memref<8x128x16xf32, #tpu.memory_space<vmem>> -> memref<1x128x16xf32, #tpu.memory_space<vmem>>
      %dma_start3A_236 = tpu.memref_squeeze %dma_start3A_235 : memref<1x128x16xf32, #tpu.memory_space<vmem>> -> memref<128x16xf32, #tpu.memory_space<vmem>>
      %dma_start3A_237 = arith.constant 0 : i32
      %dma_start3A_238 = tpu.memref_slice %arg7[%add3A_231, %dma_start3A_237] : memref<80x128xi32, #tpu.memory_space<vmem>> -> memref<1x128xi32, #tpu.memory_space<vmem>>
      %dma_start3A_239 = tpu.memref_squeeze %dma_start3A_238 : memref<1x128xi32, #tpu.memory_space<vmem>> -> memref<128xi32, #tpu.memory_space<vmem>>
      %dma_start3A_240 = arith.constant 0 : i32
      %dma_start3A_241 = arith.constant 0 : i32
      %dma_start3A_242 = tpu.memref_slice %arg10[%dma_start3A_240, %dma_start3A_241] : memref<10112x16xf32, #tpu.memory_space<vmem_shared>> -> memref<10112x16xf32, #tpu.memory_space<vmem_shared>>
      tpu.enqueue_indirect_dma source(%dma_start3A_236 : memref<128x16xf32, #tpu.memory_space<vmem>>) target(%dma_start3A_242 : memref<10112x16xf32, #tpu.memory_space<vmem_shared>>) offsets(%dma_start3A_239 : memref<128xi32, #tpu.memory_space<vmem>>) semaphore(%arg12 : memref<!tpu.dma_semaphore, #tpu.memory_space<semaphore_mem>>) {add = true}
      %add3A_243 = arith.constant 2 : i32
      %add3A_244 = arith.addi %mul3A_26, %add3A_243 : i32
      %dma_start3A_245 = arith.constant 2 : i32
      %dma_start3A_246 = arith.constant 0 : i32
      %dma_start3A_247 = arith.constant 0 : i32
      %dma_start3A_248 = tpu.memref_slice %arg8[%dma_start3A_245, %dma_start3A_246, %dma_start3A_247] : memref<8x128x16xf32, #tpu.memory_space<vmem>> -> memref<1x128x16xf32, #tpu.memory_space<vmem>>
      %dma_start3A_249 = tpu.memref_squeeze %dma_start3A_248 : memref<1x128x16xf32, #tpu.memory_space<vmem>> -> memref<128x16xf32, #tpu.memory_space<vmem>>
      %dma_start3A_250 = arith.constant 0 : i32
      %dma_start3A_251 = tpu.memref_slice %arg7[%add3A_244, %dma_start3A_250] : memref<80x128xi32, #tpu.memory_space<vmem>> -> memref<1x128xi32, #tpu.memory_space<vmem>>
      %dma_start3A_252 = tpu.memref_squeeze %dma_start3A_251 : memref<1x128xi32, #tpu.memory_space<vmem>> -> memref<128xi32, #tpu.memory_space<vmem>>
      %dma_start3A_253 = arith.constant 0 : i32
      %dma_start3A_254 = arith.constant 0 : i32
      %dma_start3A_255 = tpu.memref_slice %arg10[%dma_start3A_253, %dma_start3A_254] : memref<10112x16xf32, #tpu.memory_space<vmem_shared>> -> memref<10112x16xf32, #tpu.memory_space<vmem_shared>>
      tpu.enqueue_indirect_dma source(%dma_start3A_249 : memref<128x16xf32, #tpu.memory_space<vmem>>) target(%dma_start3A_255 : memref<10112x16xf32, #tpu.memory_space<vmem_shared>>) offsets(%dma_start3A_252 : memref<128xi32, #tpu.memory_space<vmem>>) semaphore(%arg12 : memref<!tpu.dma_semaphore, #tpu.memory_space<semaphore_mem>>) {add = true}
      %add3A_256 = arith.constant 3 : i32
      %add3A_257 = arith.addi %mul3A_26, %add3A_256 : i32
      %dma_start3A_258 = arith.constant 3 : i32
      %dma_start3A_259 = arith.constant 0 : i32
      %dma_start3A_260 = arith.constant 0 : i32
      %dma_start3A_261 = tpu.memref_slice %arg8[%dma_start3A_258, %dma_start3A_259, %dma_start3A_260] : memref<8x128x16xf32, #tpu.memory_space<vmem>> -> memref<1x128x16xf32, #tpu.memory_space<vmem>>
      %dma_start3A_262 = tpu.memref_squeeze %dma_start3A_261 : memref<1x128x16xf32, #tpu.memory_space<vmem>> -> memref<128x16xf32, #tpu.memory_space<vmem>>
      %dma_start3A_263 = arith.constant 0 : i32
      %dma_start3A_264 = tpu.memref_slice %arg7[%add3A_257, %dma_start3A_263] : memref<80x128xi32, #tpu.memory_space<vmem>> -> memref<1x128xi32, #tpu.memory_space<vmem>>
      %dma_start3A_265 = tpu.memref_squeeze %dma_start3A_264 : memref<1x128xi32, #tpu.memory_space<vmem>> -> memref<128xi32, #tpu.memory_space<vmem>>
      %dma_start3A_266 = arith.constant 0 : i32
      %dma_start3A_267 = arith.constant 0 : i32
      %dma_start3A_268 = tpu.memref_slice %arg10[%dma_start3A_266, %dma_start3A_267] : memref<10112x16xf32, #tpu.memory_space<vmem_shared>> -> memref<10112x16xf32, #tpu.memory_space<vmem_shared>>
      tpu.enqueue_indirect_dma source(%dma_start3A_262 : memref<128x16xf32, #tpu.memory_space<vmem>>) target(%dma_start3A_268 : memref<10112x16xf32, #tpu.memory_space<vmem_shared>>) offsets(%dma_start3A_265 : memref<128xi32, #tpu.memory_space<vmem>>) semaphore(%arg12 : memref<!tpu.dma_semaphore, #tpu.memory_space<semaphore_mem>>) {add = true}
      %add3A_269 = arith.constant 4 : i32
      %add3A_270 = arith.addi %mul3A_26, %add3A_269 : i32
      %dma_start3A_271 = arith.constant 4 : i32
      %dma_start3A_272 = arith.constant 0 : i32
      %dma_start3A_273 = arith.constant 0 : i32
      %dma_start3A_274 = tpu.memref_slice %arg8[%dma_start3A_271, %dma_start3A_272, %dma_start3A_273] : memref<8x128x16xf32, #tpu.memory_space<vmem>> -> memref<1x128x16xf32, #tpu.memory_space<vmem>>
      %dma_start3A_275 = tpu.memref_squeeze %dma_start3A_274 : memref<1x128x16xf32, #tpu.memory_space<vmem>> -> memref<128x16xf32, #tpu.memory_space<vmem>>
      %dma_start3A_276 = arith.constant 0 : i32
      %dma_start3A_277 = tpu.memref_slice %arg7[%add3A_270, %dma_start3A_276] : memref<80x128xi32, #tpu.memory_space<vmem>> -> memref<1x128xi32, #tpu.memory_space<vmem>>
      %dma_start3A_278 = tpu.memref_squeeze %dma_start3A_277 : memref<1x128xi32, #tpu.memory_space<vmem>> -> memref<128xi32, #tpu.memory_space<vmem>>
      %dma_start3A_279 = arith.constant 0 : i32
      %dma_start3A_280 = arith.constant 0 : i32
      %dma_start3A_281 = tpu.memref_slice %arg10[%dma_start3A_279, %dma_start3A_280] : memref<10112x16xf32, #tpu.memory_space<vmem_shared>> -> memref<10112x16xf32, #tpu.memory_space<vmem_shared>>
      tpu.enqueue_indirect_dma source(%dma_start3A_275 : memref<128x16xf32, #tpu.memory_space<vmem>>) target(%dma_start3A_281 : memref<10112x16xf32, #tpu.memory_space<vmem_shared>>) offsets(%dma_start3A_278 : memref<128xi32, #tpu.memory_space<vmem>>) semaphore(%arg12 : memref<!tpu.dma_semaphore, #tpu.memory_space<semaphore_mem>>) {add = true}
      %add3A_282 = arith.constant 5 : i32
      %add3A_283 = arith.addi %mul3A_26, %add3A_282 : i32
      %dma_start3A_284 = arith.constant 5 : i32
      %dma_start3A_285 = arith.constant 0 : i32
      %dma_start3A_286 = arith.constant 0 : i32
      %dma_start3A_287 = tpu.memref_slice %arg8[%dma_start3A_284, %dma_start3A_285, %dma_start3A_286] : memref<8x128x16xf32, #tpu.memory_space<vmem>> -> memref<1x128x16xf32, #tpu.memory_space<vmem>>
      %dma_start3A_288 = tpu.memref_squeeze %dma_start3A_287 : memref<1x128x16xf32, #tpu.memory_space<vmem>> -> memref<128x16xf32, #tpu.memory_space<vmem>>
      %dma_start3A_289 = arith.constant 0 : i32
      %dma_start3A_290 = tpu.memref_slice %arg7[%add3A_283, %dma_start3A_289] : memref<80x128xi32, #tpu.memory_space<vmem>> -> memref<1x128xi32, #tpu.memory_space<vmem>>
      %dma_start3A_291 = tpu.memref_squeeze %dma_start3A_290 : memref<1x128xi32, #tpu.memory_space<vmem>> -> memref<128xi32, #tpu.memory_space<vmem>>
      %dma_start3A_292 = arith.constant 0 : i32
      %dma_start3A_293 = arith.constant 0 : i32
      %dma_start3A_294 = tpu.memref_slice %arg10[%dma_start3A_292, %dma_start3A_293] : memref<10112x16xf32, #tpu.memory_space<vmem_shared>> -> memref<10112x16xf32, #tpu.memory_space<vmem_shared>>
      tpu.enqueue_indirect_dma source(%dma_start3A_288 : memref<128x16xf32, #tpu.memory_space<vmem>>) target(%dma_start3A_294 : memref<10112x16xf32, #tpu.memory_space<vmem_shared>>) offsets(%dma_start3A_291 : memref<128xi32, #tpu.memory_space<vmem>>) semaphore(%arg12 : memref<!tpu.dma_semaphore, #tpu.memory_space<semaphore_mem>>) {add = true}
      %add3A_295 = arith.constant 6 : i32
      %add3A_296 = arith.addi %mul3A_26, %add3A_295 : i32
      %dma_start3A_297 = arith.constant 6 : i32
      %dma_start3A_298 = arith.constant 0 : i32
      %dma_start3A_299 = arith.constant 0 : i32
      %dma_start3A_300 = tpu.memref_slice %arg8[%dma_start3A_297, %dma_start3A_298, %dma_start3A_299] : memref<8x128x16xf32, #tpu.memory_space<vmem>> -> memref<1x128x16xf32, #tpu.memory_space<vmem>>
      %dma_start3A_301 = tpu.memref_squeeze %dma_start3A_300 : memref<1x128x16xf32, #tpu.memory_space<vmem>> -> memref<128x16xf32, #tpu.memory_space<vmem>>
      %dma_start3A_302 = arith.constant 0 : i32
      %dma_start3A_303 = tpu.memref_slice %arg7[%add3A_296, %dma_start3A_302] : memref<80x128xi32, #tpu.memory_space<vmem>> -> memref<1x128xi32, #tpu.memory_space<vmem>>
      %dma_start3A_304 = tpu.memref_squeeze %dma_start3A_303 : memref<1x128xi32, #tpu.memory_space<vmem>> -> memref<128xi32, #tpu.memory_space<vmem>>
      %dma_start3A_305 = arith.constant 0 : i32
      %dma_start3A_306 = arith.constant 0 : i32
      %dma_start3A_307 = tpu.memref_slice %arg10[%dma_start3A_305, %dma_start3A_306] : memref<10112x16xf32, #tpu.memory_space<vmem_shared>> -> memref<10112x16xf32, #tpu.memory_space<vmem_shared>>
      tpu.enqueue_indirect_dma source(%dma_start3A_301 : memref<128x16xf32, #tpu.memory_space<vmem>>) target(%dma_start3A_307 : memref<10112x16xf32, #tpu.memory_space<vmem_shared>>) offsets(%dma_start3A_304 : memref<128xi32, #tpu.memory_space<vmem>>) semaphore(%arg12 : memref<!tpu.dma_semaphore, #tpu.memory_space<semaphore_mem>>) {add = true}
      %add3A_308 = arith.constant 7 : i32
      %add3A_309 = arith.addi %mul3A_26, %add3A_308 : i32
      %dma_start3A_310 = arith.constant 7 : i32
      %dma_start3A_311 = arith.constant 0 : i32
      %dma_start3A_312 = arith.constant 0 : i32
      %dma_start3A_313 = tpu.memref_slice %arg8[%dma_start3A_310, %dma_start3A_311, %dma_start3A_312] : memref<8x128x16xf32, #tpu.memory_space<vmem>> -> memref<1x128x16xf32, #tpu.memory_space<vmem>>
      %dma_start3A_314 = tpu.memref_squeeze %dma_start3A_313 : memref<1x128x16xf32, #tpu.memory_space<vmem>> -> memref<128x16xf32, #tpu.memory_space<vmem>>
      %dma_start3A_315 = arith.constant 0 : i32
      %dma_start3A_316 = tpu.memref_slice %arg7[%add3A_309, %dma_start3A_315] : memref<80x128xi32, #tpu.memory_space<vmem>> -> memref<1x128xi32, #tpu.memory_space<vmem>>
      %dma_start3A_317 = tpu.memref_squeeze %dma_start3A_316 : memref<1x128xi32, #tpu.memory_space<vmem>> -> memref<128xi32, #tpu.memory_space<vmem>>
      %dma_start3A_318 = arith.constant 0 : i32
      %dma_start3A_319 = arith.constant 0 : i32
      %dma_start3A_320 = tpu.memref_slice %arg10[%dma_start3A_318, %dma_start3A_319] : memref<10112x16xf32, #tpu.memory_space<vmem_shared>> -> memref<10112x16xf32, #tpu.memory_space<vmem_shared>>
      tpu.enqueue_indirect_dma source(%dma_start3A_314 : memref<128x16xf32, #tpu.memory_space<vmem>>) target(%dma_start3A_320 : memref<10112x16xf32, #tpu.memory_space<vmem_shared>>) offsets(%dma_start3A_317 : memref<128xi32, #tpu.memory_space<vmem>>) semaphore(%arg12 : memref<!tpu.dma_semaphore, #tpu.memory_space<semaphore_mem>>) {add = true}
      %dma_wait3A_321 = arith.constant 0 : i32
      %dma_wait3A_322 = arith.constant 0 : i32
      %dma_wait3A_323 = arith.constant 0 : i32
      %dma_wait3A_324 = tpu.memref_slice %arg8[%dma_wait3A_321, %dma_wait3A_322, %dma_wait3A_323] : memref<8x128x16xf32, #tpu.memory_space<vmem>> -> memref<1x128x16xf32, #tpu.memory_space<vmem>>
      %dma_wait3A_325 = tpu.memref_squeeze %dma_wait3A_324 : memref<1x128x16xf32, #tpu.memory_space<vmem>> -> memref<128x16xf32, #tpu.memory_space<vmem>>
      %dma_wait3A_326 = arith.constant 0 : i32
      %dma_wait3A_327 = tpu.memref_slice %arg7[%add3A_218, %dma_wait3A_326] : memref<80x128xi32, #tpu.memory_space<vmem>> -> memref<1x128xi32, #tpu.memory_space<vmem>>
      %dma_wait3A_328 = tpu.memref_squeeze %dma_wait3A_327 : memref<1x128xi32, #tpu.memory_space<vmem>> -> memref<128xi32, #tpu.memory_space<vmem>>
      %dma_wait3A_329 = arith.constant 0 : i32
      %dma_wait3A_330 = arith.constant 0 : i32
      %dma_wait3A_331 = tpu.memref_slice %arg10[%dma_wait3A_329, %dma_wait3A_330] : memref<10112x16xf32, #tpu.memory_space<vmem_shared>> -> memref<10112x16xf32, #tpu.memory_space<vmem_shared>>
      tpu.wait_indirect_dma semaphore(%arg12 : memref<!tpu.dma_semaphore, #tpu.memory_space<semaphore_mem>>) src(%dma_wait3A_325 : memref<128x16xf32, #tpu.memory_space<vmem>>) dst(%dma_wait3A_331 : memref<10112x16xf32, #tpu.memory_space<vmem_shared>>)
      %dma_wait3A_332 = arith.constant 1 : i32
      %dma_wait3A_333 = arith.constant 0 : i32
      %dma_wait3A_334 = arith.constant 0 : i32
      %dma_wait3A_335 = tpu.memref_slice %arg8[%dma_wait3A_332, %dma_wait3A_333, %dma_wait3A_334] : memref<8x128x16xf32, #tpu.memory_space<vmem>> -> memref<1x128x16xf32, #tpu.memory_space<vmem>>
      %dma_wait3A_336 = tpu.memref_squeeze %dma_wait3A_335 : memref<1x128x16xf32, #tpu.memory_space<vmem>> -> memref<128x16xf32, #tpu.memory_space<vmem>>
      %dma_wait3A_337 = arith.constant 0 : i32
      %dma_wait3A_338 = tpu.memref_slice %arg7[%add3A_231, %dma_wait3A_337] : memref<80x128xi32, #tpu.memory_space<vmem>> -> memref<1x128xi32, #tpu.memory_space<vmem>>
      %dma_wait3A_339 = tpu.memref_squeeze %dma_wait3A_338 : memref<1x128xi32, #tpu.memory_space<vmem>> -> memref<128xi32, #tpu.memory_space<vmem>>
      %dma_wait3A_340 = arith.constant 0 : i32
      %dma_wait3A_341 = arith.constant 0 : i32
      %dma_wait3A_342 = tpu.memref_slice %arg10[%dma_wait3A_340, %dma_wait3A_341] : memref<10112x16xf32, #tpu.memory_space<vmem_shared>> -> memref<10112x16xf32, #tpu.memory_space<vmem_shared>>
      tpu.wait_indirect_dma semaphore(%arg12 : memref<!tpu.dma_semaphore, #tpu.memory_space<semaphore_mem>>) src(%dma_wait3A_336 : memref<128x16xf32, #tpu.memory_space<vmem>>) dst(%dma_wait3A_342 : memref<10112x16xf32, #tpu.memory_space<vmem_shared>>)
      %dma_wait3A_343 = arith.constant 2 : i32
      %dma_wait3A_344 = arith.constant 0 : i32
      %dma_wait3A_345 = arith.constant 0 : i32
      %dma_wait3A_346 = tpu.memref_slice %arg8[%dma_wait3A_343, %dma_wait3A_344, %dma_wait3A_345] : memref<8x128x16xf32, #tpu.memory_space<vmem>> -> memref<1x128x16xf32, #tpu.memory_space<vmem>>
      %dma_wait3A_347 = tpu.memref_squeeze %dma_wait3A_346 : memref<1x128x16xf32, #tpu.memory_space<vmem>> -> memref<128x16xf32, #tpu.memory_space<vmem>>
      %dma_wait3A_348 = arith.constant 0 : i32
      %dma_wait3A_349 = tpu.memref_slice %arg7[%add3A_244, %dma_wait3A_348] : memref<80x128xi32, #tpu.memory_space<vmem>> -> memref<1x128xi32, #tpu.memory_space<vmem>>
      %dma_wait3A_350 = tpu.memref_squeeze %dma_wait3A_349 : memref<1x128xi32, #tpu.memory_space<vmem>> -> memref<128xi32, #tpu.memory_space<vmem>>
      %dma_wait3A_351 = arith.constant 0 : i32
      %dma_wait3A_352 = arith.constant 0 : i32
      %dma_wait3A_353 = tpu.memref_slice %arg10[%dma_wait3A_351, %dma_wait3A_352] : memref<10112x16xf32, #tpu.memory_space<vmem_shared>> -> memref<10112x16xf32, #tpu.memory_space<vmem_shared>>
      tpu.wait_indirect_dma semaphore(%arg12 : memref<!tpu.dma_semaphore, #tpu.memory_space<semaphore_mem>>) src(%dma_wait3A_347 : memref<128x16xf32, #tpu.memory_space<vmem>>) dst(%dma_wait3A_353 : memref<10112x16xf32, #tpu.memory_space<vmem_shared>>)
      %dma_wait3A_354 = arith.constant 3 : i32
      %dma_wait3A_355 = arith.constant 0 : i32
      %dma_wait3A_356 = arith.constant 0 : i32
      %dma_wait3A_357 = tpu.memref_slice %arg8[%dma_wait3A_354, %dma_wait3A_355, %dma_wait3A_356] : memref<8x128x16xf32, #tpu.memory_space<vmem>> -> memref<1x128x16xf32, #tpu.memory_space<vmem>>
      %dma_wait3A_358 = tpu.memref_squeeze %dma_wait3A_357 : memref<1x128x16xf32, #tpu.memory_space<vmem>> -> memref<128x16xf32, #tpu.memory_space<vmem>>
      %dma_wait3A_359 = arith.constant 0 : i32
      %dma_wait3A_360 = tpu.memref_slice %arg7[%add3A_257, %dma_wait3A_359] : memref<80x128xi32, #tpu.memory_space<vmem>> -> memref<1x128xi32, #tpu.memory_space<vmem>>
      %dma_wait3A_361 = tpu.memref_squeeze %dma_wait3A_360 : memref<1x128xi32, #tpu.memory_space<vmem>> -> memref<128xi32, #tpu.memory_space<vmem>>
      %dma_wait3A_362 = arith.constant 0 : i32
      %dma_wait3A_363 = arith.constant 0 : i32
      %dma_wait3A_364 = tpu.memref_slice %arg10[%dma_wait3A_362, %dma_wait3A_363] : memref<10112x16xf32, #tpu.memory_space<vmem_shared>> -> memref<10112x16xf32, #tpu.memory_space<vmem_shared>>
      tpu.wait_indirect_dma semaphore(%arg12 : memref<!tpu.dma_semaphore, #tpu.memory_space<semaphore_mem>>) src(%dma_wait3A_358 : memref<128x16xf32, #tpu.memory_space<vmem>>) dst(%dma_wait3A_364 : memref<10112x16xf32, #tpu.memory_space<vmem_shared>>)
      %dma_wait3A_365 = arith.constant 4 : i32
      %dma_wait3A_366 = arith.constant 0 : i32
      %dma_wait3A_367 = arith.constant 0 : i32
      %dma_wait3A_368 = tpu.memref_slice %arg8[%dma_wait3A_365, %dma_wait3A_366, %dma_wait3A_367] : memref<8x128x16xf32, #tpu.memory_space<vmem>> -> memref<1x128x16xf32, #tpu.memory_space<vmem>>
      %dma_wait3A_369 = tpu.memref_squeeze %dma_wait3A_368 : memref<1x128x16xf32, #tpu.memory_space<vmem>> -> memref<128x16xf32, #tpu.memory_space<vmem>>
      %dma_wait3A_370 = arith.constant 0 : i32
      %dma_wait3A_371 = tpu.memref_slice %arg7[%add3A_270, %dma_wait3A_370] : memref<80x128xi32, #tpu.memory_space<vmem>> -> memref<1x128xi32, #tpu.memory_space<vmem>>
      %dma_wait3A_372 = tpu.memref_squeeze %dma_wait3A_371 : memref<1x128xi32, #tpu.memory_space<vmem>> -> memref<128xi32, #tpu.memory_space<vmem>>
      %dma_wait3A_373 = arith.constant 0 : i32
      %dma_wait3A_374 = arith.constant 0 : i32
      %dma_wait3A_375 = tpu.memref_slice %arg10[%dma_wait3A_373, %dma_wait3A_374] : memref<10112x16xf32, #tpu.memory_space<vmem_shared>> -> memref<10112x16xf32, #tpu.memory_space<vmem_shared>>
      tpu.wait_indirect_dma semaphore(%arg12 : memref<!tpu.dma_semaphore, #tpu.memory_space<semaphore_mem>>) src(%dma_wait3A_369 : memref<128x16xf32, #tpu.memory_space<vmem>>) dst(%dma_wait3A_375 : memref<10112x16xf32, #tpu.memory_space<vmem_shared>>)
      %dma_wait3A_376 = arith.constant 5 : i32
      %dma_wait3A_377 = arith.constant 0 : i32
      %dma_wait3A_378 = arith.constant 0 : i32
      %dma_wait3A_379 = tpu.memref_slice %arg8[%dma_wait3A_376, %dma_wait3A_377, %dma_wait3A_378] : memref<8x128x16xf32, #tpu.memory_space<vmem>> -> memref<1x128x16xf32, #tpu.memory_space<vmem>>
      %dma_wait3A_380 = tpu.memref_squeeze %dma_wait3A_379 : memref<1x128x16xf32, #tpu.memory_space<vmem>> -> memref<128x16xf32, #tpu.memory_space<vmem>>
      %dma_wait3A_381 = arith.constant 0 : i32
      %dma_wait3A_382 = tpu.memref_slice %arg7[%add3A_283, %dma_wait3A_381] : memref<80x128xi32, #tpu.memory_space<vmem>> -> memref<1x128xi32, #tpu.memory_space<vmem>>
      %dma_wait3A_383 = tpu.memref_squeeze %dma_wait3A_382 : memref<1x128xi32, #tpu.memory_space<vmem>> -> memref<128xi32, #tpu.memory_space<vmem>>
      %dma_wait3A_384 = arith.constant 0 : i32
      %dma_wait3A_385 = arith.constant 0 : i32
      %dma_wait3A_386 = tpu.memref_slice %arg10[%dma_wait3A_384, %dma_wait3A_385] : memref<10112x16xf32, #tpu.memory_space<vmem_shared>> -> memref<10112x16xf32, #tpu.memory_space<vmem_shared>>
      tpu.wait_indirect_dma semaphore(%arg12 : memref<!tpu.dma_semaphore, #tpu.memory_space<semaphore_mem>>) src(%dma_wait3A_380 : memref<128x16xf32, #tpu.memory_space<vmem>>) dst(%dma_wait3A_386 : memref<10112x16xf32, #tpu.memory_space<vmem_shared>>)
      %dma_wait3A_387 = arith.constant 6 : i32
      %dma_wait3A_388 = arith.constant 0 : i32
      %dma_wait3A_389 = arith.constant 0 : i32
      %dma_wait3A_390 = tpu.memref_slice %arg8[%dma_wait3A_387, %dma_wait3A_388, %dma_wait3A_389] : memref<8x128x16xf32, #tpu.memory_space<vmem>> -> memref<1x128x16xf32, #tpu.memory_space<vmem>>
      %dma_wait3A_391 = tpu.memref_squeeze %dma_wait3A_390 : memref<1x128x16xf32, #tpu.memory_space<vmem>> -> memref<128x16xf32, #tpu.memory_space<vmem>>
      %dma_wait3A_392 = arith.constant 0 : i32
      %dma_wait3A_393 = tpu.memref_slice %arg7[%add3A_296, %dma_wait3A_392] : memref<80x128xi32, #tpu.memory_space<vmem>> -> memref<1x128xi32, #tpu.memory_space<vmem>>
      %dma_wait3A_394 = tpu.memref_squeeze %dma_wait3A_393 : memref<1x128xi32, #tpu.memory_space<vmem>> -> memref<128xi32, #tpu.memory_space<vmem>>
      %dma_wait3A_395 = arith.constant 0 : i32
      %dma_wait3A_396 = arith.constant 0 : i32
      %dma_wait3A_397 = tpu.memref_slice %arg10[%dma_wait3A_395, %dma_wait3A_396] : memref<10112x16xf32, #tpu.memory_space<vmem_shared>> -> memref<10112x16xf32, #tpu.memory_space<vmem_shared>>
      tpu.wait_indirect_dma semaphore(%arg12 : memref<!tpu.dma_semaphore, #tpu.memory_space<semaphore_mem>>) src(%dma_wait3A_391 : memref<128x16xf32, #tpu.memory_space<vmem>>) dst(%dma_wait3A_397 : memref<10112x16xf32, #tpu.memory_space<vmem_shared>>)
      %dma_wait3A_398 = arith.constant 7 : i32
      %dma_wait3A_399 = arith.constant 0 : i32
      %dma_wait3A_400 = arith.constant 0 : i32
      %dma_wait3A_401 = tpu.memref_slice %arg8[%dma_wait3A_398, %dma_wait3A_399, %dma_wait3A_400] : memref<8x128x16xf32, #tpu.memory_space<vmem>> -> memref<1x128x16xf32, #tpu.memory_space<vmem>>
      %dma_wait3A_402 = tpu.memref_squeeze %dma_wait3A_401 : memref<1x128x16xf32, #tpu.memory_space<vmem>> -> memref<128x16xf32, #tpu.memory_space<vmem>>
      %dma_wait3A_403 = arith.constant 0 : i32
      %dma_wait3A_404 = tpu.memref_slice %arg7[%add3A_309, %dma_wait3A_403] : memref<80x128xi32, #tpu.memory_space<vmem>> -> memref<1x128xi32, #tpu.memory_space<vmem>>
      %dma_wait3A_405 = tpu.memref_squeeze %dma_wait3A_404 : memref<1x128xi32, #tpu.memory_space<vmem>> -> memref<128xi32, #tpu.memory_space<vmem>>
      %dma_wait3A_406 = arith.constant 0 : i32
      %dma_wait3A_407 = arith.constant 0 : i32
      %dma_wait3A_408 = tpu.memref_slice %arg10[%dma_wait3A_406, %dma_wait3A_407] : memref<10112x16xf32, #tpu.memory_space<vmem_shared>> -> memref<10112x16xf32, #tpu.memory_space<vmem_shared>>
      tpu.wait_indirect_dma semaphore(%arg12 : memref<!tpu.dma_semaphore, #tpu.memory_space<semaphore_mem>>) src(%dma_wait3A_402 : memref<128x16xf32, #tpu.memory_space<vmem>>) dst(%dma_wait3A_408 : memref<10112x16xf32, #tpu.memory_space<vmem_shared>>)
      %scan3A_409 = arith.constant 0 : i32
      scf.yield %scan3A_409 : i32
    }
    %scan3A_17 = arith.constant 10 : i32
    %barrier3A_18 = arith.constant 0 : index
    tpu.barrier barrier_id(%barrier3A_18)
    %mul3A_19 = arith.constant 632 : i32
    %mul3A_20 = arith.muli %arg1, %mul3A_19 : i32
    "tpu.region"() ({
      %run_scoped3A = tpu.sem_alloc : memref<!tpu.dma_semaphore, #tpu.memory_space<semaphore_mem>>
      %dma_start3A = arith.constant 0 : i32
      %dma_start3A_23 = tpu.memref_slice %arg10[%mul3A_20, %dma_start3A] : memref<10112x16xf32, #tpu.memory_space<vmem_shared>> -> memref<632x16xf32, #tpu.memory_space<vmem_shared>>
      %dma_start3A_24 = arith.constant 0 : i32
      %dma_start3A_25 = tpu.memref_slice %arg10[%mul3A_20, %dma_start3A_24] : memref<10112x16xf32, #tpu.memory_space<vmem_shared>> -> memref<632x16xf32, #tpu.memory_space<vmem_shared>>
      tpu.enqueue_dma source(%dma_start3A_25 : memref<632x16xf32, #tpu.memory_space<vmem_shared>>) target(%arg9 : memref<632x16xf32, #tpu.memory_space<vmem>>) target_semaphore(%run_scoped3A : memref<!tpu.dma_semaphore, #tpu.memory_space<semaphore_mem>>)
      %dma_wait3A = arith.constant 0 : i32
      %dma_wait3A_26 = tpu.memref_slice %arg10[%mul3A_20, %dma_wait3A] : memref<10112x16xf32, #tpu.memory_space<vmem_shared>> -> memref<632x16xf32, #tpu.memory_space<vmem_shared>>
      %dma_wait3A_27 = arith.constant 0 : i32
      %dma_wait3A_28 = tpu.memref_slice %arg10[%mul3A_20, %dma_wait3A_27] : memref<10112x16xf32, #tpu.memory_space<vmem_shared>> -> memref<632x16xf32, #tpu.memory_space<vmem_shared>>
      tpu.wait_dma2 semaphore(%run_scoped3A : memref<!tpu.dma_semaphore, #tpu.memory_space<semaphore_mem>>) src(%dma_wait3A_28 : memref<632x16xf32, #tpu.memory_space<vmem_shared>>) dst(%arg9 : memref<632x16xf32, #tpu.memory_space<vmem>>)
      tpu.yield
    }) : () -> ()
    %mul3A_21 = arith.constant 632 : i32
    %mul3A_22 = arith.muli %arg1, %mul3A_21 : i32
    "tpu.region"() ({
      %run_scoped3A = tpu.sem_alloc : memref<!tpu.dma_semaphore, #tpu.memory_space<semaphore_mem>>
      %dma_start3A = arith.constant 0 : i32
      %dma_start3A_23 = arith.constant 0 : i32
      %dma_start3A_24 = tpu.memref_slice %arg5[%arg0, %dma_start3A, %dma_start3A_23] : memref<2x10112x16xf32, #tpu.memory_space<hbm>> -> memref<1x10112x16xf32, #tpu.memory_space<hbm>>
      %dma_start3A_25 = tpu.memref_squeeze %dma_start3A_24 : memref<1x10112x16xf32, #tpu.memory_space<hbm>> -> memref<10112x16xf32, #tpu.memory_space<hbm>>
      %dma_start3A_26 = arith.constant 0 : i32
      %dma_start3A_27 = tpu.memref_slice %dma_start3A_25[%mul3A_22, %dma_start3A_26] : memref<10112x16xf32, #tpu.memory_space<hbm>> -> memref<632x16xf32, #tpu.memory_space<hbm>>
      %dma_start3A_28 = arith.constant 0 : i32
      %dma_start3A_29 = arith.constant 0 : i32
      %dma_start3A_30 = tpu.memref_slice %arg5[%arg0, %dma_start3A_28, %dma_start3A_29] : memref<2x10112x16xf32, #tpu.memory_space<hbm>> -> memref<1x10112x16xf32, #tpu.memory_space<hbm>>
      %dma_start3A_31 = tpu.memref_squeeze %dma_start3A_30 : memref<1x10112x16xf32, #tpu.memory_space<hbm>> -> memref<10112x16xf32, #tpu.memory_space<hbm>>
      %dma_start3A_32 = arith.constant 0 : i32
      %dma_start3A_33 = tpu.memref_slice %dma_start3A_31[%mul3A_22, %dma_start3A_32] : memref<10112x16xf32, #tpu.memory_space<hbm>> -> memref<632x16xf32, #tpu.memory_space<hbm>>
      tpu.enqueue_dma source(%arg9 : memref<632x16xf32, #tpu.memory_space<vmem>>) target(%dma_start3A_33 : memref<632x16xf32, #tpu.memory_space<hbm>>) target_semaphore(%run_scoped3A : memref<!tpu.dma_semaphore, #tpu.memory_space<semaphore_mem>>)
      %dma_wait3A = arith.constant 0 : i32
      %dma_wait3A_34 = arith.constant 0 : i32
      %dma_wait3A_35 = tpu.memref_slice %arg5[%arg0, %dma_wait3A, %dma_wait3A_34] : memref<2x10112x16xf32, #tpu.memory_space<hbm>> -> memref<1x10112x16xf32, #tpu.memory_space<hbm>>
      %dma_wait3A_36 = tpu.memref_squeeze %dma_wait3A_35 : memref<1x10112x16xf32, #tpu.memory_space<hbm>> -> memref<10112x16xf32, #tpu.memory_space<hbm>>
      %dma_wait3A_37 = arith.constant 0 : i32
      %dma_wait3A_38 = tpu.memref_slice %dma_wait3A_36[%mul3A_22, %dma_wait3A_37] : memref<10112x16xf32, #tpu.memory_space<hbm>> -> memref<632x16xf32, #tpu.memory_space<hbm>>
      %dma_wait3A_39 = arith.constant 0 : i32
      %dma_wait3A_40 = arith.constant 0 : i32
      %dma_wait3A_41 = tpu.memref_slice %arg5[%arg0, %dma_wait3A_39, %dma_wait3A_40] : memref<2x10112x16xf32, #tpu.memory_space<hbm>> -> memref<1x10112x16xf32, #tpu.memory_space<hbm>>
      %dma_wait3A_42 = tpu.memref_squeeze %dma_wait3A_41 : memref<1x10112x16xf32, #tpu.memory_space<hbm>> -> memref<10112x16xf32, #tpu.memory_space<hbm>>
      %dma_wait3A_43 = arith.constant 0 : i32
      %dma_wait3A_44 = tpu.memref_slice %dma_wait3A_42[%mul3A_22, %dma_wait3A_43] : memref<10112x16xf32, #tpu.memory_space<hbm>> -> memref<632x16xf32, #tpu.memory_space<hbm>>
      tpu.wait_dma2 semaphore(%run_scoped3A : memref<!tpu.dma_semaphore, #tpu.memory_space<semaphore_mem>>) src(%arg9 : memref<632x16xf32, #tpu.memory_space<vmem>>) dst(%dma_wait3A_44 : memref<632x16xf32, #tpu.memory_space<hbm>>)
      tpu.yield
    }) : () -> ()
    return
  }
}

#map = affine_map<(d0, d1) -> (0, 0)>
#map1 = affine_map<(d0, d1) -> (0, 0, 0)>
module attributes {stable_mosaic.version = 14 : i64} {
  func.func @_edge_pass_body(%arg0: i32, %arg1: i32, %arg2: memref<1x16xf32, #tpu.memory_space<hbm>>, %arg3: memref<2560x128xi32, #tpu.memory_space<hbm>>, %arg4: memref<2560x128xi32, #tpu.memory_space<hbm>>, %arg5: memref<2x10112x16xf32, #tpu.memory_space<hbm>>, %arg6: memref<80x128xi32, #tpu.memory_space<vmem>>, %arg7: memref<80x128xi32, #tpu.memory_space<vmem>>, %arg8: memref<8x128x16xf32, #tpu.memory_space<vmem>>, %arg9: memref<632x16xf32, #tpu.memory_space<vmem>>, %arg10: memref<10112x16xf32, #tpu.memory_space<vmem_shared>>, %arg11: memref<!tpu.dma_semaphore, #tpu.memory_space<semaphore_mem>>, %arg12: memref<!tpu.dma_semaphore, #tpu.memory_space<semaphore_mem>>) attributes {dimension_semantics = [#tpu.dimension_semantics<core_parallel>, #tpu.dimension_semantics<subcore_parallel>], iteration_bounds = array<i64: 2, 16>, scalar_prefetch = 0 : i64, scratch_operands = 7 : i64, tpu.core_type = #tpu.core_type<sc_vector_subcore>, window_params = [{transform_indices = #map}, {transform_indices = #map}, {transform_indices = #map}, {transform_indices = #map1}]} {
    %mul3A = arith.constant 2 : i32
    %mul3A_0 = arith.muli %arg1, %mul3A : i32
    %add3A = arith.addi %mul3A_0, %arg0 : i32
    %scan3A = arith.constant 0 : i32
    %scan3A_1 = arith.constant 0 : i32
    %scan3A_2 = arith.constant 632 : i32
    %scan3A_3 = arith.addi %scan3A_1, %scan3A_2 : i32
    %scan3A_4 = arith.constant 1 : i32
    %scan3A_5 = scf.for %scan3A_30 = %scan3A_1 to %scan3A_3 step %scan3A_4 iter_args(%scan3A_31 = %scan3A) -> (i32)  : i32 {
      %broadcast_in_dim3A = arith.constant 0.000000e+00 : f32
      %broadcast_in_dim3A_32 = vector.broadcast %broadcast_in_dim3A : f32 to vector<16xf32>
      %swap3A = arith.index_cast %scan3A_30 : i32 to index
      %swap3A_33 = arith.constant 0 : index
      %swap3A_34 = tpu.vector_load %arg9[%swap3A, %swap3A_33] {strides = array<i32>} : memref<632x16xf32, #tpu.memory_space<vmem>>, vector<1x16xf32>,
      %swap3A_35 = vector.shape_cast %swap3A_34 : vector<1x16xf32> to vector<16xf32>
      %swap3A_36 = vector.shape_cast %broadcast_in_dim3A_32 : vector<16xf32> to vector<1x16xf32>
      tpu.vector_store %arg9[%swap3A, %swap3A_33], %swap3A_36 {strides = array<i32>} : memref<632x16xf32, #tpu.memory_space<vmem>>, vector<1x16xf32>,
      %scan3A_37 = arith.constant 0 : i32
      scf.yield %scan3A_37 : i32
    }
    %scan3A_6 = arith.constant 632 : i32
    %mul3A_7 = arith.constant 632 : i32
    %mul3A_8 = arith.muli %arg1, %mul3A_7 : i32
    "tpu.region"() ({
      %run_scoped3A = tpu.sem_alloc : memref<!tpu.dma_semaphore, #tpu.memory_space<semaphore_mem>>
      %dma_start3A = arith.constant 0 : i32
      %dma_start3A_30 = tpu.memref_slice %arg10[%mul3A_8, %dma_start3A] : memref<10112x16xf32, #tpu.memory_space<vmem_shared>> -> memref<632x16xf32, #tpu.memory_space<vmem_shared>>
      %dma_start3A_31 = arith.constant 0 : i32
      %dma_start3A_32 = tpu.memref_slice %arg10[%mul3A_8, %dma_start3A_31] : memref<10112x16xf32, #tpu.memory_space<vmem_shared>> -> memref<632x16xf32, #tpu.memory_space<vmem_shared>>
      tpu.enqueue_dma source(%arg9 : memref<632x16xf32, #tpu.memory_space<vmem>>) target(%dma_start3A_32 : memref<632x16xf32, #tpu.memory_space<vmem_shared>>) target_semaphore(%run_scoped3A : memref<!tpu.dma_semaphore, #tpu.memory_space<semaphore_mem>>)
      %dma_wait3A = arith.constant 0 : i32
      %dma_wait3A_33 = tpu.memref_slice %arg10[%mul3A_8, %dma_wait3A] : memref<10112x16xf32, #tpu.memory_space<vmem_shared>> -> memref<632x16xf32, #tpu.memory_space<vmem_shared>>
      %dma_wait3A_34 = arith.constant 0 : i32
      %dma_wait3A_35 = tpu.memref_slice %arg10[%mul3A_8, %dma_wait3A_34] : memref<10112x16xf32, #tpu.memory_space<vmem_shared>> -> memref<632x16xf32, #tpu.memory_space<vmem_shared>>
      tpu.wait_dma2 semaphore(%run_scoped3A : memref<!tpu.dma_semaphore, #tpu.memory_space<semaphore_mem>>) src(%arg9 : memref<632x16xf32, #tpu.memory_space<vmem>>) dst(%dma_wait3A_35 : memref<632x16xf32, #tpu.memory_space<vmem_shared>>)
      tpu.yield
    }) : () -> ()
    %barrier3A = arith.constant 0 : index
    tpu.barrier barrier_id(%barrier3A)
    %mul3A_9 = arith.constant 80 : i32
    %mul3A_10 = arith.muli %add3A, %mul3A_9 : i32
    "tpu.region"() ({
      %run_scoped3A = tpu.sem_alloc : memref<!tpu.dma_semaphore, #tpu.memory_space<semaphore_mem>>
      %dma_start3A = arith.constant 0 : i32
      %dma_start3A_30 = tpu.memref_slice %arg4[%mul3A_10, %dma_start3A] : memref<2560x128xi32, #tpu.memory_space<hbm>> -> memref<80x128xi32, #tpu.memory_space<hbm>>
      %dma_start3A_31 = arith.constant 0 : i32
      %dma_start3A_32 = tpu.memref_slice %arg4[%mul3A_10, %dma_start3A_31] : memref<2560x128xi32, #tpu.memory_space<hbm>> -> memref<80x128xi32, #tpu.memory_space<hbm>>
      tpu.enqueue_dma source(%dma_start3A_32 : memref<80x128xi32, #tpu.memory_space<hbm>>) target(%arg7 : memref<80x128xi32, #tpu.memory_space<vmem>>) target_semaphore(%run_scoped3A : memref<!tpu.dma_semaphore, #tpu.memory_space<semaphore_mem>>)
      %dma_wait3A = arith.constant 0 : i32
      %dma_wait3A_33 = tpu.memref_slice %arg4[%mul3A_10, %dma_wait3A] : memref<2560x128xi32, #tpu.memory_space<hbm>> -> memref<80x128xi32, #tpu.memory_space<hbm>>
      %dma_wait3A_34 = arith.constant 0 : i32
      %dma_wait3A_35 = tpu.memref_slice %arg4[%mul3A_10, %dma_wait3A_34] : memref<2560x128xi32, #tpu.memory_space<hbm>> -> memref<80x128xi32, #tpu.memory_space<hbm>>
      tpu.wait_dma2 semaphore(%run_scoped3A : memref<!tpu.dma_semaphore, #tpu.memory_space<semaphore_mem>>) src(%dma_wait3A_35 : memref<80x128xi32, #tpu.memory_space<hbm>>) dst(%arg7 : memref<80x128xi32, #tpu.memory_space<vmem>>)
      tpu.yield
    }) : () -> ()
    %scan3A_11 = arith.constant 0 : i32
    %scan3A_12 = arith.constant 0 : i32
    %scan3A_13 = arith.constant 128 : i32
    %scan3A_14 = arith.addi %scan3A_12, %scan3A_13 : i32
    %scan3A_15 = arith.constant 1 : i32
    %scan3A_16 = scf.for %scan3A_30 = %scan3A_12 to %scan3A_14 step %scan3A_15 iter_args(%scan3A_31 = %scan3A_11) -> (i32)  : i32 {
      %broadcast_in_dim3A = arith.constant 1.000000e+00 : f32
      %broadcast_in_dim3A_32 = vector.broadcast %broadcast_in_dim3A : f32 to vector<16xf32>
      %swap3A = arith.constant 0 : i32
      %swap3A_33 = arith.index_cast %swap3A : i32 to index
      %swap3A_34 = arith.index_cast %scan3A_30 : i32 to index
      %swap3A_35 = arith.constant 0 : index
      %swap3A_36 = tpu.vector_load %arg8[%swap3A_33, %swap3A_34, %swap3A_35] {strides = array<i32>} : memref<8x128x16xf32, #tpu.memory_space<vmem>>, vector<1x1x16xf32>,
      %swap3A_37 = vector.shape_cast %swap3A_36 : vector<1x1x16xf32> to vector<16xf32>
      %swap3A_38 = vector.shape_cast %broadcast_in_dim3A_32 : vector<16xf32> to vector<1x1x16xf32>
      tpu.vector_store %arg8[%swap3A_33, %swap3A_34, %swap3A_35], %swap3A_38 {strides = array<i32>} : memref<8x128x16xf32, #tpu.memory_space<vmem>>, vector<1x1x16xf32>,
      %scan3A_39 = arith.constant 0 : i32
      scf.yield %scan3A_39 : i32
    }
    %scan3A_17 = arith.constant 128 : i32
    %scan3A_18 = arith.constant 0 : i32
    %scan3A_19 = arith.constant 0 : i32
    %scan3A_20 = arith.constant 10 : i32
    %scan3A_21 = arith.addi %scan3A_19, %scan3A_20 : i32
    %scan3A_22 = arith.constant 1 : i32
    %scan3A_23 = scf.for %scan3A_30 = %scan3A_19 to %scan3A_21 step %scan3A_22 iter_args(%scan3A_31 = %scan3A_18) -> (i32)  : i32 {
      %mul3A_32 = arith.constant 8 : i32
      %mul3A_33 = arith.muli %scan3A_30, %mul3A_32 : i32
      %add3A_34 = arith.constant 0 : i32
      %add3A_35 = arith.addi %mul3A_33, %add3A_34 : i32
      %dma_start3A = arith.constant 0 : i32
      %dma_start3A_36 = arith.constant 0 : i32
      %dma_start3A_37 = arith.constant 0 : i32
      %dma_start3A_38 = tpu.memref_slice %arg8[%dma_start3A, %dma_start3A_36, %dma_start3A_37] : memref<8x128x16xf32, #tpu.memory_space<vmem>> -> memref<1x128x16xf32, #tpu.memory_space<vmem>>
      %dma_start3A_39 = tpu.memref_squeeze %dma_start3A_38 : memref<1x128x16xf32, #tpu.memory_space<vmem>> -> memref<128x16xf32, #tpu.memory_space<vmem>>
      %dma_start3A_40 = arith.constant 0 : i32
      %dma_start3A_41 = tpu.memref_slice %arg7[%add3A_35, %dma_start3A_40] : memref<80x128xi32, #tpu.memory_space<vmem>> -> memref<1x128xi32, #tpu.memory_space<vmem>>
      %dma_start3A_42 = tpu.memref_squeeze %dma_start3A_41 : memref<1x128xi32, #tpu.memory_space<vmem>> -> memref<128xi32, #tpu.memory_space<vmem>>
      %dma_start3A_43 = arith.constant 0 : i32
      %dma_start3A_44 = arith.constant 0 : i32
      %dma_start3A_45 = tpu.memref_slice %arg10[%dma_start3A_43, %dma_start3A_44] : memref<10112x16xf32, #tpu.memory_space<vmem_shared>> -> memref<10112x16xf32, #tpu.memory_space<vmem_shared>>
      tpu.enqueue_indirect_dma source(%dma_start3A_39 : memref<128x16xf32, #tpu.memory_space<vmem>>) target(%dma_start3A_45 : memref<10112x16xf32, #tpu.memory_space<vmem_shared>>) offsets(%dma_start3A_42 : memref<128xi32, #tpu.memory_space<vmem>>) semaphore(%arg12 : memref<!tpu.dma_semaphore, #tpu.memory_space<semaphore_mem>>) {add = true}
      %add3A_46 = arith.constant 1 : i32
      %add3A_47 = arith.addi %mul3A_33, %add3A_46 : i32
      %dma_start3A_48 = arith.constant 0 : i32
      %dma_start3A_49 = arith.constant 0 : i32
      %dma_start3A_50 = arith.constant 0 : i32
      %dma_start3A_51 = tpu.memref_slice %arg8[%dma_start3A_48, %dma_start3A_49, %dma_start3A_50] : memref<8x128x16xf32, #tpu.memory_space<vmem>> -> memref<1x128x16xf32, #tpu.memory_space<vmem>>
      %dma_start3A_52 = tpu.memref_squeeze %dma_start3A_51 : memref<1x128x16xf32, #tpu.memory_space<vmem>> -> memref<128x16xf32, #tpu.memory_space<vmem>>
      %dma_start3A_53 = arith.constant 0 : i32
      %dma_start3A_54 = tpu.memref_slice %arg7[%add3A_47, %dma_start3A_53] : memref<80x128xi32, #tpu.memory_space<vmem>> -> memref<1x128xi32, #tpu.memory_space<vmem>>
      %dma_start3A_55 = tpu.memref_squeeze %dma_start3A_54 : memref<1x128xi32, #tpu.memory_space<vmem>> -> memref<128xi32, #tpu.memory_space<vmem>>
      %dma_start3A_56 = arith.constant 0 : i32
      %dma_start3A_57 = arith.constant 0 : i32
      %dma_start3A_58 = tpu.memref_slice %arg10[%dma_start3A_56, %dma_start3A_57] : memref<10112x16xf32, #tpu.memory_space<vmem_shared>> -> memref<10112x16xf32, #tpu.memory_space<vmem_shared>>
      tpu.enqueue_indirect_dma source(%dma_start3A_52 : memref<128x16xf32, #tpu.memory_space<vmem>>) target(%dma_start3A_58 : memref<10112x16xf32, #tpu.memory_space<vmem_shared>>) offsets(%dma_start3A_55 : memref<128xi32, #tpu.memory_space<vmem>>) semaphore(%arg12 : memref<!tpu.dma_semaphore, #tpu.memory_space<semaphore_mem>>) {add = true}
      %add3A_59 = arith.constant 2 : i32
      %add3A_60 = arith.addi %mul3A_33, %add3A_59 : i32
      %dma_start3A_61 = arith.constant 0 : i32
      %dma_start3A_62 = arith.constant 0 : i32
      %dma_start3A_63 = arith.constant 0 : i32
      %dma_start3A_64 = tpu.memref_slice %arg8[%dma_start3A_61, %dma_start3A_62, %dma_start3A_63] : memref<8x128x16xf32, #tpu.memory_space<vmem>> -> memref<1x128x16xf32, #tpu.memory_space<vmem>>
      %dma_start3A_65 = tpu.memref_squeeze %dma_start3A_64 : memref<1x128x16xf32, #tpu.memory_space<vmem>> -> memref<128x16xf32, #tpu.memory_space<vmem>>
      %dma_start3A_66 = arith.constant 0 : i32
      %dma_start3A_67 = tpu.memref_slice %arg7[%add3A_60, %dma_start3A_66] : memref<80x128xi32, #tpu.memory_space<vmem>> -> memref<1x128xi32, #tpu.memory_space<vmem>>
      %dma_start3A_68 = tpu.memref_squeeze %dma_start3A_67 : memref<1x128xi32, #tpu.memory_space<vmem>> -> memref<128xi32, #tpu.memory_space<vmem>>
      %dma_start3A_69 = arith.constant 0 : i32
      %dma_start3A_70 = arith.constant 0 : i32
      %dma_start3A_71 = tpu.memref_slice %arg10[%dma_start3A_69, %dma_start3A_70] : memref<10112x16xf32, #tpu.memory_space<vmem_shared>> -> memref<10112x16xf32, #tpu.memory_space<vmem_shared>>
      tpu.enqueue_indirect_dma source(%dma_start3A_65 : memref<128x16xf32, #tpu.memory_space<vmem>>) target(%dma_start3A_71 : memref<10112x16xf32, #tpu.memory_space<vmem_shared>>) offsets(%dma_start3A_68 : memref<128xi32, #tpu.memory_space<vmem>>) semaphore(%arg12 : memref<!tpu.dma_semaphore, #tpu.memory_space<semaphore_mem>>) {add = true}
      %add3A_72 = arith.constant 3 : i32
      %add3A_73 = arith.addi %mul3A_33, %add3A_72 : i32
      %dma_start3A_74 = arith.constant 0 : i32
      %dma_start3A_75 = arith.constant 0 : i32
      %dma_start3A_76 = arith.constant 0 : i32
      %dma_start3A_77 = tpu.memref_slice %arg8[%dma_start3A_74, %dma_start3A_75, %dma_start3A_76] : memref<8x128x16xf32, #tpu.memory_space<vmem>> -> memref<1x128x16xf32, #tpu.memory_space<vmem>>
      %dma_start3A_78 = tpu.memref_squeeze %dma_start3A_77 : memref<1x128x16xf32, #tpu.memory_space<vmem>> -> memref<128x16xf32, #tpu.memory_space<vmem>>
      %dma_start3A_79 = arith.constant 0 : i32
      %dma_start3A_80 = tpu.memref_slice %arg7[%add3A_73, %dma_start3A_79] : memref<80x128xi32, #tpu.memory_space<vmem>> -> memref<1x128xi32, #tpu.memory_space<vmem>>
      %dma_start3A_81 = tpu.memref_squeeze %dma_start3A_80 : memref<1x128xi32, #tpu.memory_space<vmem>> -> memref<128xi32, #tpu.memory_space<vmem>>
      %dma_start3A_82 = arith.constant 0 : i32
      %dma_start3A_83 = arith.constant 0 : i32
      %dma_start3A_84 = tpu.memref_slice %arg10[%dma_start3A_82, %dma_start3A_83] : memref<10112x16xf32, #tpu.memory_space<vmem_shared>> -> memref<10112x16xf32, #tpu.memory_space<vmem_shared>>
      tpu.enqueue_indirect_dma source(%dma_start3A_78 : memref<128x16xf32, #tpu.memory_space<vmem>>) target(%dma_start3A_84 : memref<10112x16xf32, #tpu.memory_space<vmem_shared>>) offsets(%dma_start3A_81 : memref<128xi32, #tpu.memory_space<vmem>>) semaphore(%arg12 : memref<!tpu.dma_semaphore, #tpu.memory_space<semaphore_mem>>) {add = true}
      %add3A_85 = arith.constant 4 : i32
      %add3A_86 = arith.addi %mul3A_33, %add3A_85 : i32
      %dma_start3A_87 = arith.constant 0 : i32
      %dma_start3A_88 = arith.constant 0 : i32
      %dma_start3A_89 = arith.constant 0 : i32
      %dma_start3A_90 = tpu.memref_slice %arg8[%dma_start3A_87, %dma_start3A_88, %dma_start3A_89] : memref<8x128x16xf32, #tpu.memory_space<vmem>> -> memref<1x128x16xf32, #tpu.memory_space<vmem>>
      %dma_start3A_91 = tpu.memref_squeeze %dma_start3A_90 : memref<1x128x16xf32, #tpu.memory_space<vmem>> -> memref<128x16xf32, #tpu.memory_space<vmem>>
      %dma_start3A_92 = arith.constant 0 : i32
      %dma_start3A_93 = tpu.memref_slice %arg7[%add3A_86, %dma_start3A_92] : memref<80x128xi32, #tpu.memory_space<vmem>> -> memref<1x128xi32, #tpu.memory_space<vmem>>
      %dma_start3A_94 = tpu.memref_squeeze %dma_start3A_93 : memref<1x128xi32, #tpu.memory_space<vmem>> -> memref<128xi32, #tpu.memory_space<vmem>>
      %dma_start3A_95 = arith.constant 0 : i32
      %dma_start3A_96 = arith.constant 0 : i32
      %dma_start3A_97 = tpu.memref_slice %arg10[%dma_start3A_95, %dma_start3A_96] : memref<10112x16xf32, #tpu.memory_space<vmem_shared>> -> memref<10112x16xf32, #tpu.memory_space<vmem_shared>>
      tpu.enqueue_indirect_dma source(%dma_start3A_91 : memref<128x16xf32, #tpu.memory_space<vmem>>) target(%dma_start3A_97 : memref<10112x16xf32, #tpu.memory_space<vmem_shared>>) offsets(%dma_start3A_94 : memref<128xi32, #tpu.memory_space<vmem>>) semaphore(%arg12 : memref<!tpu.dma_semaphore, #tpu.memory_space<semaphore_mem>>) {add = true}
      %add3A_98 = arith.constant 5 : i32
      %add3A_99 = arith.addi %mul3A_33, %add3A_98 : i32
      %dma_start3A_100 = arith.constant 0 : i32
      %dma_start3A_101 = arith.constant 0 : i32
      %dma_start3A_102 = arith.constant 0 : i32
      %dma_start3A_103 = tpu.memref_slice %arg8[%dma_start3A_100, %dma_start3A_101, %dma_start3A_102] : memref<8x128x16xf32, #tpu.memory_space<vmem>> -> memref<1x128x16xf32, #tpu.memory_space<vmem>>
      %dma_start3A_104 = tpu.memref_squeeze %dma_start3A_103 : memref<1x128x16xf32, #tpu.memory_space<vmem>> -> memref<128x16xf32, #tpu.memory_space<vmem>>
      %dma_start3A_105 = arith.constant 0 : i32
      %dma_start3A_106 = tpu.memref_slice %arg7[%add3A_99, %dma_start3A_105] : memref<80x128xi32, #tpu.memory_space<vmem>> -> memref<1x128xi32, #tpu.memory_space<vmem>>
      %dma_start3A_107 = tpu.memref_squeeze %dma_start3A_106 : memref<1x128xi32, #tpu.memory_space<vmem>> -> memref<128xi32, #tpu.memory_space<vmem>>
      %dma_start3A_108 = arith.constant 0 : i32
      %dma_start3A_109 = arith.constant 0 : i32
      %dma_start3A_110 = tpu.memref_slice %arg10[%dma_start3A_108, %dma_start3A_109] : memref<10112x16xf32, #tpu.memory_space<vmem_shared>> -> memref<10112x16xf32, #tpu.memory_space<vmem_shared>>
      tpu.enqueue_indirect_dma source(%dma_start3A_104 : memref<128x16xf32, #tpu.memory_space<vmem>>) target(%dma_start3A_110 : memref<10112x16xf32, #tpu.memory_space<vmem_shared>>) offsets(%dma_start3A_107 : memref<128xi32, #tpu.memory_space<vmem>>) semaphore(%arg12 : memref<!tpu.dma_semaphore, #tpu.memory_space<semaphore_mem>>) {add = true}
      %add3A_111 = arith.constant 6 : i32
      %add3A_112 = arith.addi %mul3A_33, %add3A_111 : i32
      %dma_start3A_113 = arith.constant 0 : i32
      %dma_start3A_114 = arith.constant 0 : i32
      %dma_start3A_115 = arith.constant 0 : i32
      %dma_start3A_116 = tpu.memref_slice %arg8[%dma_start3A_113, %dma_start3A_114, %dma_start3A_115] : memref<8x128x16xf32, #tpu.memory_space<vmem>> -> memref<1x128x16xf32, #tpu.memory_space<vmem>>
      %dma_start3A_117 = tpu.memref_squeeze %dma_start3A_116 : memref<1x128x16xf32, #tpu.memory_space<vmem>> -> memref<128x16xf32, #tpu.memory_space<vmem>>
      %dma_start3A_118 = arith.constant 0 : i32
      %dma_start3A_119 = tpu.memref_slice %arg7[%add3A_112, %dma_start3A_118] : memref<80x128xi32, #tpu.memory_space<vmem>> -> memref<1x128xi32, #tpu.memory_space<vmem>>
      %dma_start3A_120 = tpu.memref_squeeze %dma_start3A_119 : memref<1x128xi32, #tpu.memory_space<vmem>> -> memref<128xi32, #tpu.memory_space<vmem>>
      %dma_start3A_121 = arith.constant 0 : i32
      %dma_start3A_122 = arith.constant 0 : i32
      %dma_start3A_123 = tpu.memref_slice %arg10[%dma_start3A_121, %dma_start3A_122] : memref<10112x16xf32, #tpu.memory_space<vmem_shared>> -> memref<10112x16xf32, #tpu.memory_space<vmem_shared>>
      tpu.enqueue_indirect_dma source(%dma_start3A_117 : memref<128x16xf32, #tpu.memory_space<vmem>>) target(%dma_start3A_123 : memref<10112x16xf32, #tpu.memory_space<vmem_shared>>) offsets(%dma_start3A_120 : memref<128xi32, #tpu.memory_space<vmem>>) semaphore(%arg12 : memref<!tpu.dma_semaphore, #tpu.memory_space<semaphore_mem>>) {add = true}
      %add3A_124 = arith.constant 7 : i32
      %add3A_125 = arith.addi %mul3A_33, %add3A_124 : i32
      %dma_start3A_126 = arith.constant 0 : i32
      %dma_start3A_127 = arith.constant 0 : i32
      %dma_start3A_128 = arith.constant 0 : i32
      %dma_start3A_129 = tpu.memref_slice %arg8[%dma_start3A_126, %dma_start3A_127, %dma_start3A_128] : memref<8x128x16xf32, #tpu.memory_space<vmem>> -> memref<1x128x16xf32, #tpu.memory_space<vmem>>
      %dma_start3A_130 = tpu.memref_squeeze %dma_start3A_129 : memref<1x128x16xf32, #tpu.memory_space<vmem>> -> memref<128x16xf32, #tpu.memory_space<vmem>>
      %dma_start3A_131 = arith.constant 0 : i32
      %dma_start3A_132 = tpu.memref_slice %arg7[%add3A_125, %dma_start3A_131] : memref<80x128xi32, #tpu.memory_space<vmem>> -> memref<1x128xi32, #tpu.memory_space<vmem>>
      %dma_start3A_133 = tpu.memref_squeeze %dma_start3A_132 : memref<1x128xi32, #tpu.memory_space<vmem>> -> memref<128xi32, #tpu.memory_space<vmem>>
      %dma_start3A_134 = arith.constant 0 : i32
      %dma_start3A_135 = arith.constant 0 : i32
      %dma_start3A_136 = tpu.memref_slice %arg10[%dma_start3A_134, %dma_start3A_135] : memref<10112x16xf32, #tpu.memory_space<vmem_shared>> -> memref<10112x16xf32, #tpu.memory_space<vmem_shared>>
      tpu.enqueue_indirect_dma source(%dma_start3A_130 : memref<128x16xf32, #tpu.memory_space<vmem>>) target(%dma_start3A_136 : memref<10112x16xf32, #tpu.memory_space<vmem_shared>>) offsets(%dma_start3A_133 : memref<128xi32, #tpu.memory_space<vmem>>) semaphore(%arg12 : memref<!tpu.dma_semaphore, #tpu.memory_space<semaphore_mem>>) {add = true}
      %dma_wait3A = arith.constant 0 : i32
      %dma_wait3A_137 = arith.constant 0 : i32
      %dma_wait3A_138 = arith.constant 0 : i32
      %dma_wait3A_139 = tpu.memref_slice %arg8[%dma_wait3A, %dma_wait3A_137, %dma_wait3A_138] : memref<8x128x16xf32, #tpu.memory_space<vmem>> -> memref<1x128x16xf32, #tpu.memory_space<vmem>>
      %dma_wait3A_140 = tpu.memref_squeeze %dma_wait3A_139 : memref<1x128x16xf32, #tpu.memory_space<vmem>> -> memref<128x16xf32, #tpu.memory_space<vmem>>
      %dma_wait3A_141 = arith.constant 0 : i32
      %dma_wait3A_142 = tpu.memref_slice %arg7[%add3A_35, %dma_wait3A_141] : memref<80x128xi32, #tpu.memory_space<vmem>> -> memref<1x128xi32, #tpu.memory_space<vmem>>
      %dma_wait3A_143 = tpu.memref_squeeze %dma_wait3A_142 : memref<1x128xi32, #tpu.memory_space<vmem>> -> memref<128xi32, #tpu.memory_space<vmem>>
      %dma_wait3A_144 = arith.constant 0 : i32
      %dma_wait3A_145 = arith.constant 0 : i32
      %dma_wait3A_146 = tpu.memref_slice %arg10[%dma_wait3A_144, %dma_wait3A_145] : memref<10112x16xf32, #tpu.memory_space<vmem_shared>> -> memref<10112x16xf32, #tpu.memory_space<vmem_shared>>
      tpu.wait_indirect_dma semaphore(%arg12 : memref<!tpu.dma_semaphore, #tpu.memory_space<semaphore_mem>>) src(%dma_wait3A_140 : memref<128x16xf32, #tpu.memory_space<vmem>>) dst(%dma_wait3A_146 : memref<10112x16xf32, #tpu.memory_space<vmem_shared>>)
      %dma_wait3A_147 = arith.constant 0 : i32
      %dma_wait3A_148 = arith.constant 0 : i32
      %dma_wait3A_149 = arith.constant 0 : i32
      %dma_wait3A_150 = tpu.memref_slice %arg8[%dma_wait3A_147, %dma_wait3A_148, %dma_wait3A_149] : memref<8x128x16xf32, #tpu.memory_space<vmem>> -> memref<1x128x16xf32, #tpu.memory_space<vmem>>
      %dma_wait3A_151 = tpu.memref_squeeze %dma_wait3A_150 : memref<1x128x16xf32, #tpu.memory_space<vmem>> -> memref<128x16xf32, #tpu.memory_space<vmem>>
      %dma_wait3A_152 = arith.constant 0 : i32
      %dma_wait3A_153 = tpu.memref_slice %arg7[%add3A_47, %dma_wait3A_152] : memref<80x128xi32, #tpu.memory_space<vmem>> -> memref<1x128xi32, #tpu.memory_space<vmem>>
      %dma_wait3A_154 = tpu.memref_squeeze %dma_wait3A_153 : memref<1x128xi32, #tpu.memory_space<vmem>> -> memref<128xi32, #tpu.memory_space<vmem>>
      %dma_wait3A_155 = arith.constant 0 : i32
      %dma_wait3A_156 = arith.constant 0 : i32
      %dma_wait3A_157 = tpu.memref_slice %arg10[%dma_wait3A_155, %dma_wait3A_156] : memref<10112x16xf32, #tpu.memory_space<vmem_shared>> -> memref<10112x16xf32, #tpu.memory_space<vmem_shared>>
      tpu.wait_indirect_dma semaphore(%arg12 : memref<!tpu.dma_semaphore, #tpu.memory_space<semaphore_mem>>) src(%dma_wait3A_151 : memref<128x16xf32, #tpu.memory_space<vmem>>) dst(%dma_wait3A_157 : memref<10112x16xf32, #tpu.memory_space<vmem_shared>>)
      %dma_wait3A_158 = arith.constant 0 : i32
      %dma_wait3A_159 = arith.constant 0 : i32
      %dma_wait3A_160 = arith.constant 0 : i32
      %dma_wait3A_161 = tpu.memref_slice %arg8[%dma_wait3A_158, %dma_wait3A_159, %dma_wait3A_160] : memref<8x128x16xf32, #tpu.memory_space<vmem>> -> memref<1x128x16xf32, #tpu.memory_space<vmem>>
      %dma_wait3A_162 = tpu.memref_squeeze %dma_wait3A_161 : memref<1x128x16xf32, #tpu.memory_space<vmem>> -> memref<128x16xf32, #tpu.memory_space<vmem>>
      %dma_wait3A_163 = arith.constant 0 : i32
      %dma_wait3A_164 = tpu.memref_slice %arg7[%add3A_60, %dma_wait3A_163] : memref<80x128xi32, #tpu.memory_space<vmem>> -> memref<1x128xi32, #tpu.memory_space<vmem>>
      %dma_wait3A_165 = tpu.memref_squeeze %dma_wait3A_164 : memref<1x128xi32, #tpu.memory_space<vmem>> -> memref<128xi32, #tpu.memory_space<vmem>>
      %dma_wait3A_166 = arith.constant 0 : i32
      %dma_wait3A_167 = arith.constant 0 : i32
      %dma_wait3A_168 = tpu.memref_slice %arg10[%dma_wait3A_166, %dma_wait3A_167] : memref<10112x16xf32, #tpu.memory_space<vmem_shared>> -> memref<10112x16xf32, #tpu.memory_space<vmem_shared>>
      tpu.wait_indirect_dma semaphore(%arg12 : memref<!tpu.dma_semaphore, #tpu.memory_space<semaphore_mem>>) src(%dma_wait3A_162 : memref<128x16xf32, #tpu.memory_space<vmem>>) dst(%dma_wait3A_168 : memref<10112x16xf32, #tpu.memory_space<vmem_shared>>)
      %dma_wait3A_169 = arith.constant 0 : i32
      %dma_wait3A_170 = arith.constant 0 : i32
      %dma_wait3A_171 = arith.constant 0 : i32
      %dma_wait3A_172 = tpu.memref_slice %arg8[%dma_wait3A_169, %dma_wait3A_170, %dma_wait3A_171] : memref<8x128x16xf32, #tpu.memory_space<vmem>> -> memref<1x128x16xf32, #tpu.memory_space<vmem>>
      %dma_wait3A_173 = tpu.memref_squeeze %dma_wait3A_172 : memref<1x128x16xf32, #tpu.memory_space<vmem>> -> memref<128x16xf32, #tpu.memory_space<vmem>>
      %dma_wait3A_174 = arith.constant 0 : i32
      %dma_wait3A_175 = tpu.memref_slice %arg7[%add3A_73, %dma_wait3A_174] : memref<80x128xi32, #tpu.memory_space<vmem>> -> memref<1x128xi32, #tpu.memory_space<vmem>>
      %dma_wait3A_176 = tpu.memref_squeeze %dma_wait3A_175 : memref<1x128xi32, #tpu.memory_space<vmem>> -> memref<128xi32, #tpu.memory_space<vmem>>
      %dma_wait3A_177 = arith.constant 0 : i32
      %dma_wait3A_178 = arith.constant 0 : i32
      %dma_wait3A_179 = tpu.memref_slice %arg10[%dma_wait3A_177, %dma_wait3A_178] : memref<10112x16xf32, #tpu.memory_space<vmem_shared>> -> memref<10112x16xf32, #tpu.memory_space<vmem_shared>>
      tpu.wait_indirect_dma semaphore(%arg12 : memref<!tpu.dma_semaphore, #tpu.memory_space<semaphore_mem>>) src(%dma_wait3A_173 : memref<128x16xf32, #tpu.memory_space<vmem>>) dst(%dma_wait3A_179 : memref<10112x16xf32, #tpu.memory_space<vmem_shared>>)
      %dma_wait3A_180 = arith.constant 0 : i32
      %dma_wait3A_181 = arith.constant 0 : i32
      %dma_wait3A_182 = arith.constant 0 : i32
      %dma_wait3A_183 = tpu.memref_slice %arg8[%dma_wait3A_180, %dma_wait3A_181, %dma_wait3A_182] : memref<8x128x16xf32, #tpu.memory_space<vmem>> -> memref<1x128x16xf32, #tpu.memory_space<vmem>>
      %dma_wait3A_184 = tpu.memref_squeeze %dma_wait3A_183 : memref<1x128x16xf32, #tpu.memory_space<vmem>> -> memref<128x16xf32, #tpu.memory_space<vmem>>
      %dma_wait3A_185 = arith.constant 0 : i32
      %dma_wait3A_186 = tpu.memref_slice %arg7[%add3A_86, %dma_wait3A_185] : memref<80x128xi32, #tpu.memory_space<vmem>> -> memref<1x128xi32, #tpu.memory_space<vmem>>
      %dma_wait3A_187 = tpu.memref_squeeze %dma_wait3A_186 : memref<1x128xi32, #tpu.memory_space<vmem>> -> memref<128xi32, #tpu.memory_space<vmem>>
      %dma_wait3A_188 = arith.constant 0 : i32
      %dma_wait3A_189 = arith.constant 0 : i32
      %dma_wait3A_190 = tpu.memref_slice %arg10[%dma_wait3A_188, %dma_wait3A_189] : memref<10112x16xf32, #tpu.memory_space<vmem_shared>> -> memref<10112x16xf32, #tpu.memory_space<vmem_shared>>
      tpu.wait_indirect_dma semaphore(%arg12 : memref<!tpu.dma_semaphore, #tpu.memory_space<semaphore_mem>>) src(%dma_wait3A_184 : memref<128x16xf32, #tpu.memory_space<vmem>>) dst(%dma_wait3A_190 : memref<10112x16xf32, #tpu.memory_space<vmem_shared>>)
      %dma_wait3A_191 = arith.constant 0 : i32
      %dma_wait3A_192 = arith.constant 0 : i32
      %dma_wait3A_193 = arith.constant 0 : i32
      %dma_wait3A_194 = tpu.memref_slice %arg8[%dma_wait3A_191, %dma_wait3A_192, %dma_wait3A_193] : memref<8x128x16xf32, #tpu.memory_space<vmem>> -> memref<1x128x16xf32, #tpu.memory_space<vmem>>
      %dma_wait3A_195 = tpu.memref_squeeze %dma_wait3A_194 : memref<1x128x16xf32, #tpu.memory_space<vmem>> -> memref<128x16xf32, #tpu.memory_space<vmem>>
      %dma_wait3A_196 = arith.constant 0 : i32
      %dma_wait3A_197 = tpu.memref_slice %arg7[%add3A_99, %dma_wait3A_196] : memref<80x128xi32, #tpu.memory_space<vmem>> -> memref<1x128xi32, #tpu.memory_space<vmem>>
      %dma_wait3A_198 = tpu.memref_squeeze %dma_wait3A_197 : memref<1x128xi32, #tpu.memory_space<vmem>> -> memref<128xi32, #tpu.memory_space<vmem>>
      %dma_wait3A_199 = arith.constant 0 : i32
      %dma_wait3A_200 = arith.constant 0 : i32
      %dma_wait3A_201 = tpu.memref_slice %arg10[%dma_wait3A_199, %dma_wait3A_200] : memref<10112x16xf32, #tpu.memory_space<vmem_shared>> -> memref<10112x16xf32, #tpu.memory_space<vmem_shared>>
      tpu.wait_indirect_dma semaphore(%arg12 : memref<!tpu.dma_semaphore, #tpu.memory_space<semaphore_mem>>) src(%dma_wait3A_195 : memref<128x16xf32, #tpu.memory_space<vmem>>) dst(%dma_wait3A_201 : memref<10112x16xf32, #tpu.memory_space<vmem_shared>>)
      %dma_wait3A_202 = arith.constant 0 : i32
      %dma_wait3A_203 = arith.constant 0 : i32
      %dma_wait3A_204 = arith.constant 0 : i32
      %dma_wait3A_205 = tpu.memref_slice %arg8[%dma_wait3A_202, %dma_wait3A_203, %dma_wait3A_204] : memref<8x128x16xf32, #tpu.memory_space<vmem>> -> memref<1x128x16xf32, #tpu.memory_space<vmem>>
      %dma_wait3A_206 = tpu.memref_squeeze %dma_wait3A_205 : memref<1x128x16xf32, #tpu.memory_space<vmem>> -> memref<128x16xf32, #tpu.memory_space<vmem>>
      %dma_wait3A_207 = arith.constant 0 : i32
      %dma_wait3A_208 = tpu.memref_slice %arg7[%add3A_112, %dma_wait3A_207] : memref<80x128xi32, #tpu.memory_space<vmem>> -> memref<1x128xi32, #tpu.memory_space<vmem>>
      %dma_wait3A_209 = tpu.memref_squeeze %dma_wait3A_208 : memref<1x128xi32, #tpu.memory_space<vmem>> -> memref<128xi32, #tpu.memory_space<vmem>>
      %dma_wait3A_210 = arith.constant 0 : i32
      %dma_wait3A_211 = arith.constant 0 : i32
      %dma_wait3A_212 = tpu.memref_slice %arg10[%dma_wait3A_210, %dma_wait3A_211] : memref<10112x16xf32, #tpu.memory_space<vmem_shared>> -> memref<10112x16xf32, #tpu.memory_space<vmem_shared>>
      tpu.wait_indirect_dma semaphore(%arg12 : memref<!tpu.dma_semaphore, #tpu.memory_space<semaphore_mem>>) src(%dma_wait3A_206 : memref<128x16xf32, #tpu.memory_space<vmem>>) dst(%dma_wait3A_212 : memref<10112x16xf32, #tpu.memory_space<vmem_shared>>)
      %dma_wait3A_213 = arith.constant 0 : i32
      %dma_wait3A_214 = arith.constant 0 : i32
      %dma_wait3A_215 = arith.constant 0 : i32
      %dma_wait3A_216 = tpu.memref_slice %arg8[%dma_wait3A_213, %dma_wait3A_214, %dma_wait3A_215] : memref<8x128x16xf32, #tpu.memory_space<vmem>> -> memref<1x128x16xf32, #tpu.memory_space<vmem>>
      %dma_wait3A_217 = tpu.memref_squeeze %dma_wait3A_216 : memref<1x128x16xf32, #tpu.memory_space<vmem>> -> memref<128x16xf32, #tpu.memory_space<vmem>>
      %dma_wait3A_218 = arith.constant 0 : i32
      %dma_wait3A_219 = tpu.memref_slice %arg7[%add3A_125, %dma_wait3A_218] : memref<80x128xi32, #tpu.memory_space<vmem>> -> memref<1x128xi32, #tpu.memory_space<vmem>>
      %dma_wait3A_220 = tpu.memref_squeeze %dma_wait3A_219 : memref<1x128xi32, #tpu.memory_space<vmem>> -> memref<128xi32, #tpu.memory_space<vmem>>
      %dma_wait3A_221 = arith.constant 0 : i32
      %dma_wait3A_222 = arith.constant 0 : i32
      %dma_wait3A_223 = tpu.memref_slice %arg10[%dma_wait3A_221, %dma_wait3A_222] : memref<10112x16xf32, #tpu.memory_space<vmem_shared>> -> memref<10112x16xf32, #tpu.memory_space<vmem_shared>>
      tpu.wait_indirect_dma semaphore(%arg12 : memref<!tpu.dma_semaphore, #tpu.memory_space<semaphore_mem>>) src(%dma_wait3A_217 : memref<128x16xf32, #tpu.memory_space<vmem>>) dst(%dma_wait3A_223 : memref<10112x16xf32, #tpu.memory_space<vmem_shared>>)
      %scan3A_224 = arith.constant 0 : i32
      scf.yield %scan3A_224 : i32
    }
    %scan3A_24 = arith.constant 10 : i32
    %barrier3A_25 = arith.constant 0 : index
    tpu.barrier barrier_id(%barrier3A_25)
    %mul3A_26 = arith.constant 632 : i32
    %mul3A_27 = arith.muli %arg1, %mul3A_26 : i32
    "tpu.region"() ({
      %run_scoped3A = tpu.sem_alloc : memref<!tpu.dma_semaphore, #tpu.memory_space<semaphore_mem>>
      %dma_start3A = arith.constant 0 : i32
      %dma_start3A_30 = tpu.memref_slice %arg10[%mul3A_27, %dma_start3A] : memref<10112x16xf32, #tpu.memory_space<vmem_shared>> -> memref<632x16xf32, #tpu.memory_space<vmem_shared>>
      %dma_start3A_31 = arith.constant 0 : i32
      %dma_start3A_32 = tpu.memref_slice %arg10[%mul3A_27, %dma_start3A_31] : memref<10112x16xf32, #tpu.memory_space<vmem_shared>> -> memref<632x16xf32, #tpu.memory_space<vmem_shared>>
      tpu.enqueue_dma source(%dma_start3A_32 : memref<632x16xf32, #tpu.memory_space<vmem_shared>>) target(%arg9 : memref<632x16xf32, #tpu.memory_space<vmem>>) target_semaphore(%run_scoped3A : memref<!tpu.dma_semaphore, #tpu.memory_space<semaphore_mem>>)
      %dma_wait3A = arith.constant 0 : i32
      %dma_wait3A_33 = tpu.memref_slice %arg10[%mul3A_27, %dma_wait3A] : memref<10112x16xf32, #tpu.memory_space<vmem_shared>> -> memref<632x16xf32, #tpu.memory_space<vmem_shared>>
      %dma_wait3A_34 = arith.constant 0 : i32
      %dma_wait3A_35 = tpu.memref_slice %arg10[%mul3A_27, %dma_wait3A_34] : memref<10112x16xf32, #tpu.memory_space<vmem_shared>> -> memref<632x16xf32, #tpu.memory_space<vmem_shared>>
      tpu.wait_dma2 semaphore(%run_scoped3A : memref<!tpu.dma_semaphore, #tpu.memory_space<semaphore_mem>>) src(%dma_wait3A_35 : memref<632x16xf32, #tpu.memory_space<vmem_shared>>) dst(%arg9 : memref<632x16xf32, #tpu.memory_space<vmem>>)
      tpu.yield
    }) : () -> ()
    %mul3A_28 = arith.constant 632 : i32
    %mul3A_29 = arith.muli %arg1, %mul3A_28 : i32
    "tpu.region"() ({
      %run_scoped3A = tpu.sem_alloc : memref<!tpu.dma_semaphore, #tpu.memory_space<semaphore_mem>>
      %dma_start3A = arith.constant 0 : i32
      %dma_start3A_30 = arith.constant 0 : i32
      %dma_start3A_31 = tpu.memref_slice %arg5[%arg0, %dma_start3A, %dma_start3A_30] : memref<2x10112x16xf32, #tpu.memory_space<hbm>> -> memref<1x10112x16xf32, #tpu.memory_space<hbm>>
      %dma_start3A_32 = tpu.memref_squeeze %dma_start3A_31 : memref<1x10112x16xf32, #tpu.memory_space<hbm>> -> memref<10112x16xf32, #tpu.memory_space<hbm>>
      %dma_start3A_33 = arith.constant 0 : i32
      %dma_start3A_34 = tpu.memref_slice %dma_start3A_32[%mul3A_29, %dma_start3A_33] : memref<10112x16xf32, #tpu.memory_space<hbm>> -> memref<632x16xf32, #tpu.memory_space<hbm>>
      %dma_start3A_35 = arith.constant 0 : i32
      %dma_start3A_36 = arith.constant 0 : i32
      %dma_start3A_37 = tpu.memref_slice %arg5[%arg0, %dma_start3A_35, %dma_start3A_36] : memref<2x10112x16xf32, #tpu.memory_space<hbm>> -> memref<1x10112x16xf32, #tpu.memory_space<hbm>>
      %dma_start3A_38 = tpu.memref_squeeze %dma_start3A_37 : memref<1x10112x16xf32, #tpu.memory_space<hbm>> -> memref<10112x16xf32, #tpu.memory_space<hbm>>
      %dma_start3A_39 = arith.constant 0 : i32
      %dma_start3A_40 = tpu.memref_slice %dma_start3A_38[%mul3A_29, %dma_start3A_39] : memref<10112x16xf32, #tpu.memory_space<hbm>> -> memref<632x16xf32, #tpu.memory_space<hbm>>
      tpu.enqueue_dma source(%arg9 : memref<632x16xf32, #tpu.memory_space<vmem>>) target(%dma_start3A_40 : memref<632x16xf32, #tpu.memory_space<hbm>>) target_semaphore(%run_scoped3A : memref<!tpu.dma_semaphore, #tpu.memory_space<semaphore_mem>>)
      %dma_wait3A = arith.constant 0 : i32
      %dma_wait3A_41 = arith.constant 0 : i32
      %dma_wait3A_42 = tpu.memref_slice %arg5[%arg0, %dma_wait3A, %dma_wait3A_41] : memref<2x10112x16xf32, #tpu.memory_space<hbm>> -> memref<1x10112x16xf32, #tpu.memory_space<hbm>>
      %dma_wait3A_43 = tpu.memref_squeeze %dma_wait3A_42 : memref<1x10112x16xf32, #tpu.memory_space<hbm>> -> memref<10112x16xf32, #tpu.memory_space<hbm>>
      %dma_wait3A_44 = arith.constant 0 : i32
      %dma_wait3A_45 = tpu.memref_slice %dma_wait3A_43[%mul3A_29, %dma_wait3A_44] : memref<10112x16xf32, #tpu.memory_space<hbm>> -> memref<632x16xf32, #tpu.memory_space<hbm>>
      %dma_wait3A_46 = arith.constant 0 : i32
      %dma_wait3A_47 = arith.constant 0 : i32
      %dma_wait3A_48 = tpu.memref_slice %arg5[%arg0, %dma_wait3A_46, %dma_wait3A_47] : memref<2x10112x16xf32, #tpu.memory_space<hbm>> -> memref<1x10112x16xf32, #tpu.memory_space<hbm>>
      %dma_wait3A_49 = tpu.memref_squeeze %dma_wait3A_48 : memref<1x10112x16xf32, #tpu.memory_space<hbm>> -> memref<10112x16xf32, #tpu.memory_space<hbm>>
      %dma_wait3A_50 = arith.constant 0 : i32
      %dma_wait3A_51 = tpu.memref_slice %dma_wait3A_49[%mul3A_29, %dma_wait3A_50] : memref<10112x16xf32, #tpu.memory_space<hbm>> -> memref<632x16xf32, #tpu.memory_space<hbm>>
      tpu.wait_dma2 semaphore(%run_scoped3A : memref<!tpu.dma_semaphore, #tpu.memory_space<semaphore_mem>>) src(%arg9 : memref<632x16xf32, #tpu.memory_space<vmem>>) dst(%dma_wait3A_51 : memref<632x16xf32, #tpu.memory_space<hbm>>)
      tpu.yield
    }) : () -> ()
    return
  }
}

module attributes {stable_mosaic.version = 14 : i64} {
  func.func @_tc1(%arg0: memref<10000x128xf32, #tpu.memory_space<vmem>>, %arg1: memref<128x16xf32, #tpu.memory_space<vmem>>, %arg2: memref<10000x16xf32, #tpu.memory_space<vmem>>, %arg3: memref<10000x16xf32, #tpu.memory_space<vmem>>, %arg4: memref<10000x16xf32, #tpu.memory_space<vmem>>, %arg5: memref<10000x16xf32, #tpu.memory_space<vmem>>) attributes {dimension_semantics = [], scalar_prefetch = 0 : i64, scratch_operands = 0 : i64, tpu.core_type = #tpu.core_type<tc>} {
    %get3A = arith.constant 0 : index
    %get3A_0 = arith.constant 0 : index
    %get3A_1 = vector.load %arg2[%get3A, %get3A_0] : memref<10000x16xf32, #tpu.memory_space<vmem>>, vector<10000x16xf32>
    %get3A_2 = arith.constant 0 : index
    %get3A_3 = arith.constant 0 : index
    %get3A_4 = vector.load %arg3[%get3A_2, %get3A_3] : memref<10000x16xf32, #tpu.memory_space<vmem>>, vector<10000x16xf32>
    %add3A = arith.addf %get3A_1, %get3A_4 : vector<10000x16xf32>
    %add3A_5 = arith.constant 1.000000e+00 : f32
    %add3A_6 = vector.broadcast %add3A_5 : f32 to vector<10000x16xf32>
    %add3A_7 = arith.addf %add3A, %add3A_6 : vector<10000x16xf32>
    %rsqrt3A = math.rsqrt %add3A_7 : vector<10000x16xf32>
    %swap3A = arith.constant 0 : index
    %swap3A_8 = arith.constant 0 : index
    %swap3A_9 = vector.load %arg4[%swap3A, %swap3A_8] : memref<10000x16xf32, #tpu.memory_space<vmem>>, vector<10000x16xf32>
    tpu.vector_store %arg4[%swap3A, %swap3A_8], %rsqrt3A {strides = array<i32>} : memref<10000x16xf32, #tpu.memory_space<vmem>>, vector<10000x16xf32>,
    %get3A_10 = arith.constant 0 : index
    %get3A_11 = arith.constant 0 : index
    %get3A_12 = vector.load %arg0[%get3A_10, %get3A_11] : memref<10000x128xf32, #tpu.memory_space<vmem>>, vector<10000x128xf32>
    %get3A_13 = arith.constant 0 : index
    %get3A_14 = arith.constant 0 : index
    %get3A_15 = vector.load %arg1[%get3A_13, %get3A_14] : memref<128x16xf32, #tpu.memory_space<vmem>>, vector<128x16xf32>
    %dot_general3A = arith.constant dense<0.000000e+00> : vector<10000x16xf32>
    %dot_general3A_16 = tpu.matmul %get3A_12, %get3A_15, %dot_general3A {dimension_numbers = #tpu.dot_dimension_numbers<[1], [0], [0], [1], [0, 0, 1, 1], [], []>, transpose_lhs_hint = false} : vector<10000x128xf32>, vector<128x16xf32>, vector<10000x16xf32> -> vector<10000x16xf32>
    %mul3A = arith.mulf %rsqrt3A, %dot_general3A_16 : vector<10000x16xf32>
    %swap3A_17 = arith.constant 0 : index
    %swap3A_18 = arith.constant 0 : index
    %swap3A_19 = vector.load %arg5[%swap3A_17, %swap3A_18] : memref<10000x16xf32, #tpu.memory_space<vmem>>, vector<10000x16xf32>
    tpu.vector_store %arg5[%swap3A_17, %swap3A_18], %mul3A {strides = array<i32>} : memref<10000x16xf32, #tpu.memory_space<vmem>>, vector<10000x16xf32>,
    return
  }
}

module attributes {stable_mosaic.version = 14 : i64} {
  func.func @_tc2(%arg0: memref<10000x16xf32, #tpu.memory_space<vmem>>, %arg1: memref<10000x16xf32, #tpu.memory_space<vmem>>, %arg2: memref<10000x16xf32, #tpu.memory_space<vmem>>, %arg3: memref<10000x16xf32, #tpu.memory_space<vmem>>, %arg4: memref<16x16xf32, #tpu.memory_space<vmem>>, %arg5: memref<1x16xf32, #tpu.memory_space<vmem>>, %arg6: memref<10000x16xf32, #tpu.memory_space<vmem>>) attributes {dimension_semantics = [], scalar_prefetch = 0 : i64, scratch_operands = 0 : i64, tpu.core_type = #tpu.core_type<tc>} {
    %get3A = arith.constant 0 : index
    %get3A_0 = arith.constant 0 : index
    %get3A_1 = vector.load %arg3[%get3A, %get3A_0] : memref<10000x16xf32, #tpu.memory_space<vmem>>, vector<10000x16xf32>
    %get3A_2 = arith.constant 0 : index
    %get3A_3 = arith.constant 0 : index
    %get3A_4 = vector.load %arg0[%get3A_2, %get3A_3] : memref<10000x16xf32, #tpu.memory_space<vmem>>, vector<10000x16xf32>
    %get3A_5 = arith.constant 0 : index
    %get3A_6 = arith.constant 0 : index
    %get3A_7 = vector.load %arg1[%get3A_5, %get3A_6] : memref<10000x16xf32, #tpu.memory_space<vmem>>, vector<10000x16xf32>
    %add3A = arith.addf %get3A_4, %get3A_7 : vector<10000x16xf32>
    %get3A_8 = arith.constant 0 : index
    %get3A_9 = arith.constant 0 : index
    %get3A_10 = vector.load %arg2[%get3A_8, %get3A_9] : memref<10000x16xf32, #tpu.memory_space<vmem>>, vector<10000x16xf32>
    %add3A_11 = arith.addf %add3A, %get3A_10 : vector<10000x16xf32>
    %mul3A = arith.mulf %get3A_1, %add3A_11 : vector<10000x16xf32>
    %get3A_12 = arith.constant 0 : index
    %get3A_13 = arith.constant 0 : index
    %get3A_14 = vector.load %arg5[%get3A_12, %get3A_13] : memref<1x16xf32, #tpu.memory_space<vmem>>, vector<1x16xf32>
    %add3A_15 = vector.broadcast %get3A_14 : vector<1x16xf32> to vector<10000x16xf32>
    %add3A_16 = arith.addf %mul3A, %add3A_15 : vector<10000x16xf32>
    %max3A = arith.constant 0.000000e+00 : f32
    %max3A_17 = vector.broadcast %max3A : f32 to vector<10000x16xf32>
    %max3A_18 = arith.maximumf %add3A_16, %max3A_17 : vector<10000x16xf32>
    %get3A_19 = arith.constant 0 : index
    %get3A_20 = arith.constant 0 : index
    %get3A_21 = vector.load %arg3[%get3A_19, %get3A_20] : memref<10000x16xf32, #tpu.memory_space<vmem>>, vector<10000x16xf32>
    %get3A_22 = arith.constant 0 : index
    %get3A_23 = arith.constant 0 : index
    %get3A_24 = vector.load %arg4[%get3A_22, %get3A_23] : memref<16x16xf32, #tpu.memory_space<vmem>>, vector<16x16xf32>
    %dot_general3A = arith.constant dense<0.000000e+00> : vector<10000x16xf32>
    %dot_general3A_25 = tpu.matmul %max3A_18, %get3A_24, %dot_general3A {dimension_numbers = #tpu.dot_dimension_numbers<[1], [0], [0], [1], [0, 0, 1, 1], [], []>, transpose_lhs_hint = false} : vector<10000x16xf32>, vector<16x16xf32>, vector<10000x16xf32> -> vector<10000x16xf32>
    %mul3A_26 = arith.mulf %get3A_21, %dot_general3A_25 : vector<10000x16xf32>
    %swap3A = arith.constant 0 : index
    %swap3A_27 = arith.constant 0 : index
    %swap3A_28 = vector.load %arg6[%swap3A, %swap3A_27] : memref<10000x16xf32, #tpu.memory_space<vmem>>, vector<10000x16xf32>
    tpu.vector_store %arg6[%swap3A, %swap3A_27], %mul3A_26 {strides = array<i32>} : memref<10000x16xf32, #tpu.memory_space<vmem>>, vector<10000x16xf32>,
    return
  }
}

module attributes {stable_mosaic.version = 14 : i64} {
  func.func @_tc3(%arg0: memref<10000x16xf32, #tpu.memory_space<vmem>>, %arg1: memref<10000x16xf32, #tpu.memory_space<vmem>>, %arg2: memref<10000x16xf32, #tpu.memory_space<vmem>>, %arg3: memref<10000x16xf32, #tpu.memory_space<vmem>>, %arg4: memref<1x16xf32, #tpu.memory_space<vmem>>, %arg5: memref<10000x16xf32, #tpu.memory_space<vmem>>) attributes {dimension_semantics = [], scalar_prefetch = 0 : i64, scratch_operands = 0 : i64, tpu.core_type = #tpu.core_type<tc>} {
    %get3A = arith.constant 0 : index
    %get3A_0 = arith.constant 0 : index
    %get3A_1 = vector.load %arg3[%get3A, %get3A_0] : memref<10000x16xf32, #tpu.memory_space<vmem>>, vector<10000x16xf32>
    %get3A_2 = arith.constant 0 : index
    %get3A_3 = arith.constant 0 : index
    %get3A_4 = vector.load %arg0[%get3A_2, %get3A_3] : memref<10000x16xf32, #tpu.memory_space<vmem>>, vector<10000x16xf32>
    %get3A_5 = arith.constant 0 : index
    %get3A_6 = arith.constant 0 : index
    %get3A_7 = vector.load %arg1[%get3A_5, %get3A_6] : memref<10000x16xf32, #tpu.memory_space<vmem>>, vector<10000x16xf32>
    %add3A = arith.addf %get3A_4, %get3A_7 : vector<10000x16xf32>
    %get3A_8 = arith.constant 0 : index
    %get3A_9 = arith.constant 0 : index
    %get3A_10 = vector.load %arg2[%get3A_8, %get3A_9] : memref<10000x16xf32, #tpu.memory_space<vmem>>, vector<10000x16xf32>
    %add3A_11 = arith.addf %add3A, %get3A_10 : vector<10000x16xf32>
    %mul3A = arith.mulf %get3A_1, %add3A_11 : vector<10000x16xf32>
    %get3A_12 = arith.constant 0 : index
    %get3A_13 = arith.constant 0 : index
    %get3A_14 = vector.load %arg4[%get3A_12, %get3A_13] : memref<1x16xf32, #tpu.memory_space<vmem>>, vector<1x16xf32>
    %add3A_15 = vector.broadcast %get3A_14 : vector<1x16xf32> to vector<10000x16xf32>
    %add3A_16 = arith.addf %mul3A, %add3A_15 : vector<10000x16xf32>
    %swap3A = arith.constant 0 : index
    %swap3A_17 = arith.constant 0 : index
    %swap3A_18 = vector.load %arg5[%swap3A, %swap3A_17] : memref<10000x16xf32, #tpu.memory_space<vmem>>, vector<10000x16xf32>
    tpu.vector_store %arg5[%swap3A, %swap3A_17], %add3A_16 {strides = array<i32>} : memref<10000x16xf32, #tpu.memory_space<vmem>>, vector<10000x16xf32>,
    return
  }
}

</mosaic_0001>

<sc_bundles>
// kernel: kernel.11.cloned.1.call-start
scs
__scs_entry_jumppad:
0x0: {  	(pc) =	sbr.rel $0x88, $3  }
0x1: {  	(tag) =	ssettag $0x0;
	lr =	simm.s32 $0x1  }
0x2: {  	[smem:$0x3F9B] =	sst lr;
	_ =	strace $0xD0000000  }
0x3: {  	_ = 	snop  }
0x4: {  	_ = 	snop  }
0x5: {  	_ = 	snop  }
0x6: {  	_ = 	snop  }
0x7: {  	_ = 	snop  }
__scs_overlays_trampoline_lowered:
0x8: {  	[smem:$0x3FAA] =	sst s0  }
0x9: {  	[smem:$0x3FAB] =	sst s1  }
0xa: {  	[smem:$0x3FAC] =	sst s2  }
0xb: {  	[smem:$0x3FAD] =	sst s3  }
0xc: {  	[smem:$0x3FAE] =	sst s4  }
0xd: {  	[smem:$0x3FAF] =	sst s5  }
0xe: {  	[smem:$0x3FB0] =	sst s6  }
0xf: {  	[smem:$0x3FB1] =	sst s7  }
0x10: {  	[smem:$0x3FB2] =	sst s8  }
0x11: {  	[smem:$0x3FB3] =	sst s9;
	s0 =	simm.s32 @!p0 $0x0  }
0x12: {  	s1 =	sld [smem:$0x3F99];
	s0 =	simm.s32 @p0 $0x1  }
0x13: {  	[smem:$0x3FB4] =	sst s0;
	s0 =	simm.s32 @!p1 $0x0  }
0x14: {  	s2 =	sld [smem:$0x3F98];
	s0 =	simm.s32 @p1 $0x1  }
0x15: {  	[smem:$0x3FB5] =	sst s0;
	s0 =	simm.s32 @!p2 $0x0  }
0x16: {  	s3 =	sld [smem:$0x3FDB];
	s0 =	simm.s32 @p2 $0x1  }
0x17: {  	s4 =	simm.s32 $0x1BF5;
	[smem:$0x3FB7] =	sst s0  }
0x18: {  	s0 =	sld [smem:$0x3F9A];
	_ =	swait.ge [sflag:s4], $0x0  }
0x19: {  	s7 =	sld [smem:$0x3F9B]  }
0x1a: {  	s8 =	sadd.s32 $0xFFFFE003, lr  }
0x1b: {  	s9 =	sadd.s32 $0xFFFFFEF7, lr;
	s5 =	simm.s32 $0xFFFFFFFF;
	p2 =	slt.u32 s8, $0xFFFFF086  }
0x1c: {  	p1 =	slt.u32 s9, $0xF7A;
	s5 =	simm.s32 @!p2 $0x0  }
0x1d: {  	s5 =	simm.s32 @p1 $0x1;
	p0 =	seq.s32 s7, s2  }
0x1e: {  	s7 =	smul.u32 @!p0 $0xF7A, s2;
	p2 =	seq.s32 @!p0 s5, $0x0  }
0x1f: {  	s9 =	smul.u32 $0xF7A, s1;
	s8 =	simm.s32 @!p0 $0x1BF5;
	p2 =	por !p2, p0  }
0x20: {  	[sflag:s8] =	ssyncset.s32 @!p0 $0xFFFFF086;
	s6 =	sadd.s32 @!p0 s3, s7;
	s7 =	simm.s32 @!p0 $0x108  }
0x21: {  	s3 =	sadd.s32 s3, s9;
	s6 =	sadd.s32 @!p0 $0x88, s6;
	s7 =	simm.s32 @p2 $0x1082  }
0x22: {  	[simem:s7], [sflag:s8] =	dma.local @!p0 [hbm:s6], $0xF7A  }
0x23: {  	s9 =	sor.u32 $0xD0000000, s2;
	s6 =	simm.s32 $0x108;
	_ =	swait.ge @!p0 [sflag:s8], $0x0  }
0x24: {  	s3 =	sadd.s32 $0x88, s3;
	s6 =	simm.s32 @!p1 $0x1082;
	[sflag:s4] =	ssyncset.s32 $0xFFFFF086  }
0x25: {  	[simem:s6], [sflag:s4] =	dma.local [hbm:s3], $0xF7A  }
0x26: {  	[smem:$0x3F9B] =	sst s1;
	(tag) =	ssettag s2;
	_ =	strace s9  }
0x27: {  	s1 =	sld [smem:$0x3FAB]  }
0x28: {  	s2 =	sld [smem:$0x3FAC]  }
0x29: {  	s4 =	sld [smem:$0x3FAE]  }
0x2a: {  	p0 =	seq.s32 s5, $0x0;
	s5 =	sld [smem:$0x3FAF]  }
0x2b: {  	s6 =	sld [smem:$0x3FB0]  }
0x2c: {  	s7 =	sld [smem:$0x3FB1]  }
0x2d: {  	s3 =	simm.s32 $0x108;
	s8 =	sld [smem:$0x3FB2]  }
0x2e: {  	s3 =	simm.s32 @!p0 $0x1082;
	s9 =	sld [smem:$0x3FB3]  }
0x2f: {  	lr =	sadd.s32 s0, s3;
	s0 =	sld [smem:$0x3FAA]  }
0x30: {  	s3 =	sld [smem:$0x3FAD]  }
0x31: {  	[smem:$0x3FB6] =	sst s10  }
0x32: {  	s10 =	sld [smem:$0x3FB4];
	_ =	sdelay $0x3  }
0x33: {  	p0 =	seq.s32 s10, $0x1;
	s10 =	sld [smem:$0x3FB6];
	_ =	sdelay $0x3  }
0x34: {  	[smem:$0x3FB6] =	sst s10  }
0x35: {  	s10 =	sld [smem:$0x3FB5];
	_ =	sdelay $0x3  }
0x36: {  	p1 =	seq.s32 s10, $0x1;
	s10 =	sld [smem:$0x3FB6];
	_ =	sdelay $0x3  }
0x37: {  	[smem:$0x3FB6] =	sst s10  }
0x38: {  	s10 =	sld [smem:$0x3FB7]  }
0x39: {  	_ = 	snop;
	(pc) =	sbr.ind lr, $3  }
0x3a: {  	_ = 	snop  }
0x3b: {  	_ = 	snop  }
0x3c: {  	p2 =	seq.s32 s10, $0x1;
	s10 =	sld [smem:$0x3FB6]  }
0x3d: {  	_ =	shalt  }
0x3e: {  	_ =	shalt  }
0x3f: {  	_ =	shalt  }
0x40: {  	_ =	shalt  }
0x41: {  	_ =	shalt  }
0x42: {  	_ =	shalt  }
0x43: {  	_ =	shalt  }
0x44: {  	_ =	shalt  }
0x45: {  	_ =	shalt  }
0x46: {  	_ =	shalt  }
0x47: {  	_ =	shalt  }
0x48: {  	_ =	shalt  }
0x49: {  	_ =	shalt  }
0x4a: {  	_ =	shalt  }
0x4b: {  	_ =	shalt  }
0x4c: {  	_ =	shalt  }
0x4d: {  	_ =	shalt  }
0x4e: {  	_ =	shalt  }
0x4f: {  	_ =	shalt  }
0x50: {  	_ =	shalt  }
0x51: {  	_ =	shalt  }
0x52: {  	_ =	shalt  }
0x53: {  	_ =	shalt  }
0x54: {  	_ =	shalt  }
0x55: {  	_ =	shalt  }
0x56: {  	_ =	shalt  }
0x57: {  	_ =	shalt  }
0x58: {  	_ =	shalt  }
0x59: {  	_ =	shalt  }
0x5a: {  	_ =	shalt  }
0x5b: {  	_ =	shalt  }
0x5c: {  	_ =	shalt  }
0x5d: {  	_ =	shalt  }
0x5e: {  	_ =	shalt  }
0x5f: {  	_ =	shalt  }
0x60: {  	_ =	shalt  }
0x61: {  	_ =	shalt  }
0x62: {  	_ =	shalt  }
0x63: {  	_ =	shalt  }
0x64: {  	_ =	shalt  }
0x65: {  	_ =	shalt  }
0x66: {  	_ =	shalt  }
0x67: {  	_ =	shalt  }
0x68: {  	_ =	shalt  }
0x69: {  	_ =	shalt  }
0x6a: {  	_ =	shalt  }
0x6b: {  	_ =	shalt  }
0x6c: {  	_ =	shalt  }
0x6d: {  	_ =	shalt  }
0x6e: {  	_ =	shalt  }
0x6f: {  	_ =	shalt  }
0x70: {  	_ =	shalt  }
0x71: {  	_ =	shalt  }
0x72: {  	_ =	shalt  }
0x73: {  	_ =	shalt  }
0x74: {  	_ =	shalt  }
0x75: {  	_ =	shalt  }
0x76: {  	_ =	shalt  }
0x77: {  	_ =	shalt  }
0x78: {  	_ =	shalt  }
0x79: {  	_ =	shalt  }
0x7a: {  	_ =	shalt  }
0x7b: {  	_ =	shalt  }
0x7c: {  	_ =	shalt  }
0x7d: {  	_ =	shalt  }
0x7e: {  	_ =	shalt  }
0x7f: {  	_ =	shalt  }
0x80: {  	_ =	shalt  }
0x81: {  	_ =	shalt  }
0x82: {  	_ =	shalt  }
0x83: {  	_ =	shalt  }
0x84: {  	_ =	shalt  }
0x85: {  	_ =	shalt  }
0x86: {  	_ =	shalt  }
0x87: {  	_ =	shalt  }
.Lfunc_end0:
.L_simem_size_0:
called_computation.1_lowered:
.L_overlay_start_0:
0x88: {  	s2 =	sld [smem:$0x3FD9]  }
0x89: {  	s3 =	sld [smem:$0x3FFE];
	_ =	sdelay $0x1  }
0x8a: {  	s1 =	srdreg.scid  }
0x8b: {  	s0 =	sand.u32 $0x1, s1  }
0x8c: {  	s17 =	sshll.u32 s0, $0xA;
	s2 =	sadd.s32 s3, s2  }
0x8d: {  	s2 =	sadd.s32 s2, s17  }
0x8e: {  	[smem:$0x3FC2] =	sst s2  }
0x8f: {  	_ = 	snop  }
0x90: {  	s2 =	sld [smem:$0x3FD0];
	(tm) =	ssettm $0x1  }
0x91: {  	s18 =	sld [smem:$0x3FFB];
	_ =	sdelay $0x3  }
0x92: {  	_ =	strace s18  }
0x93: {  	s3 =	sld [smem:$0x3FFC];
	_ =	sdelay $0x3  }
0x94: {  	_ =	strace s3  }
0x95: {  	s3 =	sld [smem:$0x3FFD];
	_ =	sdelay $0x3  }
0x96: {  	_ =	strace s3  }
0x97: {  	_ =	strace $0x8FFFFFFF  }
0x98: {  	s19 =	sld [smem:$0x3FDB];
	_ =	sdelay $0x1  }
0x99: {  	s4 =	simm.s32 $_scs_section_size  }
0x9a: {  	s5 =	simm.s32 $_size__tile_overlayer_lowered;
	s6 =	simm.s32 $_tile_overlayer_lowered  }
0x9b: {  	s22 =	simm.s32 $0x1BFF;
	s21 =	sshll.u32 s6, $0x1;
	s3 =	sadd.s32 s4, s19  }
0x9c: {  	s7 =	simm.s32 $0x0;
	s20 =	sshll.u32 s5, $0x1;
	s5 =	sadd.s32 s21, s3  }
0x9d: {  	[timem:s7], [sflag:s22] =	dma.local [hbm:s5], s20  }
0x9e: {  	_ =	swait.ge [sflag:s22], s20  }
0x9f: {  	s4 =	ssub.s32 $0x0, s20;
	[sflag:s22] =	ssyncset.done $0x0  }
0xa0: {  	[sflag:s22] =	ssyncadd.s32 s4;
	_ =	sdelay $0x1  }
0xa1: {  	s23 =	simm.s32 $0x1B8B  }
0xa2: {  	_ =	swait.ge [sflag:s23], $0x1  }
0xa3: {  	[sflag:s23] =	ssyncset.done $0x0  }
0xa4: {  	s25 =	simm.s32 $0x1B8E;
	s24 =	sld [smem:$0x3FFE];
	[sflag:s23] =	ssyncadd.s32 $0xFFFFFFFF  }
0xa5: {  	s26 =	simm.s32 $execute0_lowered;
	[smem:$0x3FD2] =	sst s25  }
0xa6: {  	s5 =	sshll.u32 s26, $0x1;
	_ =	strace $0x80000049;
	[dreg:$0x1] =	wrdreg $0xFFFFFFFF  }
0xa7: {  	s28 =	simm.s32 $_size_execute0_lowered;
	s3 =	sadd.s32 s3, s5;
	[dreg:$0x0] =	wrdreg $0x0  }
0xa8: {  	s5 =	sshll.u32 s28, $0x1;
	[dreg:$0x2] =	wrdreg s3  }
0xa9: {  	[dreg:$0x3] =	wrdreg s5  }
0xaa: {  	[dreg:$0x4] =	wrdreg $0xC0  }
0xab: {  	_ =	task [dreg:s7], $0x5FFFF  }
0xac: {  	[dreg:$0x1] =	wrdreg $0xFFFFFFFF  }
0xad: {  	[dreg:$0x0] =	wrdreg $0x60  }
0xae: {  	[dreg:$0x2] =	wrdreg s2  }
0xaf: {  	[dreg:$0x3] =	wrdreg s24  }
0xb0: {  	[dreg:$0x4] =	wrdreg $0xB7800  }
0xb1: {  	[dreg:$0x5] =	wrdreg $0x9  }
0xb2: {  	_ =	task.clear_ibuf [dreg:s7], $0x6FFFF;
	_ =	strace $0x90000049  }
0xb3: {  	s29 =	simm.s32 $0x9;
	_ =	strace $0x8000004B  }
0xb4: {  	_ =	swait.ge [sflag:s29], $0x1  }
0xb5: {  	[sflag:s29] =	ssyncadd.s32 $0xFFFFFFFF  }
0xb6: {  	_ =	strace $0x9000004B  }
0xb7: {  	_ =	sfence  }
0xb8: {  	s30 =	sld [smem:$0x0];
	_ =	sdelay $0x2  }
0xb9: {  	s31 =	sshll.u32 s1, $0xD;
	s1 =	sshrl.u32 s1, $0x2  }
0xba: {  	s3 =	sand.u32 $0x4000, s31;
	s1 =	sadd.s32 s1, s30  }
0xbb: {  	s0 =	sor.u32 s3, s0;
	s1 =	sshll.u32 s1, $0x11  }
0xbc: {  	s0 =	sor.u32 s1, s0  }
0xbd: {  	s0 =	sadd.s32 $0x8F2B, s0  }
0xbe: {  	[sflag:s0] =	ssyncadd.remote.s32 $0x1  }
0xbf: {  	_ =	sfence.sel $0xFFFF  }
0xc0: {  	[dreg:$0x0] =	wrdreg $0xFFFFFFFF;
	(pc) =	sbr.abs _section_cstart, $3  }
0xc1: {  	[dreg:$0x1] =	wrdreg $0xFFFFFFFF  }
0xc2: {  	_ =	task.clear_ibuf [dreg:s7], $0x2FFFF;
	_ =	strace $0x9FFFFFFF  }
0xc3: {  	(tm) =	ssettm $0x7FFFFFFF  }
tec
execute0_lowered:
.L_overlay_start_1:
0x0: {  	(tag) =	ssettag $0x1  }
0x1: {  	s1 =	rddreg [dreg:$0x0]  }
0x2: {  	s2 =	srdreg.scid;
	s6 =	rddreg [dreg:$0x1]  }
0x3: {  	s0 =	stileid.u32;
	s3 =	rddreg [dreg:$0x2];
	s4 =	simm.s32 $0x0  }
0x4: {  	s11 =	simm.s32 $0x2800;
	s12 =	simm.s32 $0x80;
	s13 =	simm.s32 $0x5000  }
0x5: {  	s14 =	simm.s32 $0x5800;
	s15 =	simm.s32 $0x6000;
	s16 =	simm.s32 $0x6800  }
0x6: {  	s17 =	simm.s32 $0x7000;
	s18 =	simm.s32 $0x7800;
	s19 =	simm.s32 $0x8000  }
0x7: {  	s20 =	simm.s32 $0x8800;
	s21 =	simm.s32 $0x1;
	s22 =	simm.s32 $0x2  }
0x8: {  	s5 =	sand.u32 $0x1, s2;
	s31 =	sshll.u32 s0, $0x1;
	s9 =	smul.u32 $0x2780, s0  }
0x9: {  	[smem:$0x7FF] =	sst s4;
	s2 =	sor.u32 s5, s31;
	s8 =	smul.u32 $0x4F00, s5  }
0xa: {  	s5 =	ssub.s32 $0x2, s5;
	s7 =	smul.u32 $0x500, s2;
	s2 =	rddreg [dreg:$0x3]  }
0xb: {  	_ =	strace $0x8000004A;
	s10 =	sshrl.u32 s5, $0x1;
	s24 =	sshrl.u32 s9, $0x3  }
0xc: {  	s8 =	sadd.s32 s8, s6;
	s10 =	ssub.s32 s5, s10;
	s5 =	sadd.s32 s9, s3  }
0xd: {  	s9 =	simm.s32 $0x9000;
	s7 =	sadd.s32 s7, s6;
	s23 =	sadd.s32 $0x3D000, s8  }
0xe: {  	s8 =	smax.u32 s10, $0x1;
	s10 =	simm.s32 $0x3;
	s6 =	sadd.s32 $0x1E00, s7  }
0xf: {  	v0 =	vimm.f32 $0.0e+00;
	s7 =	sadd.s32 $0xBE00, s7;
	s23 =	sadd.s32 s24, s23;
	s24 =	simm.s32 $0x0  }
.LBB2_1:
0x10: {  	s25 =	simm.s32 $0x40;
	s26 =	simm.s32 $0x0  }
.LBB2_2:
0x11: {  	p0 =	sne.s32 s25, $0x9DC0;
	[tilespmem:s26+$0x9000] =	vst v0;
	s26 =	smov.u32 s25;
	s25 =	sadd.s32 $0x40, s25  }
.Ltmp0:
0x12: {  	(pc) =	sbr.rel @p0 .LBB2_2-.Ltmp0, $2  }
0x13: {  	_ =	sdelay $0x2  }
0x14: {  	s26 =	sshra.s32 s26, $0x2  }
0x15: {  	[tilespmem:s26+$0x9000] =	vst v0  }
0x16: {  	[spmem:s5] =	stream.linear.scatter [tilespmem:s9], [sflag:$0x3], $0x2780, $0x38;
	[tilespmem:$0xDF00] =	vst v63  }
0x17: {  	_ =	swait.ge [sflag:s10], $0x2780  }
0x18: {  	[sflag:s10] =	ssyncset.done $0x0  }
0x19: {  	[sflag:s10] =	ssyncadd.s32 $0xFFFFD880  }
0x1a: {  	s25 =	simm.s32 $0x0;
	[bflag:$0x0] =	sbarrier.arrive $0xFFFF  }
0x1b: {  	[tilespmem:s11], [sflag:$0x3] =	stream.linear.gather [hbm4b:s6+s25], $0x2800, $0x38;
	[tilespmem:$0xDF00] =	vst v63  }
0x1c: {  	_ =	swait.ge [sflag:s10], $0x2800  }
0x1d: {  	[sflag:s10] =	ssyncset.done $0x0  }
0x1e: {  	[sflag:s10] =	ssyncadd.s32 $0xFFFFD800  }
0x1f: {  	[tilespmem:s25], [sflag:$0x3] =	stream.linear.gather [hbm4b:s7+s25], $0x2800, $0x38;
	[tilespmem:$0xDF00] =	vst v63  }
0x20: {  	_ =	swait.ge [sflag:s10], $0x2800  }
0x21: {  	[sflag:s10] =	ssyncset.done $0x0  }
0x22: {  	s26 =	simm.s32 $0x0;
	[sflag:s10] =	ssyncadd.s32 $0xFFFFD800  }
0x23: {  	[tilespmem:s13], [sflag:$0x1] =	stream.indirect.gather [hbm4b:s1+s12], $0x10, s26, s12, $0xb8;
	[tilespmem:$0xDF00] =	vst v63  }
0x24: {  	s28 =	simm.s32 $0x80  }
0x25: {  	[tilespmem:s14], [sflag:$0x1] =	stream.indirect.gather [hbm4b:s1+s12], $0x10, s28, s12, $0xb8;
	[tilespmem:$0xDF00] =	vst v63  }
0x26: {  	s30 =	simm.s32 $0x100  }
0x27: {  	[tilespmem:s15], [sflag:$0x1] =	stream.indirect.gather [hbm4b:s1+s12], $0x10, s30, s12, $0xb8;
	[tilespmem:$0xDF00] =	vst v63  }
0x28: {  	s31 =	simm.s32 $0x180  }
0x29: {  	[tilespmem:s16], [sflag:$0x1] =	stream.indirect.gather [hbm4b:s1+s12], $0x10, s31, s12, $0xb8;
	[tilespmem:$0xDF00] =	vst v63  }
0x2a: {  	s26 =	simm.s32 $0x200  }
0x2b: {  	[tilespmem:s17], [sflag:$0x1] =	stream.indirect.gather [hbm4b:s1+s12], $0x10, s26, s12, $0xb8;
	[tilespmem:$0xDF00] =	vst v63  }
0x2c: {  	s28 =	simm.s32 $0x280  }
0x2d: {  	[tilespmem:s18], [sflag:$0x1] =	stream.indirect.gather [hbm4b:s1+s12], $0x10, s28, s12, $0xb8;
	[tilespmem:$0xDF00] =	vst v63  }
0x2e: {  	s30 =	simm.s32 $0x300  }
0x2f: {  	[tilespmem:s19], [sflag:$0x1] =	stream.indirect.gather [hbm4b:s1+s12], $0x10, s30, s12, $0xb8;
	[tilespmem:$0xDF00] =	vst v63  }
0x30: {  	s31 =	simm.s32 $0x380  }
0x31: {  	[tilespmem:s20], [sflag:$0x1] =	stream.indirect.gather [hbm4b:s1+s12], $0x10, s31, s12, $0xb8;
	[tilespmem:$0xDF00] =	vst v63  }
0x32: {  	_ =	swait.ge [sflag:s21], $0x800  }
0x33: {  	[sflag:s21] =	ssyncset.done $0x0  }
0x34: {  	[sflag:s21] =	ssyncadd.s32 $0xFFFFF800  }
0x35: {  	_ =	swait.ge [sflag:s21], $0x800  }
0x36: {  	[sflag:s21] =	ssyncset.done $0x0  }
0x37: {  	[sflag:s21] =	ssyncadd.s32 $0xFFFFF800  }
0x38: {  	_ =	swait.ge [sflag:s21], $0x800  }
0x39: {  	[sflag:s21] =	ssyncset.done $0x0  }
0x3a: {  	[sflag:s21] =	ssyncadd.s32 $0xFFFFF800  }
0x3b: {  	_ =	swait.ge [sflag:s21], $0x800  }
0x3c: {  	[sflag:s21] =	ssyncset.done $0x0  }
0x3d: {  	[sflag:s21] =	ssyncadd.s32 $0xFFFFF800  }
0x3e: {  	_ =	swait.ge [sflag:s21], $0x800  }
0x3f: {  	[sflag:s21] =	ssyncset.done $0x0  }
0x40: {  	[sflag:s21] =	ssyncadd.s32 $0xFFFFF800  }
0x41: {  	_ =	swait.ge [sflag:s21], $0x800  }
0x42: {  	[sflag:s21] =	ssyncset.done $0x0  }
0x43: {  	[sflag:s21] =	ssyncadd.s32 $0xFFFFF800  }
0x44: {  	_ =	swait.ge [sflag:s21], $0x800  }
0x45: {  	[sflag:s21] =	ssyncset.done $0x0  }
0x46: {  	[sflag:s21] =	ssyncadd.s32 $0xFFFFF800  }
0x47: {  	_ =	swait.ge [sflag:s21], $0x800  }
0x48: {  	[sflag:s21] =	ssyncset.done $0x0  }
0x49: {  	s26 =	simm.s32 $0x2800;
	[sflag:s21] =	ssyncadd.s32 $0xFFFFF800  }
0x4a: {  	[spmem:s3] =	stream.indirect.scatter.add.f32 [tilespmem:s13], [sflag:$0x2], $0x10, s26, s12, $0xb8;
	[tilespmem:$0xDF00] =	vst v63  }
0x4b: {  	s28 =	simm.s32 $0x2880  }
0x4c: {  	[spmem:s3] =	stream.indirect.scatter.add.f32 [tilespmem:s14], [sflag:$0x2], $0x10, s28, s12, $0xb8;
	[tilespmem:$0xDF00] =	vst v63  }
0x4d: {  	s30 =	simm.s32 $0x2900  }
0x4e: {  	[spmem:s3] =	stream.indirect.scatter.add.f32 [tilespmem:s15], [sflag:$0x2], $0x10, s30, s12, $0xb8;
	[tilespmem:$0xDF00] =	vst v63  }
0x4f: {  	s31 =	simm.s32 $0x2980  }
0x50: {  	[spmem:s3] =	stream.indirect.scatter.add.f32 [tilespmem:s16], [sflag:$0x2], $0x10, s31, s12, $0xb8;
	[tilespmem:$0xDF00] =	vst v63  }
0x51: {  	s26 =	simm.s32 $0x2A00  }
0x52: {  	[spmem:s3] =	stream.indirect.scatter.add.f32 [tilespmem:s17], [sflag:$0x2], $0x10, s26, s12, $0xb8;
	[tilespmem:$0xDF00] =	vst v63  }
0x53: {  	s28 =	simm.s32 $0x2A80  }
0x54: {  	[spmem:s3] =	stream.indirect.scatter.add.f32 [tilespmem:s18], [sflag:$0x2], $0x10, s28, s12, $0xb8;
	[tilespmem:$0xDF00] =	vst v63  }
0x55: {  	s30 =	simm.s32 $0x2B00  }
0x56: {  	[spmem:s3] =	stream.indirect.scatter.add.f32 [tilespmem:s19], [sflag:$0x2], $0x10, s30, s12, $0xb8;
	[tilespmem:$0xDF00] =	vst v63  }
0x57: {  	s31 =	simm.s32 $0x2B80  }
0x58: {  	[spmem:s3] =	stream.indirect.scatter.add.f32 [tilespmem:s20], [sflag:$0x2], $0x10, s31, s12, $0xb8;
	[tilespmem:$0xDF00] =	vst v63  }
0x59: {  	_ =	swait.ge [sflag:s22], $0x800  }
0x5a: {  	[sflag:s22] =	ssyncset.done $0x0  }
0x5b: {  	[sflag:s22] =	ssyncadd.s32 $0xFFFFF800  }
0x5c: {  	_ =	swait.ge [sflag:s22], $0x800  }
0x5d: {  	[sflag:s22] =	ssyncset.done $0x0  }
0x5e: {  	[sflag:s22] =	ssyncadd.s32 $0xFFFFF800  }
0x5f: {  	_ =	swait.ge [sflag:s22], $0x800  }
0x60: {  	[sflag:s22] =	ssyncset.done $0x0  }
0x61: {  	[sflag:s22] =	ssyncadd.s32 $0xFFFFF800  }
0x62: {  	_ =	swait.ge [sflag:s22], $0x800  }
0x63: {  	[sflag:s22] =	ssyncset.done $0x0  }
0x64: {  	[sflag:s22] =	ssyncadd.s32 $0xFFFFF800  }
0x65: {  	_ =	swait.ge [sflag:s22], $0x800  }
0x66: {  	[sflag:s22] =	ssyncset.done $0x0  }
0x67: {  	[sflag:s22] =	ssyncadd.s32 $0xFFFFF800  }
0x68: {  	_ =	swait.ge [sflag:s22], $0x800  }
0x69: {  	[sflag:s22] =	ssyncset.done $0x0  }
0x6a: {  	[sflag:s22] =	ssyncadd.s32 $0xFFFFF800  }
0x6b: {  	_ =	swait.ge [sflag:s22], $0x800  }
0x6c: {  	[sflag:s22] =	ssyncset.done $0x0  }
0x6d: {  	[sflag:s22] =	ssyncadd.s32 $0xFFFFF800  }
0x6e: {  	_ =	swait.ge [sflag:s22], $0x800  }
0x6f: {  	s29 =	simm.s32 $0x2000;
	s25 =	simm.s32 $0x1000;
	[sflag:s22] =	ssyncset.done $0x0  }
.LBB2_4:
0x70: {  	s28 =	sshra.s32 s25, $0x2  }
0x71: {  	[sflag:s22] =	ssyncadd.s32 $0xFFFFF800;
	s25 =	smov.u32 s29;
	s26 =	sadd.s32 $0x1000, s29  }
0x72: {  	[tilespmem:s13], [sflag:$0x1] =	stream.indirect.gather [hbm4b:s1+s12], $0x10, s28, s12, $0xb8;
	[tilespmem:$0xDF00] =	vst v63  }
0x73: {  	p0 =	sne.s32 s29, $0x9000;
	s29 =	sadd.s32 $0x80, s28  }
0x74: {  	[tilespmem:s14], [sflag:$0x1] =	stream.indirect.gather [hbm4b:s1+s12], $0x10, s29, s12, $0xb8;
	[tilespmem:$0xDF00] =	vst v63  }
0x75: {  	s29 =	sadd.s32 $0x100, s28  }
0x76: {  	[tilespmem:s15], [sflag:$0x1] =	stream.indirect.gather [hbm4b:s1+s12], $0x10, s29, s12, $0xb8;
	[tilespmem:$0xDF00] =	vst v63  }
0x77: {  	s29 =	sadd.s32 $0x180, s28  }
0x78: {  	[tilespmem:s16], [sflag:$0x1] =	stream.indirect.gather [hbm4b:s1+s12], $0x10, s29, s12, $0xb8;
	[tilespmem:$0xDF00] =	vst v63  }
0x79: {  	s29 =	sadd.s32 $0x200, s28  }
0x7a: {  	[tilespmem:s17], [sflag:$0x1] =	stream.indirect.gather [hbm4b:s1+s12], $0x10, s29, s12, $0xb8;
	[tilespmem:$0xDF00] =	vst v63  }
0x7b: {  	s29 =	sadd.s32 $0x280, s28  }
0x7c: {  	[tilespmem:s18], [sflag:$0x1] =	stream.indirect.gather [hbm4b:s1+s12], $0x10, s29, s12, $0xb8;
	[tilespmem:$0xDF00] =	vst v63  }
0x7d: {  	s29 =	sadd.s32 $0x300, s28  }
0x7e: {  	[tilespmem:s19], [sflag:$0x1] =	stream.indirect.gather [hbm4b:s1+s12], $0x10, s29, s12, $0xb8;
	[tilespmem:$0xDF00] =	vst v63  }
0x7f: {  	s29 =	sadd.s32 $0x380, s28  }
0x80: {  	[tilespmem:s20], [sflag:$0x1] =	stream.indirect.gather [hbm4b:s1+s12], $0x10, s29, s12, $0xb8;
	[tilespmem:$0xDF00] =	vst v63  }
0x81: {  	_ =	swait.ge [sflag:s21], $0x800  }
0x82: {  	[sflag:s21] =	ssyncset.done $0x0  }
0x83: {  	[sflag:s21] =	ssyncadd.s32 $0xFFFFF800  }
0x84: {  	_ =	swait.ge [sflag:s21], $0x800  }
0x85: {  	[sflag:s21] =	ssyncset.done $0x0  }
0x86: {  	[sflag:s21] =	ssyncadd.s32 $0xFFFFF800  }
0x87: {  	_ =	swait.ge [sflag:s21], $0x800  }
0x88: {  	[sflag:s21] =	ssyncset.done $0x0  }
0x89: {  	[sflag:s21] =	ssyncadd.s32 $0xFFFFF800  }
0x8a: {  	_ =	swait.ge [sflag:s21], $0x800  }
0x8b: {  	[sflag:s21] =	ssyncset.done $0x0  }
0x8c: {  	[sflag:s21] =	ssyncadd.s32 $0xFFFFF800  }
0x8d: {  	_ =	swait.ge [sflag:s21], $0x800  }
0x8e: {  	[sflag:s21] =	ssyncset.done $0x0  }
0x8f: {  	[sflag:s21] =	ssyncadd.s32 $0xFFFFF800  }
0x90: {  	_ =	swait.ge [sflag:s21], $0x800  }
0x91: {  	[sflag:s21] =	ssyncset.done $0x0  }
0x92: {  	[sflag:s21] =	ssyncadd.s32 $0xFFFFF800  }
0x93: {  	_ =	swait.ge [sflag:s21], $0x800  }
0x94: {  	[sflag:s21] =	ssyncset.done $0x0  }
0x95: {  	[sflag:s21] =	ssyncadd.s32 $0xFFFFF800  }
0x96: {  	_ =	swait.ge [sflag:s21], $0x800  }
0x97: {  	[sflag:s21] =	ssyncset.done $0x0  }
0x98: {  	s29 =	sadd.s32 $0x2800, s28;
	[sflag:s21] =	ssyncadd.s32 $0xFFFFF800  }
0x99: {  	[spmem:s3] =	stream.indirect.scatter.add.f32 [tilespmem:s13], [sflag:$0x2], $0x10, s29, s12, $0xb8;
	[tilespmem:$0xDF00] =	vst v63  }
0x9a: {  	s29 =	sadd.s32 $0x2880, s28  }
0x9b: {  	[spmem:s3] =	stream.indirect.scatter.add.f32 [tilespmem:s14], [sflag:$0x2], $0x10, s29, s12, $0xb8;
	[tilespmem:$0xDF00] =	vst v63  }
0x9c: {  	s29 =	sadd.s32 $0x2900, s28  }
0x9d: {  	[spmem:s3] =	stream.indirect.scatter.add.f32 [tilespmem:s15], [sflag:$0x2], $0x10, s29, s12, $0xb8;
	[tilespmem:$0xDF00] =	vst v63  }
0x9e: {  	s29 =	sadd.s32 $0x2980, s28  }
0x9f: {  	[spmem:s3] =	stream.indirect.scatter.add.f32 [tilespmem:s16], [sflag:$0x2], $0x10, s29, s12, $0xb8;
	[tilespmem:$0xDF00] =	vst v63  }
0xa0: {  	s29 =	sadd.s32 $0x2A00, s28  }
0xa1: {  	[spmem:s3] =	stream.indirect.scatter.add.f32 [tilespmem:s17], [sflag:$0x2], $0x10, s29, s12, $0xb8;
	[tilespmem:$0xDF00] =	vst v63  }
0xa2: {  	s29 =	sadd.s32 $0x2A80, s28  }
0xa3: {  	[spmem:s3] =	stream.indirect.scatter.add.f32 [tilespmem:s18], [sflag:$0x2], $0x10, s29, s12, $0xb8;
	[tilespmem:$0xDF00] =	vst v63  }
0xa4: {  	s29 =	sadd.s32 $0x2B00, s28  }
0xa5: {  	[spmem:s3] =	stream.indirect.scatter.add.f32 [tilespmem:s19], [sflag:$0x2], $0x10, s29, s12, $0xb8;
	[tilespmem:$0xDF00] =	vst v63  }
0xa6: {  	s28 =	sadd.s32 $0x2B80, s28  }
0xa7: {  	[spmem:s3] =	stream.indirect.scatter.add.f32 [tilespmem:s20], [sflag:$0x2], $0x10, s28, s12, $0xb8;
	[tilespmem:$0xDF00] =	vst v63  }
0xa8: {  	_ =	swait.ge [sflag:s22], $0x800  }
0xa9: {  	[sflag:s22] =	ssyncset.done $0x0  }
0xaa: {  	[sflag:s22] =	ssyncadd.s32 $0xFFFFF800  }
0xab: {  	_ =	swait.ge [sflag:s22], $0x800  }
0xac: {  	[sflag:s22] =	ssyncset.done $0x0  }
0xad: {  	[sflag:s22] =	ssyncadd.s32 $0xFFFFF800  }
0xae: {  	_ =	swait.ge [sflag:s22], $0x800  }
0xaf: {  	[sflag:s22] =	ssyncset.done $0x0  }
0xb0: {  	[sflag:s22] =	ssyncadd.s32 $0xFFFFF800  }
0xb1: {  	_ =	swait.ge [sflag:s22], $0x800  }
0xb2: {  	[sflag:s22] =	ssyncset.done $0x0  }
0xb3: {  	[sflag:s22] =	ssyncadd.s32 $0xFFFFF800  }
0xb4: {  	_ =	swait.ge [sflag:s22], $0x800  }
0xb5: {  	[sflag:s22] =	ssyncset.done $0x0  }
0xb6: {  	[sflag:s22] =	ssyncadd.s32 $0xFFFFF800  }
0xb7: {  	_ =	swait.ge [sflag:s22], $0x800  }
0xb8: {  	[sflag:s22] =	ssyncset.done $0x0  }
0xb9: {  	[sflag:s22] =	ssyncadd.s32 $0xFFFFF800  }
.Ltmp1:
0xba: {  	_ =	swait.ge [sflag:s22], $0x800;
	(pc) =	sbr.rel @p0 .LBB2_4-.Ltmp1, $4  }
0xbb: {  	[sflag:s22] =	ssyncset.done $0x0  }
0xbc: {  	[sflag:s22] =	ssyncadd.s32 $0xFFFFF800  }
0xbd: {  	_ =	swait.ge [sflag:s22], $0x800  }
0xbe: {  	s29 =	smov.u32 s26;
	[sflag:s22] =	ssyncset.done $0x0  }
0xbf: {  	s25 =	sshra.s32 s25, $0x2;
	[sflag:s22] =	ssyncadd.s32 $0xFFFFF800  }
0xc0: {  	[tilespmem:s13], [sflag:$0x1] =	stream.indirect.gather [hbm4b:s1+s12], $0x10, s25, s12, $0xb8;
	[tilespmem:$0xDF00] =	vst v63  }
0xc1: {  	s26 =	sadd.s32 $0x80, s25  }
0xc2: {  	[tilespmem:s14], [sflag:$0x1] =	stream.indirect.gather [hbm4b:s1+s12], $0x10, s26, s12, $0xb8;
	[tilespmem:$0xDF00] =	vst v63  }
0xc3: {  	s31 =	sadd.s32 $0x100, s25  }
0xc4: {  	[tilespmem:s15], [sflag:$0x1] =	stream.indirect.gather [hbm4b:s1+s12], $0x10, s31, s12, $0xb8;
	[tilespmem:$0xDF00] =	vst v63  }
0xc5: {  	s28 =	sadd.s32 $0x180, s25  }
0xc6: {  	[tilespmem:s16], [sflag:$0x1] =	stream.indirect.gather [hbm4b:s1+s12], $0x10, s28, s12, $0xb8;
	[tilespmem:$0xDF00] =	vst v63  }
0xc7: {  	s29 =	sadd.s32 $0x200, s25  }
0xc8: {  	[tilespmem:s17], [sflag:$0x1] =	stream.indirect.gather [hbm4b:s1+s12], $0x10, s29, s12, $0xb8;
	[tilespmem:$0xDF00] =	vst v63  }
0xc9: {  	s30 =	sadd.s32 $0x280, s25  }
0xca: {  	[tilespmem:s18], [sflag:$0x1] =	stream.indirect.gather [hbm4b:s1+s12], $0x10, s30, s12, $0xb8;
	[tilespmem:$0xDF00] =	vst v63  }
0xcb: {  	s31 =	sadd.s32 $0x300, s25  }
0xcc: {  	[tilespmem:s19], [sflag:$0x1] =	stream.indirect.gather [hbm4b:s1+s12], $0x10, s31, s12, $0xb8;
	[tilespmem:$0xDF00] =	vst v63  }
0xcd: {  	s28 =	sadd.s32 $0x380, s25  }
0xce: {  	[tilespmem:s20], [sflag:$0x1] =	stream.indirect.gather [hbm4b:s1+s12], $0x10, s28, s12, $0xb8;
	[tilespmem:$0xDF00] =	vst v63  }
0xcf: {  	_ =	swait.ge [sflag:s21], $0x800  }
0xd0: {  	[sflag:s21] =	ssyncset.done $0x0  }
0xd1: {  	[sflag:s21] =	ssyncadd.s32 $0xFFFFF800  }
0xd2: {  	_ =	swait.ge [sflag:s21], $0x800  }
0xd3: {  	[sflag:s21] =	ssyncset.done $0x0  }
0xd4: {  	[sflag:s21] =	ssyncadd.s32 $0xFFFFF800  }
0xd5: {  	_ =	swait.ge [sflag:s21], $0x800  }
0xd6: {  	[sflag:s21] =	ssyncset.done $0x0  }
0xd7: {  	[sflag:s21] =	ssyncadd.s32 $0xFFFFF800  }
0xd8: {  	_ =	swait.ge [sflag:s21], $0x800  }
0xd9: {  	[sflag:s21] =	ssyncset.done $0x0  }
0xda: {  	[sflag:s21] =	ssyncadd.s32 $0xFFFFF800  }
0xdb: {  	_ =	swait.ge [sflag:s21], $0x800  }
0xdc: {  	[sflag:s21] =	ssyncset.done $0x0  }
0xdd: {  	[sflag:s21] =	ssyncadd.s32 $0xFFFFF800  }
0xde: {  	_ =	swait.ge [sflag:s21], $0x800  }
0xdf: {  	[sflag:s21] =	ssyncset.done $0x0  }
0xe0: {  	[sflag:s21] =	ssyncadd.s32 $0xFFFFF800  }
0xe1: {  	_ =	swait.ge [sflag:s21], $0x800  }
0xe2: {  	[sflag:s21] =	ssyncset.done $0x0  }
0xe3: {  	[sflag:s21] =	ssyncadd.s32 $0xFFFFF800  }
0xe4: {  	_ =	swait.ge [sflag:s21], $0x800  }
0xe5: {  	[sflag:s21] =	ssyncset.done $0x0  }
0xe6: {  	s29 =	sadd.s32 $0x2800, s25;
	[sflag:s21] =	ssyncadd.s32 $0xFFFFF800  }
0xe7: {  	[spmem:s3] =	stream.indirect.scatter.add.f32 [tilespmem:s13], [sflag:$0x2], $0x10, s29, s12, $0xb8;
	[tilespmem:$0xDF00] =	vst v63  }
0xe8: {  	s30 =	sadd.s32 $0x2880, s25  }
0xe9: {  	[spmem:s3] =	stream.indirect.scatter.add.f32 [tilespmem:s14], [sflag:$0x2], $0x10, s30, s12, $0xb8;
	[tilespmem:$0xDF00] =	vst v63  }
0xea: {  	s31 =	sadd.s32 $0x2900, s25  }
0xeb: {  	[spmem:s3] =	stream.indirect.scatter.add.f32 [tilespmem:s15], [sflag:$0x2], $0x10, s31, s12, $0xb8;
	[tilespmem:$0xDF00] =	vst v63  }
0xec: {  	s28 =	sadd.s32 $0x2980, s25  }
0xed: {  	[spmem:s3] =	stream.indirect.scatter.add.f32 [tilespmem:s16], [sflag:$0x2], $0x10, s28, s12, $0xb8;
	[tilespmem:$0xDF00] =	vst v63  }
0xee: {  	s29 =	sadd.s32 $0x2A00, s25  }
0xef: {  	[spmem:s3] =	stream.indirect.scatter.add.f32 [tilespmem:s17], [sflag:$0x2], $0x10, s29, s12, $0xb8;
	[tilespmem:$0xDF00] =	vst v63  }
0xf0: {  	s30 =	sadd.s32 $0x2A80, s25  }
0xf1: {  	[spmem:s3] =	stream.indirect.scatter.add.f32 [tilespmem:s18], [sflag:$0x2], $0x10, s30, s12, $0xb8;
	[tilespmem:$0xDF00] =	vst v63  }
0xf2: {  	s31 =	sadd.s32 $0x2B00, s25  }
0xf3: {  	[spmem:s3] =	stream.indirect.scatter.add.f32 [tilespmem:s19], [sflag:$0x2], $0x10, s31, s12, $0xb8;
	[tilespmem:$0xDF00] =	vst v63  }
0xf4: {  	s25 =	sadd.s32 $0x2B80, s25  }
0xf5: {  	[spmem:s3] =	stream.indirect.scatter.add.f32 [tilespmem:s20], [sflag:$0x2], $0x10, s25, s12, $0xb8;
	[tilespmem:$0xDF00] =	vst v63  }
0xf6: {  	_ =	swait.ge [sflag:s22], $0x800  }
0xf7: {  	[sflag:s22] =	ssyncset.done $0x0  }
0xf8: {  	[sflag:s22] =	ssyncadd.s32 $0xFFFFF800  }
0xf9: {  	_ =	swait.ge [sflag:s22], $0x800  }
0xfa: {  	[sflag:s22] =	ssyncset.done $0x0  }
0xfb: {  	[sflag:s22] =	ssyncadd.s32 $0xFFFFF800  }
0xfc: {  	_ =	swait.ge [sflag:s22], $0x800  }
0xfd: {  	[sflag:s22] =	ssyncset.done $0x0  }
0xfe: {  	[sflag:s22] =	ssyncadd.s32 $0xFFFFF800  }
0xff: {  	_ =	swait.ge [sflag:s22], $0x800  }
0x100: {  	[sflag:s22] =	ssyncset.done $0x0  }
0x101: {  	[sflag:s22] =	ssyncadd.s32 $0xFFFFF800  }
0x102: {  	_ =	swait.ge [sflag:s22], $0x800  }
0x103: {  	[sflag:s22] =	ssyncset.done $0x0  }
0x104: {  	[sflag:s22] =	ssyncadd.s32 $0xFFFFF800  }
0x105: {  	_ =	swait.ge [sflag:s22], $0x800  }
0x106: {  	[sflag:s22] =	ssyncset.done $0x0  }
0x107: {  	[sflag:s22] =	ssyncadd.s32 $0xFFFFF800  }
0x108: {  	_ =	swait.ge [sflag:s22], $0x800  }
0x109: {  	[sflag:s22] =	ssyncset.done $0x0  }
0x10a: {  	[sflag:s22] =	ssyncadd.s32 $0xFFFFF800  }
0x10b: {  	_ =	swait.ge [sflag:s22], $0x800  }
0x10c: {  	[sflag:s22] =	ssyncset.done $0x0  }
0x10d: {  	[sflag:s22] =	ssyncadd.s32 $0xFFFFF800  }
0x10e: {  	[bflag:$0x0] =	sbarrier.arrive $0xFFFF  }
0x10f: {  	[tilespmem:s9], [sflag:$0x3] =	stream.linear.gather [spmem:s5], $0x2780, $0x38;
	[tilespmem:$0xDF00] =	vst v63  }
0x110: {  	s24 =	sadd.s32 $0x1, s24;
	_ =	swait.ge [sflag:s10], $0x2780  }
0x111: {  	p0 =	sne.s32 s24, s8;
	[sflag:s10] =	ssyncset.done $0x0  }
.Ltmp2:
0x112: {  	[sflag:s10] =	ssyncadd.s32 $0xFFFFD880;
	(pc) =	sbr.rel @p0 .LBB2_1-.Ltmp2, $4  }
0x113: {  	[hbm4b:s23+s4] =	stream.linear.scatter [tilespmem:s9], [sflag:$0x3], $0x2780, $0x38;
	[tilespmem:$0xDF00] =	vst v63  }
0x114: {  	_ =	swait.ge [sflag:s10], $0x2780  }
0x115: {  	[sflag:s10] =	ssyncset.done $0x0  }
0x116: {  	[sflag:s10] =	ssyncadd.s32 $0xFFFFD880  }
0x117: {  	_ =	sfence.sel $0x180000  }
0x118: {  	[bflag:$0x0] =	sbarrier.arrive $0xFFFF  }
0x119: {  	p0 =	sne.s32 s0, $0x0;
	_ =	strace $0x9000004A  }
0x11a: {  	s0 =	sadd.s32 @!p0 $0x100000, s2;
	[bflag:$0x2] =	sbarrier.arrive $0xFFFF  }
0x11b: {  	[sflag:s0] =	ssyncadd.tile.s32 @!p0 $0x1;
	_ =	shalt  }
.Lfunc_end2:
_tile_overlayer_lowered:
.L_overlay_start_2:
0x11c: {  	(tag) =	ssettag $0x2  }
0x11d: {  	s0 =	rddreg [dreg:$0x0];
	s2 =	stileid.u32  }
0x11e: {  	s1 =	rddreg [dreg:$0x1];
	p0 =	sne.s32 s2, $0x0  }
0x11f: {  	s3 =	rddreg [dreg:$0x2];
	[bflag:$0x3] =	sbarrier.arrive $0xFFFF;
	s2 =	simm.s32 @!p0 $0x1C03  }
0x120: {  	[timem:s3], [sflag:s2] =	dma.local @!p0 [hbm:s0], s1  }
0x121: {  	s0 =	simm.s32 @!p0 $0x3  }
0x122: {  	_ =	swait.ge @!p0 [sflag:s0], s1  }
0x123: {  	s1 =	ssub.s32 @!p0 $0x0, s1;
	[sflag:s0] =	ssyncset.done @!p0 $0x0  }
0x124: {  	[sflag:s0] =	ssyncadd.s32 @!p0 s1  }
0x125: {  	[bflag:$0x3] =	sbarrier.arrive $0xFFFF  }
0x126: {  	_ =	shalt  }

// kernel: kernel.14.cloned.1.call-start
scs
__scs_entry_jumppad:
0x0: {  	(pc) =	sbr.rel $0x88, $3  }
0x1: {  	(tag) =	ssettag $0x0;
	lr =	simm.s32 $0x1  }
0x2: {  	[smem:$0x3F9B] =	sst lr;
	_ =	strace $0xD0000000  }
0x3: {  	_ = 	snop  }
0x4: {  	_ = 	snop  }
0x5: {  	_ = 	snop  }
0x6: {  	_ = 	snop  }
0x7: {  	_ = 	snop  }
__scs_overlays_trampoline_lowered:
0x8: {  	[smem:$0x3FAA] =	sst s0  }
0x9: {  	[smem:$0x3FAB] =	sst s1  }
0xa: {  	[smem:$0x3FAC] =	sst s2  }
0xb: {  	[smem:$0x3FAD] =	sst s3  }
0xc: {  	[smem:$0x3FAE] =	sst s4  }
0xd: {  	[smem:$0x3FAF] =	sst s5  }
0xe: {  	[smem:$0x3FB0] =	sst s6  }
0xf: {  	[smem:$0x3FB1] =	sst s7  }
0x10: {  	[smem:$0x3FB2] =	sst s8  }
0x11: {  	[smem:$0x3FB3] =	sst s9;
	s0 =	simm.s32 @!p0 $0x0  }
0x12: {  	s1 =	sld [smem:$0x3F99];
	s0 =	simm.s32 @p0 $0x1  }
0x13: {  	[smem:$0x3FB4] =	sst s0;
	s0 =	simm.s32 @!p1 $0x0  }
0x14: {  	s2 =	sld [smem:$0x3F98];
	s0 =	simm.s32 @p1 $0x1  }
0x15: {  	[smem:$0x3FB5] =	sst s0;
	s0 =	simm.s32 @!p2 $0x0  }
0x16: {  	s3 =	sld [smem:$0x3FDB];
	s0 =	simm.s32 @p2 $0x1  }
0x17: {  	s4 =	simm.s32 $0x1BF5;
	[smem:$0x3FB7] =	sst s0  }
0x18: {  	s0 =	sld [smem:$0x3F9A];
	_ =	swait.ge [sflag:s4], $0x0  }
0x19: {  	s7 =	sld [smem:$0x3F9B]  }
0x1a: {  	s8 =	sadd.s32 $0xFFFFE003, lr  }
0x1b: {  	s9 =	sadd.s32 $0xFFFFFEF7, lr;
	s5 =	simm.s32 $0xFFFFFFFF;
	p2 =	slt.u32 s8, $0xFFFFF086  }
0x1c: {  	p1 =	slt.u32 s9, $0xF7A;
	s5 =	simm.s32 @!p2 $0x0  }
0x1d: {  	s5 =	simm.s32 @p1 $0x1;
	p0 =	seq.s32 s7, s2  }
0x1e: {  	s7 =	smul.u32 @!p0 $0xF7A, s2;
	p2 =	seq.s32 @!p0 s5, $0x0  }
0x1f: {  	s9 =	smul.u32 $0xF7A, s1;
	s8 =	simm.s32 @!p0 $0x1BF5;
	p2 =	por !p2, p0  }
0x20: {  	[sflag:s8] =	ssyncset.s32 @!p0 $0xFFFFF086;
	s6 =	sadd.s32 @!p0 s3, s7;
	s7 =	simm.s32 @!p0 $0x108  }
0x21: {  	s3 =	sadd.s32 s3, s9;
	s6 =	sadd.s32 @!p0 $0x88, s6;
	s7 =	simm.s32 @p2 $0x1082  }
0x22: {  	[simem:s7], [sflag:s8] =	dma.local @!p0 [hbm:s6], $0xF7A  }
0x23: {  	s9 =	sor.u32 $0xD0000000, s2;
	s6 =	simm.s32 $0x108;
	_ =	swait.ge @!p0 [sflag:s8], $0x0  }
0x24: {  	s3 =	sadd.s32 $0x88, s3;
	s6 =	simm.s32 @!p1 $0x1082;
	[sflag:s4] =	ssyncset.s32 $0xFFFFF086  }
0x25: {  	[simem:s6], [sflag:s4] =	dma.local [hbm:s3], $0xF7A  }
0x26: {  	[smem:$0x3F9B] =	sst s1;
	(tag) =	ssettag s2;
	_ =	strace s9  }
0x27: {  	s1 =	sld [smem:$0x3FAB]  }
0x28: {  	s2 =	sld [smem:$0x3FAC]  }
0x29: {  	s4 =	sld [smem:$0x3FAE]  }
0x2a: {  	p0 =	seq.s32 s5, $0x0;
	s5 =	sld [smem:$0x3FAF]  }
0x2b: {  	s6 =	sld [smem:$0x3FB0]  }
0x2c: {  	s7 =	sld [smem:$0x3FB1]  }
0x2d: {  	s3 =	simm.s32 $0x108;
	s8 =	sld [smem:$0x3FB2]  }
0x2e: {  	s3 =	simm.s32 @!p0 $0x1082;
	s9 =	sld [smem:$0x3FB3]  }
0x2f: {  	lr =	sadd.s32 s0, s3;
	s0 =	sld [smem:$0x3FAA]  }
0x30: {  	s3 =	sld [smem:$0x3FAD]  }
0x31: {  	[smem:$0x3FB6] =	sst s10  }
0x32: {  	s10 =	sld [smem:$0x3FB4];
	_ =	sdelay $0x3  }
0x33: {  	p0 =	seq.s32 s10, $0x1;
	s10 =	sld [smem:$0x3FB6];
	_ =	sdelay $0x3  }
0x34: {  	[smem:$0x3FB6] =	sst s10  }
0x35: {  	s10 =	sld [smem:$0x3FB5];
	_ =	sdelay $0x3  }
0x36: {  	p1 =	seq.s32 s10, $0x1;
	s10 =	sld [smem:$0x3FB6];
	_ =	sdelay $0x3  }
0x37: {  	[smem:$0x3FB6] =	sst s10  }
0x38: {  	s10 =	sld [smem:$0x3FB7]  }
0x39: {  	_ = 	snop;
	(pc) =	sbr.ind lr, $3  }
0x3a: {  	_ = 	snop  }
0x3b: {  	_ = 	snop  }
0x3c: {  	p2 =	seq.s32 s10, $0x1;
	s10 =	sld [smem:$0x3FB6]  }
0x3d: {  	_ =	shalt  }
0x3e: {  	_ =	shalt  }
0x3f: {  	_ =	shalt  }
0x40: {  	_ =	shalt  }
0x41: {  	_ =	shalt  }
0x42: {  	_ =	shalt  }
0x43: {  	_ =	shalt  }
0x44: {  	_ =	shalt  }
0x45: {  	_ =	shalt  }
0x46: {  	_ =	shalt  }
0x47: {  	_ =	shalt  }
0x48: {  	_ =	shalt  }
0x49: {  	_ =	shalt  }
0x4a: {  	_ =	shalt  }
0x4b: {  	_ =	shalt  }
0x4c: {  	_ =	shalt  }
0x4d: {  	_ =	shalt  }
0x4e: {  	_ =	shalt  }
0x4f: {  	_ =	shalt  }
0x50: {  	_ =	shalt  }
0x51: {  	_ =	shalt  }
0x52: {  	_ =	shalt  }
0x53: {  	_ =	shalt  }
0x54: {  	_ =	shalt  }
0x55: {  	_ =	shalt  }
0x56: {  	_ =	shalt  }
0x57: {  	_ =	shalt  }
0x58: {  	_ =	shalt  }
0x59: {  	_ =	shalt  }
0x5a: {  	_ =	shalt  }
0x5b: {  	_ =	shalt  }
0x5c: {  	_ =	shalt  }
0x5d: {  	_ =	shalt  }
0x5e: {  	_ =	shalt  }
0x5f: {  	_ =	shalt  }
0x60: {  	_ =	shalt  }
0x61: {  	_ =	shalt  }
0x62: {  	_ =	shalt  }
0x63: {  	_ =	shalt  }
0x64: {  	_ =	shalt  }
0x65: {  	_ =	shalt  }
0x66: {  	_ =	shalt  }
0x67: {  	_ =	shalt  }
0x68: {  	_ =	shalt  }
0x69: {  	_ =	shalt  }
0x6a: {  	_ =	shalt  }
0x6b: {  	_ =	shalt  }
0x6c: {  	_ =	shalt  }
0x6d: {  	_ =	shalt  }
0x6e: {  	_ =	shalt  }
0x6f: {  	_ =	shalt  }
0x70: {  	_ =	shalt  }
0x71: {  	_ =	shalt  }
0x72: {  	_ =	shalt  }
0x73: {  	_ =	shalt  }
0x74: {  	_ =	shalt  }
0x75: {  	_ =	shalt  }
0x76: {  	_ =	shalt  }
0x77: {  	_ =	shalt  }
0x78: {  	_ =	shalt  }
0x79: {  	_ =	shalt  }
0x7a: {  	_ =	shalt  }
0x7b: {  	_ =	shalt  }
0x7c: {  	_ =	shalt  }
0x7d: {  	_ =	shalt  }
0x7e: {  	_ =	shalt  }
0x7f: {  	_ =	shalt  }
0x80: {  	_ =	shalt  }
0x81: {  	_ =	shalt  }
0x82: {  	_ =	shalt  }
0x83: {  	_ =	shalt  }
0x84: {  	_ =	shalt  }
0x85: {  	_ =	shalt  }
0x86: {  	_ =	shalt  }
0x87: {  	_ =	shalt  }
.Lfunc_end0:
.L_simem_size_0:
called_computation.2_lowered:
.L_overlay_start_0:
0x88: {  	s2 =	sld [smem:$0x3FD9]  }
0x89: {  	s3 =	sld [smem:$0x3FFE];
	_ =	sdelay $0x1  }
0x8a: {  	s1 =	srdreg.scid  }
0x8b: {  	s0 =	sand.u32 $0x1, s1  }
0x8c: {  	s17 =	sshll.u32 s0, $0xA;
	s2 =	sadd.s32 s3, s2  }
0x8d: {  	s2 =	sadd.s32 s2, s17  }
0x8e: {  	[smem:$0x3FC2] =	sst s2  }
0x8f: {  	_ = 	snop  }
0x90: {  	s2 =	sld [smem:$0x3FD0];
	(tm) =	ssettm $0x1  }
0x91: {  	s18 =	sld [smem:$0x3FFB];
	_ =	sdelay $0x3  }
0x92: {  	_ =	strace s18  }
0x93: {  	s3 =	sld [smem:$0x3FFC];
	_ =	sdelay $0x3  }
0x94: {  	_ =	strace s3  }
0x95: {  	s3 =	sld [smem:$0x3FFD];
	_ =	sdelay $0x3  }
0x96: {  	_ =	strace s3  }
0x97: {  	_ =	strace $0x8FFFFFFF  }
0x98: {  	s19 =	sld [smem:$0x3FDB];
	_ =	sdelay $0x1  }
0x99: {  	s4 =	simm.s32 $_scs_section_size  }
0x9a: {  	s5 =	simm.s32 $_size__tile_overlayer_lowered;
	s6 =	simm.s32 $_tile_overlayer_lowered  }
0x9b: {  	s22 =	simm.s32 $0x1BFF;
	s21 =	sshll.u32 s6, $0x1;
	s3 =	sadd.s32 s4, s19  }
0x9c: {  	s7 =	simm.s32 $0x0;
	s20 =	sshll.u32 s5, $0x1;
	s5 =	sadd.s32 s21, s3  }
0x9d: {  	[timem:s7], [sflag:s22] =	dma.local [hbm:s5], s20  }
0x9e: {  	_ =	swait.ge [sflag:s22], s20  }
0x9f: {  	s4 =	ssub.s32 $0x0, s20;
	[sflag:s22] =	ssyncset.done $0x0  }
0xa0: {  	[sflag:s22] =	ssyncadd.s32 s4;
	_ =	sdelay $0x1  }
0xa1: {  	s23 =	simm.s32 $0x1B8B  }
0xa2: {  	_ =	swait.ge [sflag:s23], $0x1  }
0xa3: {  	[sflag:s23] =	ssyncset.done $0x0  }
0xa4: {  	s25 =	simm.s32 $0x1B8E;
	s24 =	sld [smem:$0x3FFE];
	[sflag:s23] =	ssyncadd.s32 $0xFFFFFFFF  }
0xa5: {  	s26 =	simm.s32 $execute0_lowered;
	[smem:$0x3FD2] =	sst s25  }
0xa6: {  	s5 =	sshll.u32 s26, $0x1;
	_ =	strace $0x8000004C;
	[dreg:$0x1] =	wrdreg $0xFFFFFFFF  }
0xa7: {  	s28 =	simm.s32 $_size_execute0_lowered;
	s3 =	sadd.s32 s3, s5;
	[dreg:$0x0] =	wrdreg $0x0  }
0xa8: {  	s5 =	sshll.u32 s28, $0x1;
	[dreg:$0x2] =	wrdreg s3  }
0xa9: {  	[dreg:$0x3] =	wrdreg s5  }
0xaa: {  	[dreg:$0x4] =	wrdreg $0xC0  }
0xab: {  	_ =	task [dreg:s7], $0x5FFFF  }
0xac: {  	[dreg:$0x1] =	wrdreg $0xFFFFFFFF  }
0xad: {  	[dreg:$0x0] =	wrdreg $0x60  }
0xae: {  	[dreg:$0x2] =	wrdreg s2  }
0xaf: {  	[dreg:$0x3] =	wrdreg s24  }
0xb0: {  	[dreg:$0x4] =	wrdreg $0xB7800  }
0xb1: {  	[dreg:$0x5] =	wrdreg $0x9  }
0xb2: {  	_ =	task.clear_ibuf [dreg:s7], $0x6FFFF;
	_ =	strace $0x9000004C  }
0xb3: {  	s29 =	simm.s32 $0x9;
	_ =	strace $0x8000004E  }
0xb4: {  	_ =	swait.ge [sflag:s29], $0x1  }
0xb5: {  	[sflag:s29] =	ssyncadd.s32 $0xFFFFFFFF  }
0xb6: {  	_ =	strace $0x9000004E  }
0xb7: {  	_ =	sfence  }
0xb8: {  	s30 =	sld [smem:$0x0];
	_ =	sdelay $0x2  }
0xb9: {  	s31 =	sshll.u32 s1, $0xD;
	s1 =	sshrl.u32 s1, $0x2  }
0xba: {  	s3 =	sand.u32 $0x4000, s31;
	s1 =	sadd.s32 s1, s30  }
0xbb: {  	s0 =	sor.u32 s3, s0;
	s1 =	sshll.u32 s1, $0x11  }
0xbc: {  	s0 =	sor.u32 s1, s0  }
0xbd: {  	s0 =	sadd.s32 $0x8F2B, s0  }
0xbe: {  	[sflag:s0] =	ssyncadd.remote.s32 $0x1  }
0xbf: {  	_ =	sfence.sel $0xFFFF  }
0xc0: {  	[dreg:$0x0] =	wrdreg $0xFFFFFFFF;
	(pc) =	sbr.abs _section_cstart, $3  }
0xc1: {  	[dreg:$0x1] =	wrdreg $0xFFFFFFFF  }
0xc2: {  	_ =	task.clear_ibuf [dreg:s7], $0x2FFFF;
	_ =	strace $0x9FFFFFFF  }
0xc3: {  	(tm) =	ssettm $0x7FFFFFFF  }
tec
execute0_lowered:
.L_overlay_start_1:
0x0: {  	(tag) =	ssettag $0x1  }
0x1: {  	s1 =	rddreg [dreg:$0x0]  }
0x2: {  	s2 =	srdreg.scid;
	s6 =	rddreg [dreg:$0x1]  }
0x3: {  	s0 =	stileid.u32;
	s3 =	rddreg [dreg:$0x2];
	s4 =	simm.s32 $0x0  }
0x4: {  	s11 =	simm.s32 $0x2800;
	s12 =	simm.s32 $0x80;
	s13 =	simm.s32 $0x5000  }
0x5: {  	s14 =	simm.s32 $0x5800;
	s15 =	simm.s32 $0x6000;
	s16 =	simm.s32 $0x6800  }
0x6: {  	s17 =	simm.s32 $0x7000;
	s18 =	simm.s32 $0x7800;
	s19 =	simm.s32 $0x8000  }
0x7: {  	s20 =	simm.s32 $0x8800;
	s21 =	simm.s32 $0x1;
	s22 =	simm.s32 $0x2  }
0x8: {  	s5 =	sand.u32 $0x1, s2;
	s31 =	sshll.u32 s0, $0x1;
	s9 =	smul.u32 $0x2780, s0  }
0x9: {  	[smem:$0x7FF] =	sst s4;
	s2 =	sor.u32 s5, s31;
	s8 =	smul.u32 $0x4F00, s5  }
0xa: {  	s5 =	ssub.s32 $0x2, s5;
	s7 =	smul.u32 $0x500, s2;
	s2 =	rddreg [dreg:$0x3]  }
0xb: {  	_ =	strace $0x8000004D;
	s10 =	sshrl.u32 s5, $0x1;
	s24 =	sshrl.u32 s9, $0x3  }
0xc: {  	s8 =	sadd.s32 s8, s6;
	s10 =	ssub.s32 s5, s10;
	s5 =	sadd.s32 s9, s3  }
0xd: {  	s9 =	simm.s32 $0x9000;
	s7 =	sadd.s32 s7, s6;
	s23 =	sadd.s32 $0x3D000, s8  }
0xe: {  	s8 =	smax.u32 s10, $0x1;
	s10 =	simm.s32 $0x3;
	s6 =	sadd.s32 $0x1E00, s7  }
0xf: {  	v0 =	vimm.f32 $0.0e+00;
	s7 =	sadd.s32 $0xBE00, s7;
	s23 =	sadd.s32 s24, s23;
	s24 =	simm.s32 $0x0  }
.LBB2_1:
0x10: {  	s25 =	simm.s32 $0x40;
	s26 =	simm.s32 $0x0  }
.LBB2_2:
0x11: {  	p0 =	sne.s32 s25, $0x9DC0;
	[tilespmem:s26+$0x9000] =	vst v0;
	s26 =	smov.u32 s25;
	s25 =	sadd.s32 $0x40, s25  }
.Ltmp0:
0x12: {  	(pc) =	sbr.rel @p0 .LBB2_2-.Ltmp0, $2  }
0x13: {  	_ =	sdelay $0x2  }
0x14: {  	s26 =	sshra.s32 s26, $0x2  }
0x15: {  	[tilespmem:s26+$0x9000] =	vst v0  }
0x16: {  	[spmem:s5] =	stream.linear.scatter [tilespmem:s9], [sflag:$0x3], $0x2780, $0x38;
	[tilespmem:$0xDF00] =	vst v63  }
0x17: {  	_ =	swait.ge [sflag:s10], $0x2780  }
0x18: {  	[sflag:s10] =	ssyncset.done $0x0  }
0x19: {  	[sflag:s10] =	ssyncadd.s32 $0xFFFFD880  }
0x1a: {  	s25 =	simm.s32 $0x0;
	[bflag:$0x0] =	sbarrier.arrive $0xFFFF  }
0x1b: {  	[tilespmem:s11], [sflag:$0x3] =	stream.linear.gather [hbm4b:s6+s25], $0x2800, $0x38;
	[tilespmem:$0xDF00] =	vst v63  }
0x1c: {  	_ =	swait.ge [sflag:s10], $0x2800  }
0x1d: {  	[sflag:s10] =	ssyncset.done $0x0  }
0x1e: {  	[sflag:s10] =	ssyncadd.s32 $0xFFFFD800  }
0x1f: {  	[tilespmem:s25], [sflag:$0x3] =	stream.linear.gather [hbm4b:s7+s25], $0x2800, $0x38;
	[tilespmem:$0xDF00] =	vst v63  }
0x20: {  	_ =	swait.ge [sflag:s10], $0x2800  }
0x21: {  	[sflag:s10] =	ssyncset.done $0x0  }
0x22: {  	s26 =	simm.s32 $0x0;
	[sflag:s10] =	ssyncadd.s32 $0xFFFFD800  }
0x23: {  	[tilespmem:s13], [sflag:$0x1] =	stream.indirect.gather [hbm4b:s1+s12], $0x10, s26, s12, $0xb8;
	[tilespmem:$0xDF00] =	vst v63  }
0x24: {  	s28 =	simm.s32 $0x80  }
0x25: {  	[tilespmem:s14], [sflag:$0x1] =	stream.indirect.gather [hbm4b:s1+s12], $0x10, s28, s12, $0xb8;
	[tilespmem:$0xDF00] =	vst v63  }
0x26: {  	s30 =	simm.s32 $0x100  }
0x27: {  	[tilespmem:s15], [sflag:$0x1] =	stream.indirect.gather [hbm4b:s1+s12], $0x10, s30, s12, $0xb8;
	[tilespmem:$0xDF00] =	vst v63  }
0x28: {  	s31 =	simm.s32 $0x180  }
0x29: {  	[tilespmem:s16], [sflag:$0x1] =	stream.indirect.gather [hbm4b:s1+s12], $0x10, s31, s12, $0xb8;
	[tilespmem:$0xDF00] =	vst v63  }
0x2a: {  	s26 =	simm.s32 $0x200  }
0x2b: {  	[tilespmem:s17], [sflag:$0x1] =	stream.indirect.gather [hbm4b:s1+s12], $0x10, s26, s12, $0xb8;
	[tilespmem:$0xDF00] =	vst v63  }
0x2c: {  	s28 =	simm.s32 $0x280  }
0x2d: {  	[tilespmem:s18], [sflag:$0x1] =	stream.indirect.gather [hbm4b:s1+s12], $0x10, s28, s12, $0xb8;
	[tilespmem:$0xDF00] =	vst v63  }
0x2e: {  	s30 =	simm.s32 $0x300  }
0x2f: {  	[tilespmem:s19], [sflag:$0x1] =	stream.indirect.gather [hbm4b:s1+s12], $0x10, s30, s12, $0xb8;
	[tilespmem:$0xDF00] =	vst v63  }
0x30: {  	s31 =	simm.s32 $0x380  }
0x31: {  	[tilespmem:s20], [sflag:$0x1] =	stream.indirect.gather [hbm4b:s1+s12], $0x10, s31, s12, $0xb8;
	[tilespmem:$0xDF00] =	vst v63  }
0x32: {  	_ =	swait.ge [sflag:s21], $0x800  }
0x33: {  	[sflag:s21] =	ssyncset.done $0x0  }
0x34: {  	[sflag:s21] =	ssyncadd.s32 $0xFFFFF800  }
0x35: {  	_ =	swait.ge [sflag:s21], $0x800  }
0x36: {  	[sflag:s21] =	ssyncset.done $0x0  }
0x37: {  	[sflag:s21] =	ssyncadd.s32 $0xFFFFF800  }
0x38: {  	_ =	swait.ge [sflag:s21], $0x800  }
0x39: {  	[sflag:s21] =	ssyncset.done $0x0  }
0x3a: {  	[sflag:s21] =	ssyncadd.s32 $0xFFFFF800  }
0x3b: {  	_ =	swait.ge [sflag:s21], $0x800  }
0x3c: {  	[sflag:s21] =	ssyncset.done $0x0  }
0x3d: {  	[sflag:s21] =	ssyncadd.s32 $0xFFFFF800  }
0x3e: {  	_ =	swait.ge [sflag:s21], $0x800  }
0x3f: {  	[sflag:s21] =	ssyncset.done $0x0  }
0x40: {  	[sflag:s21] =	ssyncadd.s32 $0xFFFFF800  }
0x41: {  	_ =	swait.ge [sflag:s21], $0x800  }
0x42: {  	[sflag:s21] =	ssyncset.done $0x0  }
0x43: {  	[sflag:s21] =	ssyncadd.s32 $0xFFFFF800  }
0x44: {  	_ =	swait.ge [sflag:s21], $0x800  }
0x45: {  	[sflag:s21] =	ssyncset.done $0x0  }
0x46: {  	[sflag:s21] =	ssyncadd.s32 $0xFFFFF800  }
0x47: {  	_ =	swait.ge [sflag:s21], $0x800  }
0x48: {  	[sflag:s21] =	ssyncset.done $0x0  }
0x49: {  	s26 =	simm.s32 $0x2800;
	[sflag:s21] =	ssyncadd.s32 $0xFFFFF800  }
0x4a: {  	[spmem:s3] =	stream.indirect.scatter.add.f32 [tilespmem:s13], [sflag:$0x2], $0x10, s26, s12, $0xb8;
	[tilespmem:$0xDF00] =	vst v63  }
0x4b: {  	s28 =	simm.s32 $0x2880  }
0x4c: {  	[spmem:s3] =	stream.indirect.scatter.add.f32 [tilespmem:s14], [sflag:$0x2], $0x10, s28, s12, $0xb8;
	[tilespmem:$0xDF00] =	vst v63  }
0x4d: {  	s30 =	simm.s32 $0x2900  }
0x4e: {  	[spmem:s3] =	stream.indirect.scatter.add.f32 [tilespmem:s15], [sflag:$0x2], $0x10, s30, s12, $0xb8;
	[tilespmem:$0xDF00] =	vst v63  }
0x4f: {  	s31 =	simm.s32 $0x2980  }
0x50: {  	[spmem:s3] =	stream.indirect.scatter.add.f32 [tilespmem:s16], [sflag:$0x2], $0x10, s31, s12, $0xb8;
	[tilespmem:$0xDF00] =	vst v63  }
0x51: {  	s26 =	simm.s32 $0x2A00  }
0x52: {  	[spmem:s3] =	stream.indirect.scatter.add.f32 [tilespmem:s17], [sflag:$0x2], $0x10, s26, s12, $0xb8;
	[tilespmem:$0xDF00] =	vst v63  }
0x53: {  	s28 =	simm.s32 $0x2A80  }
0x54: {  	[spmem:s3] =	stream.indirect.scatter.add.f32 [tilespmem:s18], [sflag:$0x2], $0x10, s28, s12, $0xb8;
	[tilespmem:$0xDF00] =	vst v63  }
0x55: {  	s30 =	simm.s32 $0x2B00  }
0x56: {  	[spmem:s3] =	stream.indirect.scatter.add.f32 [tilespmem:s19], [sflag:$0x2], $0x10, s30, s12, $0xb8;
	[tilespmem:$0xDF00] =	vst v63  }
0x57: {  	s31 =	simm.s32 $0x2B80  }
0x58: {  	[spmem:s3] =	stream.indirect.scatter.add.f32 [tilespmem:s20], [sflag:$0x2], $0x10, s31, s12, $0xb8;
	[tilespmem:$0xDF00] =	vst v63  }
0x59: {  	_ =	swait.ge [sflag:s22], $0x800  }
0x5a: {  	[sflag:s22] =	ssyncset.done $0x0  }
0x5b: {  	[sflag:s22] =	ssyncadd.s32 $0xFFFFF800  }
0x5c: {  	_ =	swait.ge [sflag:s22], $0x800  }
0x5d: {  	[sflag:s22] =	ssyncset.done $0x0  }
0x5e: {  	[sflag:s22] =	ssyncadd.s32 $0xFFFFF800  }
0x5f: {  	_ =	swait.ge [sflag:s22], $0x800  }
0x60: {  	[sflag:s22] =	ssyncset.done $0x0  }
0x61: {  	[sflag:s22] =	ssyncadd.s32 $0xFFFFF800  }
0x62: {  	_ =	swait.ge [sflag:s22], $0x800  }
0x63: {  	[sflag:s22] =	ssyncset.done $0x0  }
0x64: {  	[sflag:s22] =	ssyncadd.s32 $0xFFFFF800  }
0x65: {  	_ =	swait.ge [sflag:s22], $0x800  }
0x66: {  	[sflag:s22] =	ssyncset.done $0x0  }
0x67: {  	[sflag:s22] =	ssyncadd.s32 $0xFFFFF800  }
0x68: {  	_ =	swait.ge [sflag:s22], $0x800  }
0x69: {  	[sflag:s22] =	ssyncset.done $0x0  }
0x6a: {  	[sflag:s22] =	ssyncadd.s32 $0xFFFFF800  }
0x6b: {  	_ =	swait.ge [sflag:s22], $0x800  }
0x6c: {  	[sflag:s22] =	ssyncset.done $0x0  }
0x6d: {  	[sflag:s22] =	ssyncadd.s32 $0xFFFFF800  }
0x6e: {  	_ =	swait.ge [sflag:s22], $0x800  }
0x6f: {  	s29 =	simm.s32 $0x2000;
	s25 =	simm.s32 $0x1000;
	[sflag:s22] =	ssyncset.done $0x0  }
.LBB2_4:
0x70: {  	s28 =	sshra.s32 s25, $0x2  }
0x71: {  	[sflag:s22] =	ssyncadd.s32 $0xFFFFF800;
	s25 =	smov.u32 s29;
	s26 =	sadd.s32 $0x1000, s29  }
0x72: {  	[tilespmem:s13], [sflag:$0x1] =	stream.indirect.gather [hbm4b:s1+s12], $0x10, s28, s12, $0xb8;
	[tilespmem:$0xDF00] =	vst v63  }
0x73: {  	p0 =	sne.s32 s29, $0x9000;
	s29 =	sadd.s32 $0x80, s28  }
0x74: {  	[tilespmem:s14], [sflag:$0x1] =	stream.indirect.gather [hbm4b:s1+s12], $0x10, s29, s12, $0xb8;
	[tilespmem:$0xDF00] =	vst v63  }
0x75: {  	s29 =	sadd.s32 $0x100, s28  }
0x76: {  	[tilespmem:s15], [sflag:$0x1] =	stream.indirect.gather [hbm4b:s1+s12], $0x10, s29, s12, $0xb8;
	[tilespmem:$0xDF00] =	vst v63  }
0x77: {  	s29 =	sadd.s32 $0x180, s28  }
0x78: {  	[tilespmem:s16], [sflag:$0x1] =	stream.indirect.gather [hbm4b:s1+s12], $0x10, s29, s12, $0xb8;
	[tilespmem:$0xDF00] =	vst v63  }
0x79: {  	s29 =	sadd.s32 $0x200, s28  }
0x7a: {  	[tilespmem:s17], [sflag:$0x1] =	stream.indirect.gather [hbm4b:s1+s12], $0x10, s29, s12, $0xb8;
	[tilespmem:$0xDF00] =	vst v63  }
0x7b: {  	s29 =	sadd.s32 $0x280, s28  }
0x7c: {  	[tilespmem:s18], [sflag:$0x1] =	stream.indirect.gather [hbm4b:s1+s12], $0x10, s29, s12, $0xb8;
	[tilespmem:$0xDF00] =	vst v63  }
0x7d: {  	s29 =	sadd.s32 $0x300, s28  }
0x7e: {  	[tilespmem:s19], [sflag:$0x1] =	stream.indirect.gather [hbm4b:s1+s12], $0x10, s29, s12, $0xb8;
	[tilespmem:$0xDF00] =	vst v63  }
0x7f: {  	s29 =	sadd.s32 $0x380, s28  }
0x80: {  	[tilespmem:s20], [sflag:$0x1] =	stream.indirect.gather [hbm4b:s1+s12], $0x10, s29, s12, $0xb8;
	[tilespmem:$0xDF00] =	vst v63  }
0x81: {  	_ =	swait.ge [sflag:s21], $0x800  }
0x82: {  	[sflag:s21] =	ssyncset.done $0x0  }
0x83: {  	[sflag:s21] =	ssyncadd.s32 $0xFFFFF800  }
0x84: {  	_ =	swait.ge [sflag:s21], $0x800  }
0x85: {  	[sflag:s21] =	ssyncset.done $0x0  }
0x86: {  	[sflag:s21] =	ssyncadd.s32 $0xFFFFF800  }
0x87: {  	_ =	swait.ge [sflag:s21], $0x800  }
0x88: {  	[sflag:s21] =	ssyncset.done $0x0  }
0x89: {  	[sflag:s21] =	ssyncadd.s32 $0xFFFFF800  }
0x8a: {  	_ =	swait.ge [sflag:s21], $0x800  }
0x8b: {  	[sflag:s21] =	ssyncset.done $0x0  }
0x8c: {  	[sflag:s21] =	ssyncadd.s32 $0xFFFFF800  }
0x8d: {  	_ =	swait.ge [sflag:s21], $0x800  }
0x8e: {  	[sflag:s21] =	ssyncset.done $0x0  }
0x8f: {  	[sflag:s21] =	ssyncadd.s32 $0xFFFFF800  }
0x90: {  	_ =	swait.ge [sflag:s21], $0x800  }
0x91: {  	[sflag:s21] =	ssyncset.done $0x0  }
0x92: {  	[sflag:s21] =	ssyncadd.s32 $0xFFFFF800  }
0x93: {  	_ =	swait.ge [sflag:s21], $0x800  }
0x94: {  	[sflag:s21] =	ssyncset.done $0x0  }
0x95: {  	[sflag:s21] =	ssyncadd.s32 $0xFFFFF800  }
0x96: {  	_ =	swait.ge [sflag:s21], $0x800  }
0x97: {  	[sflag:s21] =	ssyncset.done $0x0  }
0x98: {  	s29 =	sadd.s32 $0x2800, s28;
	[sflag:s21] =	ssyncadd.s32 $0xFFFFF800  }
0x99: {  	[spmem:s3] =	stream.indirect.scatter.add.f32 [tilespmem:s13], [sflag:$0x2], $0x10, s29, s12, $0xb8;
	[tilespmem:$0xDF00] =	vst v63  }
0x9a: {  	s29 =	sadd.s32 $0x2880, s28  }
0x9b: {  	[spmem:s3] =	stream.indirect.scatter.add.f32 [tilespmem:s14], [sflag:$0x2], $0x10, s29, s12, $0xb8;
	[tilespmem:$0xDF00] =	vst v63  }
0x9c: {  	s29 =	sadd.s32 $0x2900, s28  }
0x9d: {  	[spmem:s3] =	stream.indirect.scatter.add.f32 [tilespmem:s15], [sflag:$0x2], $0x10, s29, s12, $0xb8;
	[tilespmem:$0xDF00] =	vst v63  }
0x9e: {  	s29 =	sadd.s32 $0x2980, s28  }
0x9f: {  	[spmem:s3] =	stream.indirect.scatter.add.f32 [tilespmem:s16], [sflag:$0x2], $0x10, s29, s12, $0xb8;
	[tilespmem:$0xDF00] =	vst v63  }
0xa0: {  	s29 =	sadd.s32 $0x2A00, s28  }
0xa1: {  	[spmem:s3] =	stream.indirect.scatter.add.f32 [tilespmem:s17], [sflag:$0x2], $0x10, s29, s12, $0xb8;
	[tilespmem:$0xDF00] =	vst v63  }
0xa2: {  	s29 =	sadd.s32 $0x2A80, s28  }
0xa3: {  	[spmem:s3] =	stream.indirect.scatter.add.f32 [tilespmem:s18], [sflag:$0x2], $0x10, s29, s12, $0xb8;
	[tilespmem:$0xDF00] =	vst v63  }
0xa4: {  	s29 =	sadd.s32 $0x2B00, s28  }
0xa5: {  	[spmem:s3] =	stream.indirect.scatter.add.f32 [tilespmem:s19], [sflag:$0x2], $0x10, s29, s12, $0xb8;
	[tilespmem:$0xDF00] =	vst v63  }
0xa6: {  	s28 =	sadd.s32 $0x2B80, s28  }
0xa7: {  	[spmem:s3] =	stream.indirect.scatter.add.f32 [tilespmem:s20], [sflag:$0x2], $0x10, s28, s12, $0xb8;
	[tilespmem:$0xDF00] =	vst v63  }
0xa8: {  	_ =	swait.ge [sflag:s22], $0x800  }
0xa9: {  	[sflag:s22] =	ssyncset.done $0x0  }
0xaa: {  	[sflag:s22] =	ssyncadd.s32 $0xFFFFF800  }
0xab: {  	_ =	swait.ge [sflag:s22], $0x800  }
0xac: {  	[sflag:s22] =	ssyncset.done $0x0  }
0xad: {  	[sflag:s22] =	ssyncadd.s32 $0xFFFFF800  }
0xae: {  	_ =	swait.ge [sflag:s22], $0x800  }
0xaf: {  	[sflag:s22] =	ssyncset.done $0x0  }
0xb0: {  	[sflag:s22] =	ssyncadd.s32 $0xFFFFF800  }
0xb1: {  	_ =	swait.ge [sflag:s22], $0x800  }
0xb2: {  	[sflag:s22] =	ssyncset.done $0x0  }
0xb3: {  	[sflag:s22] =	ssyncadd.s32 $0xFFFFF800  }
0xb4: {  	_ =	swait.ge [sflag:s22], $0x800  }
0xb5: {  	[sflag:s22] =	ssyncset.done $0x0  }
0xb6: {  	[sflag:s22] =	ssyncadd.s32 $0xFFFFF800  }
0xb7: {  	_ =	swait.ge [sflag:s22], $0x800  }
0xb8: {  	[sflag:s22] =	ssyncset.done $0x0  }
0xb9: {  	[sflag:s22] =	ssyncadd.s32 $0xFFFFF800  }
.Ltmp1:
0xba: {  	_ =	swait.ge [sflag:s22], $0x800;
	(pc) =	sbr.rel @p0 .LBB2_4-.Ltmp1, $4  }
0xbb: {  	[sflag:s22] =	ssyncset.done $0x0  }
0xbc: {  	[sflag:s22] =	ssyncadd.s32 $0xFFFFF800  }
0xbd: {  	_ =	swait.ge [sflag:s22], $0x800  }
0xbe: {  	s29 =	smov.u32 s26;
	[sflag:s22] =	ssyncset.done $0x0  }
0xbf: {  	s25 =	sshra.s32 s25, $0x2;
	[sflag:s22] =	ssyncadd.s32 $0xFFFFF800  }
0xc0: {  	[tilespmem:s13], [sflag:$0x1] =	stream.indirect.gather [hbm4b:s1+s12], $0x10, s25, s12, $0xb8;
	[tilespmem:$0xDF00] =	vst v63  }
0xc1: {  	s26 =	sadd.s32 $0x80, s25  }
0xc2: {  	[tilespmem:s14], [sflag:$0x1] =	stream.indirect.gather [hbm4b:s1+s12], $0x10, s26, s12, $0xb8;
	[tilespmem:$0xDF00] =	vst v63  }
0xc3: {  	s31 =	sadd.s32 $0x100, s25  }
0xc4: {  	[tilespmem:s15], [sflag:$0x1] =	stream.indirect.gather [hbm4b:s1+s12], $0x10, s31, s12, $0xb8;
	[tilespmem:$0xDF00] =	vst v63  }
0xc5: {  	s28 =	sadd.s32 $0x180, s25  }
0xc6: {  	[tilespmem:s16], [sflag:$0x1] =	stream.indirect.gather [hbm4b:s1+s12], $0x10, s28, s12, $0xb8;
	[tilespmem:$0xDF00] =	vst v63  }
0xc7: {  	s29 =	sadd.s32 $0x200, s25  }
0xc8: {  	[tilespmem:s17], [sflag:$0x1] =	stream.indirect.gather [hbm4b:s1+s12], $0x10, s29, s12, $0xb8;
	[tilespmem:$0xDF00] =	vst v63  }
0xc9: {  	s30 =	sadd.s32 $0x280, s25  }
0xca: {  	[tilespmem:s18], [sflag:$0x1] =	stream.indirect.gather [hbm4b:s1+s12], $0x10, s30, s12, $0xb8;
	[tilespmem:$0xDF00] =	vst v63  }
0xcb: {  	s31 =	sadd.s32 $0x300, s25  }
0xcc: {  	[tilespmem:s19], [sflag:$0x1] =	stream.indirect.gather [hbm4b:s1+s12], $0x10, s31, s12, $0xb8;
	[tilespmem:$0xDF00] =	vst v63  }
0xcd: {  	s28 =	sadd.s32 $0x380, s25  }
0xce: {  	[tilespmem:s20], [sflag:$0x1] =	stream.indirect.gather [hbm4b:s1+s12], $0x10, s28, s12, $0xb8;
	[tilespmem:$0xDF00] =	vst v63  }
0xcf: {  	_ =	swait.ge [sflag:s21], $0x800  }
0xd0: {  	[sflag:s21] =	ssyncset.done $0x0  }
0xd1: {  	[sflag:s21] =	ssyncadd.s32 $0xFFFFF800  }
0xd2: {  	_ =	swait.ge [sflag:s21], $0x800  }
0xd3: {  	[sflag:s21] =	ssyncset.done $0x0  }
0xd4: {  	[sflag:s21] =	ssyncadd.s32 $0xFFFFF800  }
0xd5: {  	_ =	swait.ge [sflag:s21], $0x800  }
0xd6: {  	[sflag:s21] =	ssyncset.done $0x0  }
0xd7: {  	[sflag:s21] =	ssyncadd.s32 $0xFFFFF800  }
0xd8: {  	_ =	swait.ge [sflag:s21], $0x800  }
0xd9: {  	[sflag:s21] =	ssyncset.done $0x0  }
0xda: {  	[sflag:s21] =	ssyncadd.s32 $0xFFFFF800  }
0xdb: {  	_ =	swait.ge [sflag:s21], $0x800  }
0xdc: {  	[sflag:s21] =	ssyncset.done $0x0  }
0xdd: {  	[sflag:s21] =	ssyncadd.s32 $0xFFFFF800  }
0xde: {  	_ =	swait.ge [sflag:s21], $0x800  }
0xdf: {  	[sflag:s21] =	ssyncset.done $0x0  }
0xe0: {  	[sflag:s21] =	ssyncadd.s32 $0xFFFFF800  }
0xe1: {  	_ =	swait.ge [sflag:s21], $0x800  }
0xe2: {  	[sflag:s21] =	ssyncset.done $0x0  }
0xe3: {  	[sflag:s21] =	ssyncadd.s32 $0xFFFFF800  }
0xe4: {  	_ =	swait.ge [sflag:s21], $0x800  }
0xe5: {  	[sflag:s21] =	ssyncset.done $0x0  }
0xe6: {  	s29 =	sadd.s32 $0x2800, s25;
	[sflag:s21] =	ssyncadd.s32 $0xFFFFF800  }
0xe7: {  	[spmem:s3] =	stream.indirect.scatter.add.f32 [tilespmem:s13], [sflag:$0x2], $0x10, s29, s12, $0xb8;
	[tilespmem:$0xDF00] =	vst v63  }
0xe8: {  	s30 =	sadd.s32 $0x2880, s25  }
0xe9: {  	[spmem:s3] =	stream.indirect.scatter.add.f32 [tilespmem:s14], [sflag:$0x2], $0x10, s30, s12, $0xb8;
	[tilespmem:$0xDF00] =	vst v63  }
0xea: {  	s31 =	sadd.s32 $0x2900, s25  }
0xeb: {  	[spmem:s3] =	stream.indirect.scatter.add.f32 [tilespmem:s15], [sflag:$0x2], $0x10, s31, s12, $0xb8;
	[tilespmem:$0xDF00] =	vst v63  }
0xec: {  	s28 =	sadd.s32 $0x2980, s25  }
0xed: {  	[spmem:s3] =	stream.indirect.scatter.add.f32 [tilespmem:s16], [sflag:$0x2], $0x10, s28, s12, $0xb8;
	[tilespmem:$0xDF00] =	vst v63  }
0xee: {  	s29 =	sadd.s32 $0x2A00, s25  }
0xef: {  	[spmem:s3] =	stream.indirect.scatter.add.f32 [tilespmem:s17], [sflag:$0x2], $0x10, s29, s12, $0xb8;
	[tilespmem:$0xDF00] =	vst v63  }
0xf0: {  	s30 =	sadd.s32 $0x2A80, s25  }
0xf1: {  	[spmem:s3] =	stream.indirect.scatter.add.f32 [tilespmem:s18], [sflag:$0x2], $0x10, s30, s12, $0xb8;
	[tilespmem:$0xDF00] =	vst v63  }
0xf2: {  	s31 =	sadd.s32 $0x2B00, s25  }
0xf3: {  	[spmem:s3] =	stream.indirect.scatter.add.f32 [tilespmem:s19], [sflag:$0x2], $0x10, s31, s12, $0xb8;
	[tilespmem:$0xDF00] =	vst v63  }
0xf4: {  	s25 =	sadd.s32 $0x2B80, s25  }
0xf5: {  	[spmem:s3] =	stream.indirect.scatter.add.f32 [tilespmem:s20], [sflag:$0x2], $0x10, s25, s12, $0xb8;
	[tilespmem:$0xDF00] =	vst v63  }
0xf6: {  	_ =	swait.ge [sflag:s22], $0x800  }
0xf7: {  	[sflag:s22] =	ssyncset.done $0x0  }
0xf8: {  	[sflag:s22] =	ssyncadd.s32 $0xFFFFF800  }
0xf9: {  	_ =	swait.ge [sflag:s22], $0x800  }
0xfa: {  	[sflag:s22] =	ssyncset.done $0x0  }
0xfb: {  	[sflag:s22] =	ssyncadd.s32 $0xFFFFF800  }
0xfc: {  	_ =	swait.ge [sflag:s22], $0x800  }
0xfd: {  	[sflag:s22] =	ssyncset.done $0x0  }
0xfe: {  	[sflag:s22] =	ssyncadd.s32 $0xFFFFF800  }
0xff: {  	_ =	swait.ge [sflag:s22], $0x800  }
0x100: {  	[sflag:s22] =	ssyncset.done $0x0  }
0x101: {  	[sflag:s22] =	ssyncadd.s32 $0xFFFFF800  }
0x102: {  	_ =	swait.ge [sflag:s22], $0x800  }
0x103: {  	[sflag:s22] =	ssyncset.done $0x0  }
0x104: {  	[sflag:s22] =	ssyncadd.s32 $0xFFFFF800  }
0x105: {  	_ =	swait.ge [sflag:s22], $0x800  }
0x106: {  	[sflag:s22] =	ssyncset.done $0x0  }
0x107: {  	[sflag:s22] =	ssyncadd.s32 $0xFFFFF800  }
0x108: {  	_ =	swait.ge [sflag:s22], $0x800  }
0x109: {  	[sflag:s22] =	ssyncset.done $0x0  }
0x10a: {  	[sflag:s22] =	ssyncadd.s32 $0xFFFFF800  }
0x10b: {  	_ =	swait.ge [sflag:s22], $0x800  }
0x10c: {  	[sflag:s22] =	ssyncset.done $0x0  }
0x10d: {  	[sflag:s22] =	ssyncadd.s32 $0xFFFFF800  }
0x10e: {  	[bflag:$0x0] =	sbarrier.arrive $0xFFFF  }
0x10f: {  	[tilespmem:s9], [sflag:$0x3] =	stream.linear.gather [spmem:s5], $0x2780, $0x38;
	[tilespmem:$0xDF00] =	vst v63  }
0x110: {  	s24 =	sadd.s32 $0x1, s24;
	_ =	swait.ge [sflag:s10], $0x2780  }
0x111: {  	p0 =	sne.s32 s24, s8;
	[sflag:s10] =	ssyncset.done $0x0  }
.Ltmp2:
0x112: {  	[sflag:s10] =	ssyncadd.s32 $0xFFFFD880;
	(pc) =	sbr.rel @p0 .LBB2_1-.Ltmp2, $4  }
0x113: {  	[hbm4b:s23+s4] =	stream.linear.scatter [tilespmem:s9], [sflag:$0x3], $0x2780, $0x38;
	[tilespmem:$0xDF00] =	vst v63  }
0x114: {  	_ =	swait.ge [sflag:s10], $0x2780  }
0x115: {  	[sflag:s10] =	ssyncset.done $0x0  }
0x116: {  	[sflag:s10] =	ssyncadd.s32 $0xFFFFD880  }
0x117: {  	_ =	sfence.sel $0x180000  }
0x118: {  	[bflag:$0x0] =	sbarrier.arrive $0xFFFF  }
0x119: {  	p0 =	sne.s32 s0, $0x0;
	_ =	strace $0x9000004D  }
0x11a: {  	s0 =	sadd.s32 @!p0 $0x100000, s2;
	[bflag:$0x2] =	sbarrier.arrive $0xFFFF  }
0x11b: {  	[sflag:s0] =	ssyncadd.tile.s32 @!p0 $0x1;
	_ =	shalt  }
.Lfunc_end2:
_tile_overlayer_lowered:
.L_overlay_start_2:
0x11c: {  	(tag) =	ssettag $0x2  }
0x11d: {  	s0 =	rddreg [dreg:$0x0];
	s2 =	stileid.u32  }
0x11e: {  	s1 =	rddreg [dreg:$0x1];
	p0 =	sne.s32 s2, $0x0  }
0x11f: {  	s3 =	rddreg [dreg:$0x2];
	[bflag:$0x3] =	sbarrier.arrive $0xFFFF;
	s2 =	simm.s32 @!p0 $0x1C03  }
0x120: {  	[timem:s3], [sflag:s2] =	dma.local @!p0 [hbm:s0], s1  }
0x121: {  	s0 =	simm.s32 @!p0 $0x3  }
0x122: {  	_ =	swait.ge @!p0 [sflag:s0], s1  }
0x123: {  	s1 =	ssub.s32 @!p0 $0x0, s1;
	[sflag:s0] =	ssyncset.done @!p0 $0x0  }
0x124: {  	[sflag:s0] =	ssyncadd.s32 @!p0 s1  }
0x125: {  	[bflag:$0x3] =	sbarrier.arrive $0xFFFF  }
0x126: {  	_ =	shalt  }

// kernel: kernel.8.cloned.1.call-start
scs
__scs_entry_jumppad:
0x0: {  	(pc) =	sbr.rel $0x88, $3  }
0x1: {  	(tag) =	ssettag $0x0;
	lr =	simm.s32 $0x1  }
0x2: {  	[smem:$0x3F9B] =	sst lr;
	_ =	strace $0xD0000000  }
0x3: {  	_ = 	snop  }
0x4: {  	_ = 	snop  }
0x5: {  	_ = 	snop  }
0x6: {  	_ = 	snop  }
0x7: {  	_ = 	snop  }
__scs_overlays_trampoline_lowered:
0x8: {  	[smem:$0x3FAA] =	sst s0  }
0x9: {  	[smem:$0x3FAB] =	sst s1  }
0xa: {  	[smem:$0x3FAC] =	sst s2  }
0xb: {  	[smem:$0x3FAD] =	sst s3  }
0xc: {  	[smem:$0x3FAE] =	sst s4  }
0xd: {  	[smem:$0x3FAF] =	sst s5  }
0xe: {  	[smem:$0x3FB0] =	sst s6  }
0xf: {  	[smem:$0x3FB1] =	sst s7  }
0x10: {  	[smem:$0x3FB2] =	sst s8  }
0x11: {  	[smem:$0x3FB3] =	sst s9;
	s0 =	simm.s32 @!p0 $0x0  }
0x12: {  	s1 =	sld [smem:$0x3F99];
	s0 =	simm.s32 @p0 $0x1  }
0x13: {  	[smem:$0x3FB4] =	sst s0;
	s0 =	simm.s32 @!p1 $0x0  }
0x14: {  	s2 =	sld [smem:$0x3F98];
	s0 =	simm.s32 @p1 $0x1  }
0x15: {  	[smem:$0x3FB5] =	sst s0;
	s0 =	simm.s32 @!p2 $0x0  }
0x16: {  	s3 =	sld [smem:$0x3FDB];
	s0 =	simm.s32 @p2 $0x1  }
0x17: {  	s4 =	simm.s32 $0x1BF5;
	[smem:$0x3FB7] =	sst s0  }
0x18: {  	s0 =	sld [smem:$0x3F9A];
	_ =	swait.ge [sflag:s4], $0x0  }
0x19: {  	s7 =	sld [smem:$0x3F9B]  }
0x1a: {  	s8 =	sadd.s32 $0xFFFFE003, lr  }
0x1b: {  	s9 =	sadd.s32 $0xFFFFFEF7, lr;
	s5 =	simm.s32 $0xFFFFFFFF;
	p2 =	slt.u32 s8, $0xFFFFF086  }
0x1c: {  	p1 =	slt.u32 s9, $0xF7A;
	s5 =	simm.s32 @!p2 $0x0  }
0x1d: {  	s5 =	simm.s32 @p1 $0x1;
	p0 =	seq.s32 s7, s2  }
0x1e: {  	s7 =	smul.u32 @!p0 $0xF7A, s2;
	p2 =	seq.s32 @!p0 s5, $0x0  }
0x1f: {  	s9 =	smul.u32 $0xF7A, s1;
	s8 =	simm.s32 @!p0 $0x1BF5;
	p2 =	por !p2, p0  }
0x20: {  	[sflag:s8] =	ssyncset.s32 @!p0 $0xFFFFF086;
	s6 =	sadd.s32 @!p0 s3, s7;
	s7 =	simm.s32 @!p0 $0x108  }
0x21: {  	s3 =	sadd.s32 s3, s9;
	s6 =	sadd.s32 @!p0 $0x88, s6;
	s7 =	simm.s32 @p2 $0x1082  }
0x22: {  	[simem:s7], [sflag:s8] =	dma.local @!p0 [hbm:s6], $0xF7A  }
0x23: {  	s9 =	sor.u32 $0xD0000000, s2;
	s6 =	simm.s32 $0x108;
	_ =	swait.ge @!p0 [sflag:s8], $0x0  }
0x24: {  	s3 =	sadd.s32 $0x88, s3;
	s6 =	simm.s32 @!p1 $0x1082;
	[sflag:s4] =	ssyncset.s32 $0xFFFFF086  }
0x25: {  	[simem:s6], [sflag:s4] =	dma.local [hbm:s3], $0xF7A  }
0x26: {  	[smem:$0x3F9B] =	sst s1;
	(tag) =	ssettag s2;
	_ =	strace s9  }
0x27: {  	s1 =	sld [smem:$0x3FAB]  }
0x28: {  	s2 =	sld [smem:$0x3FAC]  }
0x29: {  	s4 =	sld [smem:$0x3FAE]  }
0x2a: {  	p0 =	seq.s32 s5, $0x0;
	s5 =	sld [smem:$0x3FAF]  }
0x2b: {  	s6 =	sld [smem:$0x3FB0]  }
0x2c: {  	s7 =	sld [smem:$0x3FB1]  }
0x2d: {  	s3 =	simm.s32 $0x108;
	s8 =	sld [smem:$0x3FB2]  }
0x2e: {  	s3 =	simm.s32 @!p0 $0x1082;
	s9 =	sld [smem:$0x3FB3]  }
0x2f: {  	lr =	sadd.s32 s0, s3;
	s0 =	sld [smem:$0x3FAA]  }
0x30: {  	s3 =	sld [smem:$0x3FAD]  }
0x31: {  	[smem:$0x3FB6] =	sst s10  }
0x32: {  	s10 =	sld [smem:$0x3FB4];
	_ =	sdelay $0x3  }
0x33: {  	p0 =	seq.s32 s10, $0x1;
	s10 =	sld [smem:$0x3FB6];
	_ =	sdelay $0x3  }
0x34: {  	[smem:$0x3FB6] =	sst s10  }
0x35: {  	s10 =	sld [smem:$0x3FB5];
	_ =	sdelay $0x3  }
0x36: {  	p1 =	seq.s32 s10, $0x1;
	s10 =	sld [smem:$0x3FB6];
	_ =	sdelay $0x3  }
0x37: {  	[smem:$0x3FB6] =	sst s10  }
0x38: {  	s10 =	sld [smem:$0x3FB7]  }
0x39: {  	_ = 	snop;
	(pc) =	sbr.ind lr, $3  }
0x3a: {  	_ = 	snop  }
0x3b: {  	_ = 	snop  }
0x3c: {  	p2 =	seq.s32 s10, $0x1;
	s10 =	sld [smem:$0x3FB6]  }
0x3d: {  	_ =	shalt  }
0x3e: {  	_ =	shalt  }
0x3f: {  	_ =	shalt  }
0x40: {  	_ =	shalt  }
0x41: {  	_ =	shalt  }
0x42: {  	_ =	shalt  }
0x43: {  	_ =	shalt  }
0x44: {  	_ =	shalt  }
0x45: {  	_ =	shalt  }
0x46: {  	_ =	shalt  }
0x47: {  	_ =	shalt  }
0x48: {  	_ =	shalt  }
0x49: {  	_ =	shalt  }
0x4a: {  	_ =	shalt  }
0x4b: {  	_ =	shalt  }
0x4c: {  	_ =	shalt  }
0x4d: {  	_ =	shalt  }
0x4e: {  	_ =	shalt  }
0x4f: {  	_ =	shalt  }
0x50: {  	_ =	shalt  }
0x51: {  	_ =	shalt  }
0x52: {  	_ =	shalt  }
0x53: {  	_ =	shalt  }
0x54: {  	_ =	shalt  }
0x55: {  	_ =	shalt  }
0x56: {  	_ =	shalt  }
0x57: {  	_ =	shalt  }
0x58: {  	_ =	shalt  }
0x59: {  	_ =	shalt  }
0x5a: {  	_ =	shalt  }
0x5b: {  	_ =	shalt  }
0x5c: {  	_ =	shalt  }
0x5d: {  	_ =	shalt  }
0x5e: {  	_ =	shalt  }
0x5f: {  	_ =	shalt  }
0x60: {  	_ =	shalt  }
0x61: {  	_ =	shalt  }
0x62: {  	_ =	shalt  }
0x63: {  	_ =	shalt  }
0x64: {  	_ =	shalt  }
0x65: {  	_ =	shalt  }
0x66: {  	_ =	shalt  }
0x67: {  	_ =	shalt  }
0x68: {  	_ =	shalt  }
0x69: {  	_ =	shalt  }
0x6a: {  	_ =	shalt  }
0x6b: {  	_ =	shalt  }
0x6c: {  	_ =	shalt  }
0x6d: {  	_ =	shalt  }
0x6e: {  	_ =	shalt  }
0x6f: {  	_ =	shalt  }
0x70: {  	_ =	shalt  }
0x71: {  	_ =	shalt  }
0x72: {  	_ =	shalt  }
0x73: {  	_ =	shalt  }
0x74: {  	_ =	shalt  }
0x75: {  	_ =	shalt  }
0x76: {  	_ =	shalt  }
0x77: {  	_ =	shalt  }
0x78: {  	_ =	shalt  }
0x79: {  	_ =	shalt  }
0x7a: {  	_ =	shalt  }
0x7b: {  	_ =	shalt  }
0x7c: {  	_ =	shalt  }
0x7d: {  	_ =	shalt  }
0x7e: {  	_ =	shalt  }
0x7f: {  	_ =	shalt  }
0x80: {  	_ =	shalt  }
0x81: {  	_ =	shalt  }
0x82: {  	_ =	shalt  }
0x83: {  	_ =	shalt  }
0x84: {  	_ =	shalt  }
0x85: {  	_ =	shalt  }
0x86: {  	_ =	shalt  }
0x87: {  	_ =	shalt  }
.Lfunc_end0:
.L_simem_size_0:
called_computation_lowered:
.L_overlay_start_0:
0x88: {  	s2 =	sld [smem:$0x3FD9]  }
0x89: {  	s3 =	sld [smem:$0x3FFE];
	_ =	sdelay $0x1  }
0x8a: {  	s1 =	srdreg.scid  }
0x8b: {  	s0 =	sand.u32 $0x1, s1  }
0x8c: {  	s16 =	sshll.u32 s0, $0xA;
	s2 =	sadd.s32 s3, s2  }
0x8d: {  	s2 =	sadd.s32 s2, s16  }
0x8e: {  	[smem:$0x3FC2] =	sst s2  }
0x8f: {  	_ = 	snop  }
0x90: {  	(tm) =	ssettm $0x1  }
0x91: {  	s17 =	sld [smem:$0x3FFB];
	_ =	sdelay $0x3  }
0x92: {  	_ =	strace s17  }
0x93: {  	s2 =	sld [smem:$0x3FFC];
	_ =	sdelay $0x3  }
0x94: {  	_ =	strace s2  }
0x95: {  	s2 =	sld [smem:$0x3FFD];
	_ =	sdelay $0x3  }
0x96: {  	_ =	strace s2  }
0x97: {  	_ =	strace $0x8FFFFFFF  }
0x98: {  	s18 =	sld [smem:$0x3FDB];
	_ =	sdelay $0x1  }
0x99: {  	s19 =	simm.s32 $_scs_section_size  }
0x9a: {  	s4 =	simm.s32 $_size__tile_overlayer_lowered;
	s5 =	simm.s32 $_tile_overlayer_lowered  }
0x9b: {  	s22 =	simm.s32 $0x1BFF;
	s21 =	sshll.u32 s5, $0x1;
	s2 =	sadd.s32 s19, s18  }
0x9c: {  	s6 =	simm.s32 $0x0;
	s20 =	sshll.u32 s4, $0x1;
	s4 =	sadd.s32 s21, s2  }
0x9d: {  	[timem:s6], [sflag:s22] =	dma.local [hbm:s4], s20  }
0x9e: {  	_ =	swait.ge [sflag:s22], s20  }
0x9f: {  	s3 =	ssub.s32 $0x0, s20;
	[sflag:s22] =	ssyncset.done $0x0  }
0xa0: {  	[sflag:s22] =	ssyncadd.s32 s3;
	_ =	sdelay $0x1  }
0xa1: {  	s23 =	simm.s32 $0x1B8B  }
0xa2: {  	_ =	swait.ge [sflag:s23], $0x1  }
0xa3: {  	[sflag:s23] =	ssyncset.done $0x0  }
0xa4: {  	s25 =	simm.s32 $0x1B8E;
	s24 =	sld [smem:$0x3FFE];
	[sflag:s23] =	ssyncadd.s32 $0xFFFFFFFF  }
0xa5: {  	s26 =	simm.s32 $execute0_lowered;
	[smem:$0x3FD2] =	sst s25  }
0xa6: {  	s4 =	sshll.u32 s26, $0x1;
	_ =	strace $0x80000046;
	[dreg:$0x1] =	wrdreg $0xFFFFFFFF  }
0xa7: {  	s28 =	simm.s32 $_size_execute0_lowered;
	s2 =	sadd.s32 s2, s4;
	[dreg:$0x0] =	wrdreg $0x0  }
0xa8: {  	s4 =	sshll.u32 s28, $0x1;
	[dreg:$0x2] =	wrdreg s2  }
0xa9: {  	[dreg:$0x3] =	wrdreg s4  }
0xaa: {  	[dreg:$0x4] =	wrdreg $0xC0  }
0xab: {  	_ =	task [dreg:s6], $0x5FFFF  }
0xac: {  	[dreg:$0x1] =	wrdreg $0xFFFFFFFF  }
0xad: {  	[dreg:$0x0] =	wrdreg $0x60  }
0xae: {  	[dreg:$0x2] =	wrdreg s24  }
0xaf: {  	[dreg:$0x3] =	wrdreg $0x8F800  }
0xb0: {  	[dreg:$0x4] =	wrdreg $0x9  }
0xb1: {  	_ =	task.clear_ibuf [dreg:s6], $0x5FFFF;
	_ =	strace $0x90000046  }
0xb2: {  	s29 =	simm.s32 $0x9;
	_ =	strace $0x80000048  }
0xb3: {  	_ =	swait.ge [sflag:s29], $0x1  }
0xb4: {  	[sflag:s29] =	ssyncadd.s32 $0xFFFFFFFF  }
0xb5: {  	_ =	strace $0x90000048  }
0xb6: {  	_ =	sfence  }
0xb7: {  	s30 =	sld [smem:$0x0];
	_ =	sdelay $0x2  }
0xb8: {  	s31 =	sshll.u32 s1, $0xD;
	s1 =	sshrl.u32 s1, $0x2  }
0xb9: {  	s3 =	sand.u32 $0x4000, s31;
	s1 =	sadd.s32 s1, s30  }
0xba: {  	s0 =	sor.u32 s3, s0;
	s1 =	sshll.u32 s1, $0x11  }
0xbb: {  	s0 =	sor.u32 s1, s0  }
0xbc: {  	s0 =	sadd.s32 $0x8F2B, s0  }
0xbd: {  	[sflag:s0] =	ssyncadd.remote.s32 $0x1  }
0xbe: {  	_ =	sfence.sel $0xFFFF  }
0xbf: {  	[dreg:$0x0] =	wrdreg $0xFFFFFFFF;
	(pc) =	sbr.abs _section_cstart, $3  }
0xc0: {  	[dreg:$0x1] =	wrdreg $0xFFFFFFFF  }
0xc1: {  	_ =	task.clear_ibuf [dreg:s6], $0x2FFFF;
	_ =	strace $0x9FFFFFFF  }
0xc2: {  	(tm) =	ssettm $0x7FFFFFFF  }
0xc3: {  	_ =	shalt  }
tec
execute0_lowered:
.L_overlay_start_1:
0x0: {  	(tag) =	ssettag $0x1  }
0x1: {  	s1 =	srdreg.scid;
	s4 =	rddreg [dreg:$0x0]  }
0x2: {  	s0 =	stileid.u32;
	s2 =	rddreg [dreg:$0x1]  }
0x3: {  	s3 =	simm.s32 $0x0;
	s10 =	simm.s32 $0x2800;
	s11 =	simm.s32 $0x1  }
0x4: {  	s5 =	sand.u32 $0x1, s1;
	s31 =	sshll.u32 s0, $0x1;
	s9 =	smul.u32 $0x2780, s0  }
0x5: {  	s1 =	rddreg [dreg:$0x2];
	s6 =	sor.u32 s5, s31;
	s7 =	smul.u32 $0x4F00, s5  }
0x6: {  	[smem:$0x7FF] =	sst s3;
	s5 =	ssub.s32 $0x2, s5;
	s6 =	smul.u32 $0x500, s6  }
0x7: {  	_ =	strace $0x80000047;
	s8 =	sshrl.u32 s5, $0x1;
	s13 =	sshrl.u32 s9, $0x3  }
0x8: {  	s7 =	sadd.s32 s7, s4;
	s8 =	ssub.s32 s5, s8;
	s6 =	sadd.s32 s6, s4  }
0x9: {  	s4 =	sadd.s32 s9, s2;
	s12 =	sadd.s32 $0x15E00, s7;
	s7 =	simm.s32 $0x6800  }
0xa: {  	s9 =	simm.s32 $0x80;
	s5 =	sadd.s32 $0x1E00, s6;
	s6 =	smax.u32 s8, $0x1  }
0xb: {  	v0 =	vimm.f32 $0.0e+00;
	v1 =	vimm.f32 $1.000000000e+00;
	s8 =	simm.s32 $0x2;
	s12 =	sadd.s32 s13, s12;
	s13 =	simm.s32 $0x0  }
.LBB2_1:
0xc: {  	s14 =	simm.s32 $0x40;
	s15 =	simm.s32 $0x0  }
.LBB2_2:
0xd: {  	p0 =	sne.s32 s14, $0x9DC0;
	[tilespmem:s15+$0x6800] =	vst v0;
	s15 =	smov.u32 s14;
	s14 =	sadd.s32 $0x40, s14  }
.Ltmp0:
0xe: {  	(pc) =	sbr.rel @p0 .LBB2_2-.Ltmp0, $2  }
0xf: {  	_ =	sdelay $0x2  }
0x10: {  	s15 =	sshra.s32 s15, $0x2  }
0x11: {  	[tilespmem:s15+$0x6800] =	vst v0  }
0x12: {  	[spmem:s4] =	stream.linear.scatter [tilespmem:s7], [sflag:$0x2], $0x2780, $0x38;
	[tilespmem:$0xB700] =	vst v63  }
0x13: {  	_ =	swait.ge [sflag:s8], $0x2780  }
0x14: {  	[sflag:s8] =	ssyncset.done $0x0  }
0x15: {  	[sflag:s8] =	ssyncadd.s32 $0xFFFFD880  }
0x16: {  	s14 =	simm.s32 $0x0;
	[bflag:$0x0] =	sbarrier.arrive $0xFFFF  }
0x17: {  	[tilespmem:s14], [sflag:$0x2] =	stream.linear.gather [hbm4b:s5+s14], $0x2800, $0x38;
	[tilespmem:$0xB700] =	vst v63  }
0x18: {  	_ =	swait.ge [sflag:s8], $0x2800  }
0x19: {  	[sflag:s8] =	ssyncset.done $0x0  }
0x1a: {  	s15 =	simm.s32 $0x0;
	s14 =	simm.s32 $0x40;
	[sflag:s8] =	ssyncadd.s32 $0xFFFFD800  }
.LBB2_4:
0x1b: {  	p0 =	sne.s32 s14, $0x1FC0;
	[tilespmem:s15+$0x2800] =	vst v1;
	s15 =	smov.u32 s14;
	s14 =	sadd.s32 $0x40, s14  }
.Ltmp1:
0x1c: {  	(pc) =	sbr.rel @p0 .LBB2_4-.Ltmp1, $2  }
0x1d: {  	_ =	sdelay $0x2  }
0x1e: {  	s15 =	sshra.s32 s15, $0x2  }
0x1f: {  	[tilespmem:s15+$0x2800] =	vst v1;
	s14 =	simm.s32 $0x0  }
0x20: {  	[spmem:s2] =	stream.indirect.scatter.add.f32 [tilespmem:s10], [sflag:$0x1], $0x10, s14, s9, $0xb8;
	[tilespmem:$0xB700] =	vst v63  }
0x21: {  	s24 =	simm.s32 $0x80  }
0x22: {  	[spmem:s2] =	stream.indirect.scatter.add.f32 [tilespmem:s10], [sflag:$0x1], $0x10, s24, s9, $0xb8;
	[tilespmem:$0xB700] =	vst v63  }
0x23: {  	s25 =	simm.s32 $0x100  }
0x24: {  	[spmem:s2] =	stream.indirect.scatter.add.f32 [tilespmem:s10], [sflag:$0x1], $0x10, s25, s9, $0xb8;
	[tilespmem:$0xB700] =	vst v63  }
0x25: {  	s26 =	simm.s32 $0x180  }
0x26: {  	[spmem:s2] =	stream.indirect.scatter.add.f32 [tilespmem:s10], [sflag:$0x1], $0x10, s26, s9, $0xb8;
	[tilespmem:$0xB700] =	vst v63  }
0x27: {  	s28 =	simm.s32 $0x200  }
0x28: {  	[spmem:s2] =	stream.indirect.scatter.add.f32 [tilespmem:s10], [sflag:$0x1], $0x10, s28, s9, $0xb8;
	[tilespmem:$0xB700] =	vst v63  }
0x29: {  	s29 =	simm.s32 $0x280  }
0x2a: {  	[spmem:s2] =	stream.indirect.scatter.add.f32 [tilespmem:s10], [sflag:$0x1], $0x10, s29, s9, $0xb8;
	[tilespmem:$0xB700] =	vst v63  }
0x2b: {  	s30 =	simm.s32 $0x300  }
0x2c: {  	[spmem:s2] =	stream.indirect.scatter.add.f32 [tilespmem:s10], [sflag:$0x1], $0x10, s30, s9, $0xb8;
	[tilespmem:$0xB700] =	vst v63  }
0x2d: {  	s31 =	simm.s32 $0x380  }
0x2e: {  	[spmem:s2] =	stream.indirect.scatter.add.f32 [tilespmem:s10], [sflag:$0x1], $0x10, s31, s9, $0xb8;
	[tilespmem:$0xB700] =	vst v63  }
0x2f: {  	_ =	swait.ge [sflag:s11], $0x800  }
0x30: {  	[sflag:s11] =	ssyncset.done $0x0  }
0x31: {  	[sflag:s11] =	ssyncadd.s32 $0xFFFFF800  }
0x32: {  	_ =	swait.ge [sflag:s11], $0x800  }
0x33: {  	[sflag:s11] =	ssyncset.done $0x0  }
0x34: {  	[sflag:s11] =	ssyncadd.s32 $0xFFFFF800  }
0x35: {  	_ =	swait.ge [sflag:s11], $0x800  }
0x36: {  	[sflag:s11] =	ssyncset.done $0x0  }
0x37: {  	[sflag:s11] =	ssyncadd.s32 $0xFFFFF800  }
0x38: {  	_ =	swait.ge [sflag:s11], $0x800  }
0x39: {  	[sflag:s11] =	ssyncset.done $0x0  }
0x3a: {  	[sflag:s11] =	ssyncadd.s32 $0xFFFFF800  }
0x3b: {  	_ =	swait.ge [sflag:s11], $0x800  }
0x3c: {  	[sflag:s11] =	ssyncset.done $0x0  }
0x3d: {  	[sflag:s11] =	ssyncadd.s32 $0xFFFFF800  }
0x3e: {  	_ =	swait.ge [sflag:s11], $0x800  }
0x3f: {  	[sflag:s11] =	ssyncset.done $0x0  }
0x40: {  	[sflag:s11] =	ssyncadd.s32 $0xFFFFF800  }
0x41: {  	_ =	swait.ge [sflag:s11], $0x800  }
0x42: {  	[sflag:s11] =	ssyncset.done $0x0  }
0x43: {  	[sflag:s11] =	ssyncadd.s32 $0xFFFFF800  }
0x44: {  	_ =	swait.ge [sflag:s11], $0x800  }
0x45: {  	s16 =	simm.s32 $0x2000;
	s14 =	simm.s32 $0x1000;
	[sflag:s11] =	ssyncset.done $0x0  }
.LBB2_6:
0x46: {  	s17 =	sshra.s32 s14, $0x2  }
0x47: {  	[sflag:s11] =	ssyncadd.s32 $0xFFFFF800;
	s14 =	smov.u32 s16;
	s15 =	sadd.s32 $0x1000, s16  }
0x48: {  	[spmem:s2] =	stream.indirect.scatter.add.f32 [tilespmem:s10], [sflag:$0x1], $0x10, s17, s9, $0xb8;
	[tilespmem:$0xB700] =	vst v63  }
0x49: {  	p0 =	sne.s32 s16, $0x9000;
	s16 =	sadd.s32 $0x80, s17  }
0x4a: {  	[spmem:s2] =	stream.indirect.scatter.add.f32 [tilespmem:s10], [sflag:$0x1], $0x10, s16, s9, $0xb8;
	[tilespmem:$0xB700] =	vst v63  }
0x4b: {  	s16 =	sadd.s32 $0x100, s17  }
0x4c: {  	[spmem:s2] =	stream.indirect.scatter.add.f32 [tilespmem:s10], [sflag:$0x1], $0x10, s16, s9, $0xb8;
	[tilespmem:$0xB700] =	vst v63  }
0x4d: {  	s16 =	sadd.s32 $0x180, s17  }
0x4e: {  	[spmem:s2] =	stream.indirect.scatter.add.f32 [tilespmem:s10], [sflag:$0x1], $0x10, s16, s9, $0xb8;
	[tilespmem:$0xB700] =	vst v63  }
0x4f: {  	s16 =	sadd.s32 $0x200, s17  }
0x50: {  	[spmem:s2] =	stream.indirect.scatter.add.f32 [tilespmem:s10], [sflag:$0x1], $0x10, s16, s9, $0xb8;
	[tilespmem:$0xB700] =	vst v63  }
0x51: {  	s16 =	sadd.s32 $0x280, s17  }
0x52: {  	[spmem:s2] =	stream.indirect.scatter.add.f32 [tilespmem:s10], [sflag:$0x1], $0x10, s16, s9, $0xb8;
	[tilespmem:$0xB700] =	vst v63  }
0x53: {  	s16 =	sadd.s32 $0x300, s17  }
0x54: {  	[spmem:s2] =	stream.indirect.scatter.add.f32 [tilespmem:s10], [sflag:$0x1], $0x10, s16, s9, $0xb8;
	[tilespmem:$0xB700] =	vst v63  }
0x55: {  	s16 =	sadd.s32 $0x380, s17  }
0x56: {  	[spmem:s2] =	stream.indirect.scatter.add.f32 [tilespmem:s10], [sflag:$0x1], $0x10, s16, s9, $0xb8;
	[tilespmem:$0xB700] =	vst v63  }
0x57: {  	_ =	swait.ge [sflag:s11], $0x800  }
0x58: {  	[sflag:s11] =	ssyncset.done $0x0  }
0x59: {  	[sflag:s11] =	ssyncadd.s32 $0xFFFFF800  }
0x5a: {  	_ =	swait.ge [sflag:s11], $0x800  }
0x5b: {  	[sflag:s11] =	ssyncset.done $0x0  }
0x5c: {  	[sflag:s11] =	ssyncadd.s32 $0xFFFFF800  }
0x5d: {  	_ =	swait.ge [sflag:s11], $0x800  }
0x5e: {  	[sflag:s11] =	ssyncset.done $0x0  }
0x5f: {  	[sflag:s11] =	ssyncadd.s32 $0xFFFFF800  }
0x60: {  	_ =	swait.ge [sflag:s11], $0x800  }
0x61: {  	[sflag:s11] =	ssyncset.done $0x0  }
0x62: {  	[sflag:s11] =	ssyncadd.s32 $0xFFFFF800  }
0x63: {  	_ =	swait.ge [sflag:s11], $0x800  }
0x64: {  	[sflag:s11] =	ssyncset.done $0x0  }
0x65: {  	[sflag:s11] =	ssyncadd.s32 $0xFFFFF800  }
0x66: {  	_ =	swait.ge [sflag:s11], $0x800  }
0x67: {  	[sflag:s11] =	ssyncset.done $0x0  }
0x68: {  	[sflag:s11] =	ssyncadd.s32 $0xFFFFF800  }
.Ltmp2:
0x69: {  	_ =	swait.ge [sflag:s11], $0x800;
	(pc) =	sbr.rel @p0 .LBB2_6-.Ltmp2, $4  }
0x6a: {  	[sflag:s11] =	ssyncset.done $0x0  }
0x6b: {  	[sflag:s11] =	ssyncadd.s32 $0xFFFFF800  }
0x6c: {  	_ =	swait.ge [sflag:s11], $0x800  }
0x6d: {  	s16 =	smov.u32 s15;
	[sflag:s11] =	ssyncset.done $0x0  }
0x6e: {  	s14 =	sshra.s32 s14, $0x2;
	[sflag:s11] =	ssyncadd.s32 $0xFFFFF800  }
0x6f: {  	[spmem:s2] =	stream.indirect.scatter.add.f32 [tilespmem:s10], [sflag:$0x1], $0x10, s14, s9, $0xb8;
	[tilespmem:$0xB700] =	vst v63  }
0x70: {  	s15 =	sadd.s32 $0x80, s14  }
0x71: {  	[spmem:s2] =	stream.indirect.scatter.add.f32 [tilespmem:s10], [sflag:$0x1], $0x10, s15, s9, $0xb8;
	[tilespmem:$0xB700] =	vst v63  }
0x72: {  	s26 =	sadd.s32 $0x100, s14  }
0x73: {  	[spmem:s2] =	stream.indirect.scatter.add.f32 [tilespmem:s10], [sflag:$0x1], $0x10, s26, s9, $0xb8;
	[tilespmem:$0xB700] =	vst v63  }
0x74: {  	s28 =	sadd.s32 $0x180, s14  }
0x75: {  	[spmem:s2] =	stream.indirect.scatter.add.f32 [tilespmem:s10], [sflag:$0x1], $0x10, s28, s9, $0xb8;
	[tilespmem:$0xB700] =	vst v63  }
0x76: {  	s29 =	sadd.s32 $0x200, s14  }
0x77: {  	[spmem:s2] =	stream.indirect.scatter.add.f32 [tilespmem:s10], [sflag:$0x1], $0x10, s29, s9, $0xb8;
	[tilespmem:$0xB700] =	vst v63  }
0x78: {  	s30 =	sadd.s32 $0x280, s14  }
0x79: {  	[spmem:s2] =	stream.indirect.scatter.add.f32 [tilespmem:s10], [sflag:$0x1], $0x10, s30, s9, $0xb8;
	[tilespmem:$0xB700] =	vst v63  }
0x7a: {  	s31 =	sadd.s32 $0x300, s14  }
0x7b: {  	[spmem:s2] =	stream.indirect.scatter.add.f32 [tilespmem:s10], [sflag:$0x1], $0x10, s31, s9, $0xb8;
	[tilespmem:$0xB700] =	vst v63  }
0x7c: {  	s14 =	sadd.s32 $0x380, s14  }
0x7d: {  	[spmem:s2] =	stream.indirect.scatter.add.f32 [tilespmem:s10], [sflag:$0x1], $0x10, s14, s9, $0xb8;
	[tilespmem:$0xB700] =	vst v63  }
0x7e: {  	_ =	swait.ge [sflag:s11], $0x800  }
0x7f: {  	[sflag:s11] =	ssyncset.done $0x0  }
0x80: {  	[sflag:s11] =	ssyncadd.s32 $0xFFFFF800  }
0x81: {  	_ =	swait.ge [sflag:s11], $0x800  }
0x82: {  	[sflag:s11] =	ssyncset.done $0x0  }
0x83: {  	[sflag:s11] =	ssyncadd.s32 $0xFFFFF800  }
0x84: {  	_ =	swait.ge [sflag:s11], $0x800  }
0x85: {  	[sflag:s11] =	ssyncset.done $0x0  }
0x86: {  	[sflag:s11] =	ssyncadd.s32 $0xFFFFF800  }
0x87: {  	_ =	swait.ge [sflag:s11], $0x800  }
0x88: {  	[sflag:s11] =	ssyncset.done $0x0  }
0x89: {  	[sflag:s11] =	ssyncadd.s32 $0xFFFFF800  }
0x8a: {  	_ =	swait.ge [sflag:s11], $0x800  }
0x8b: {  	[sflag:s11] =	ssyncset.done $0x0  }
0x8c: {  	[sflag:s11] =	ssyncadd.s32 $0xFFFFF800  }
0x8d: {  	_ =	swait.ge [sflag:s11], $0x800  }
0x8e: {  	[sflag:s11] =	ssyncset.done $0x0  }
0x8f: {  	[sflag:s11] =	ssyncadd.s32 $0xFFFFF800  }
0x90: {  	_ =	swait.ge [sflag:s11], $0x800  }
0x91: {  	[sflag:s11] =	ssyncset.done $0x0  }
0x92: {  	[sflag:s11] =	ssyncadd.s32 $0xFFFFF800  }
0x93: {  	_ =	swait.ge [sflag:s11], $0x800  }
0x94: {  	[sflag:s11] =	ssyncset.done $0x0  }
0x95: {  	[sflag:s11] =	ssyncadd.s32 $0xFFFFF800  }
0x96: {  	[bflag:$0x0] =	sbarrier.arrive $0xFFFF  }
0x97: {  	[tilespmem:s7], [sflag:$0x2] =	stream.linear.gather [spmem:s4], $0x2780, $0x38;
	[tilespmem:$0xB700] =	vst v63  }
0x98: {  	s13 =	sadd.s32 $0x1, s13;
	_ =	swait.ge [sflag:s8], $0x2780  }
0x99: {  	p0 =	sne.s32 s13, s6;
	[sflag:s8] =	ssyncset.done $0x0  }
.Ltmp3:
0x9a: {  	[sflag:s8] =	ssyncadd.s32 $0xFFFFD880;
	(pc) =	sbr.rel @p0 .LBB2_1-.Ltmp3, $4  }
0x9b: {  	[hbm4b:s12+s3] =	stream.linear.scatter [tilespmem:s7], [sflag:$0x2], $0x2780, $0x38;
	[tilespmem:$0xB700] =	vst v63  }
0x9c: {  	_ =	swait.ge [sflag:s8], $0x2780  }
0x9d: {  	[sflag:s8] =	ssyncset.done $0x0  }
0x9e: {  	[sflag:s8] =	ssyncadd.s32 $0xFFFFD880  }
0x9f: {  	_ =	sfence.sel $0x180000  }
0xa0: {  	[bflag:$0x0] =	sbarrier.arrive $0xFFFF  }
0xa1: {  	p0 =	sne.s32 s0, $0x0;
	_ =	strace $0x90000047  }
0xa2: {  	s0 =	sadd.s32 @!p0 $0x100000, s1;
	[bflag:$0x2] =	sbarrier.arrive $0xFFFF  }
0xa3: {  	[sflag:s0] =	ssyncadd.tile.s32 @!p0 $0x1;
	_ =	shalt  }
.Lfunc_end2:
_tile_overlayer_lowered:
.L_overlay_start_2:
0xa4: {  	(tag) =	ssettag $0x2  }
0xa5: {  	s0 =	rddreg [dreg:$0x0];
	s2 =	stileid.u32  }
0xa6: {  	s1 =	rddreg [dreg:$0x1];
	p0 =	sne.s32 s2, $0x0  }
0xa7: {  	s3 =	rddreg [dreg:$0x2];
	[bflag:$0x3] =	sbarrier.arrive $0xFFFF;
	s2 =	simm.s32 @!p0 $0x1C02  }
0xa8: {  	[timem:s3], [sflag:s2] =	dma.local @!p0 [hbm:s0], s1  }
0xa9: {  	s0 =	simm.s32 @!p0 $0x2  }
0xaa: {  	_ =	swait.ge @!p0 [sflag:s0], s1  }
0xab: {  	s1 =	ssub.s32 @!p0 $0x0, s1;
	[sflag:s0] =	ssyncset.done @!p0 $0x0  }
0xac: {  	[sflag:s0] =	ssyncadd.s32 @!p0 s1  }
0xad: {  	[bflag:$0x3] =	sbarrier.arrive $0xFFFF  }
0xae: {  	_ =	shalt  }

</sc_bundles>
